<compile_context>
chip_gen: v7x
topology: tpu7x:2x2x1
jax: 0.10.2.dev20260603
libtpu: 0.0.44.dev20260713+nightly
codegen_flags: <defaults>
</compile_context>

<pallas_src>
import jax
import jax.numpy as jnp
from jax import lax
from jax.experimental import pallas as pl
from jax.experimental.pallas import tpu as pltpu
from jax.experimental.pallas import tpu_sc as plsc

B = 16384
H = 200
NUSERS = 1000000
D = 64
NC = 2
NS = 16
NW = NC * NS
BPW = B // NW
LANES = 16
HCH = 128
NSLOT = 4


def _extract_scalar(vec, lane, l):
    return jnp.max(jnp.where(lane == l, vec, 0))


def _body(hist_hbm, seqlen_hbm, uid_hbm, ut_hbm, it_hbm, gemb_hbm,
          out_hbm,
          seq_v, uid_v, lastid_v, hist_v, gemb_v, out_v,
          *bufsems):
    ubufs = bufsems[:NSLOT]
    ibufs = bufsems[NSLOT:2 * NSLOT]
    usems = bufsems[2 * NSLOT:3 * NSLOT]
    isems = bufsems[3 * NSLOT:4 * NSLOT]

    wid = lax.axis_index("s") * NC + lax.axis_index("c")
    base = wid * BPW
    lane = lax.iota(jnp.int32, LANES)

    pltpu.sync_copy(seqlen_hbm.at[pl.ds(base, BPW)], seq_v)
    pltpu.sync_copy(uid_hbm.at[pl.ds(base, BPW)], uid_v)
    pltpu.sync_copy(gemb_hbm, gemb_v)
    gvec = [gemb_v[pl.ds(k * LANES, LANES)] for k in range(D // LANES)]

    for blk in range(BPW // HCH):
        pltpu.sync_copy(hist_hbm.at[:, pl.ds(base + blk * HCH, HCH)], hist_v)
        for grp in range(HCH // LANES):
            off = blk * HCH + grp * LANES
            rows = seq_v[pl.ds(off, LANES)] - 1
            cols = grp * LANES + lane
            lastid_v[pl.ds(off, LANES)] = plsc.load_gather(
                hist_v, [rows, cols])

    def _fetch(r, s):
        g16 = lax.shift_right_logical(r, 4)
        voff = pl.multiple_of(g16 * LANES, LANES)
        l = r - g16 * LANES
        ru = _extract_scalar(uid_v[pl.ds(voff, LANES)], lane, l)
        ri = _extract_scalar(lastid_v[pl.ds(voff, LANES)], lane, l)
        ju = pl.multiple_of(lax.shift_right_logical(ru, 7) * 128, 128)
        ji = pl.multiple_of(lax.shift_right_logical(ri, 7) * 128, 128)
        pltpu.async_copy(ut_hbm.at[:, pl.ds(ju, 128)], ubufs[s], usems[s])
        pltpu.async_copy(it_hbm.at[:, pl.ds(ji, 128)], ibufs[s], isems[s])
        return ru, ri

    def _consume(r, hbase, s, ru, ri):
        cu = jnp.broadcast_to(ru & 127, (LANES,))
        ci = jnp.broadcast_to(ri & 127, (LANES,))
        pltpu.make_async_copy(
            ut_hbm.at[:, pl.ds(0, 128)], ubufs[s], usems[s]).wait()
        pltpu.make_async_copy(
            it_hbm.at[:, pl.ds(0, 128)], ibufs[s], isems[s]).wait()
        for k in range(D // LANES):
            dvec = k * LANES + lane
            uval = plsc.load_gather(ubufs[s], [dvec, cu])
            ival = plsc.load_gather(ibufs[s], [dvec, ci])
            out_v[r - hbase, pl.ds(k * LANES, LANES)] = uval + ival + gvec[k]

    HB = BPW // 2
    for half in range(2):
        hbase = half * HB
        carry0 = []
        for s in range(NSLOT):
            carry0.extend(_fetch(jnp.int32(hbase + s), s))

        def step(it, carry, hbase=hbase):
            rbase = hbase + NSLOT * it
            out = []
            for s in range(NSLOT):
                _consume(rbase + s, hbase, s, carry[2 * s], carry[2 * s + 1])
                nxt = hbase + lax.rem(rbase + s + NSLOT - hbase, HB)
                out.extend(_fetch(nxt, s))
            return tuple(out)

        lax.fori_loop(0, HB // NSLOT, step, tuple(carry0))

        for s in range(NSLOT):
            pltpu.make_async_copy(
                ut_hbm.at[:, pl.ds(0, 128)], ubufs[s], usems[s]).wait()
            pltpu.make_async_copy(
                it_hbm.at[:, pl.ds(0, 128)], ibufs[s], isems[s]).wait()

        pltpu.sync_copy(out_v, out_hbm.at[pl.ds(base + hbase, HB)])


@jax.jit
def kernel(in_item_id, seqlen, user_id, user_table, item_table,
           global_user_emb):
    ut = user_table.T
    it = item_table.T
    hist = in_item_id.T
    run = pl.kernel(
        _body,
        out_type=jax.ShapeDtypeStruct((B, D), jnp.float32),
        mesh=plsc.VectorSubcoreMesh(core_axis_name="c", subcore_axis_name="s"),
        compiler_params=pltpu.CompilerParams(
            use_tc_tiling_on_sc=True, disable_bounds_checks=True,
            needs_layout_passes=False),
        scratch_types=[
            pltpu.VMEM((BPW,), jnp.int32),
            pltpu.VMEM((BPW,), jnp.int32),
            pltpu.VMEM((BPW,), jnp.int32),
            pltpu.VMEM((H, HCH), jnp.int32),
            pltpu.VMEM((D,), jnp.float32),
            pltpu.VMEM((BPW // 2, D), jnp.float32),
        ] + [pltpu.VMEM((D, 128), jnp.float32)] * (2 * NSLOT)
          + [pltpu.SemaphoreType.DMA] * (2 * NSLOT),
    )
    return run(hist, seqlen, user_id, ut, it, global_user_emb)

# --- scband reference (transcript-rebuilt; emitter-appended) ---
"""Pipeline reference for scband-trans-rec-query-encoder-36163624632675 (READ-ONLY COPY).

The authoritative reference and input builder live on the scoring server;
editing this copy changes nothing except your own understanding.
"""

import jax, jax.numpy as jnp
import numpy as np

B = 16384
H = 200
NUM_USERS = 1000000
NUM_ITEMS = 1000000
D = 64


def setup_inputs(seed: int = 0) -> dict:
    key = jax.random.key(seed)
    k1, k2, k3, k4, k5 = jax.random.split(key, 5)
    in_item_id = jax.random.randint(k1, (B, H), 0, NUM_ITEMS, dtype=jnp.int32)
    # seqlen must be >= 1 so that seqlen-1 is a valid gather index into hist
    seqlen = jax.random.randint(k2, (B,), 1, H, dtype=jnp.int32)
    user_id = jax.random.randint(k3, (B,), 0, NUM_USERS, dtype=jnp.int32)
    # learned parameters
    user_table = jax.random.normal(k4, (NUM_USERS, D), dtype=jnp.float32) * 0.02
    user_table = user_table.at[0].set(0.0)  # padding_idx=0
    item_table = jax.random.normal(k5, (NUM_ITEMS, D), dtype=jnp.float32) * 0.02
    global_user_emb = jnp.zeros((D,), dtype=jnp.float32)
    return {
        "in_item_id": in_item_id,
        "seqlen": seqlen,
        "user_id": user_id,
        "user_table": user_table,
        "item_table": item_table,
        "global_user_emb": global_user_emb,
    }


def reference(in_item_id, seqlen, user_id, user_table, item_table, global_user_emb):
    # user_hist = batch['in_item_id']; seq_len = batch['seqlen'] - 1
    seq_len = seqlen - 1
    # local_user_emb = self.user_embedding(batch['user_id'])
    local_user_emb = jnp.take(user_table, user_id, axis=0)  # [B, D]
    # user_emb = local + global.expand_as(local)
    user_emb = local_user_emb + global_user_emb[None, :]
    # last_item_id = gather(user_hist, dim=-1, index=seq_len.unsqueeze(1))
    last_item_id = jnp.take_along_axis(in_item_id, seq_len[:, None], axis=-1)  # [B, 1]
    # last_item_emb = self.item_encoder(last_item_id).squeeze(1)
    last_item_emb = jnp.take(item_table, last_item_id, axis=0)[:, 0, :]  # [B, D]
    query = user_emb + last_item_emb
    return query

if __name__ == "__main__":
    import jax
    _d = setup_inputs()
    print(jax.jit(kernel)(*tuple(_d.values())))

</pallas_src>

<mosaic_0001>
#map = affine_map<(d0, d1) -> (0, 0)>
#map1 = affine_map<(d0, d1) -> (0)>
module attributes {stable_mosaic.version = 14 : i64} {
  func.func @_body(%arg0: i32, %arg1: i32, %arg2: memref<200x16384xi32, #tpu.memory_space<hbm>>, %arg3: memref<16384xi32, #tpu.memory_space<hbm>>, %arg4: memref<16384xi32, #tpu.memory_space<hbm>>, %arg5: memref<64x1000000xf32, #tpu.memory_space<hbm>>, %arg6: memref<64x1000000xf32, #tpu.memory_space<hbm>>, %arg7: memref<64xf32, #tpu.memory_space<hbm>>, %arg8: memref<16384x64xf32, #tpu.memory_space<hbm>>, %arg9: memref<512xi32, #tpu.memory_space<vmem>>, %arg10: memref<512xi32, #tpu.memory_space<vmem>>, %arg11: memref<512xi32, #tpu.memory_space<vmem>>, %arg12: memref<200x128xi32, #tpu.memory_space<vmem>>, %arg13: memref<64xf32, #tpu.memory_space<vmem>>, %arg14: memref<256x64xf32, #tpu.memory_space<vmem>>, %arg15: memref<64x128xf32, #tpu.memory_space<vmem>>, %arg16: memref<64x128xf32, #tpu.memory_space<vmem>>, %arg17: memref<64x128xf32, #tpu.memory_space<vmem>>, %arg18: memref<64x128xf32, #tpu.memory_space<vmem>>, %arg19: memref<64x128xf32, #tpu.memory_space<vmem>>, %arg20: memref<64x128xf32, #tpu.memory_space<vmem>>, %arg21: memref<64x128xf32, #tpu.memory_space<vmem>>, %arg22: memref<64x128xf32, #tpu.memory_space<vmem>>, %arg23: memref<!tpu.dma_semaphore, #tpu.memory_space<semaphore_mem>>, %arg24: memref<!tpu.dma_semaphore, #tpu.memory_space<semaphore_mem>>, %arg25: memref<!tpu.dma_semaphore, #tpu.memory_space<semaphore_mem>>, %arg26: memref<!tpu.dma_semaphore, #tpu.memory_space<semaphore_mem>>, %arg27: memref<!tpu.dma_semaphore, #tpu.memory_space<semaphore_mem>>, %arg28: memref<!tpu.dma_semaphore, #tpu.memory_space<semaphore_mem>>, %arg29: memref<!tpu.dma_semaphore, #tpu.memory_space<semaphore_mem>>, %arg30: memref<!tpu.dma_semaphore, #tpu.memory_space<semaphore_mem>>) attributes {dimension_semantics = [#tpu.dimension_semantics<core_parallel>, #tpu.dimension_semantics<subcore_parallel>], iteration_bounds = array<i64: 2, 16>, scalar_prefetch = 0 : i64, scratch_operands = 22 : i64, tpu.core_type = #tpu.core_type<sc_vector_subcore>, window_params = [{transform_indices = #map}, {transform_indices = #map1}, {transform_indices = #map1}, {transform_indices = #map}, {transform_indices = #map}, {transform_indices = #map1}, {transform_indices = #map}]} {
    %mul3A = arith.constant 2 : i32
    %mul3A_0 = arith.muli %arg1, %mul3A : i32
    %add3A = arith.addi %mul3A_0, %arg0 : i32
    %mul3A_1 = arith.constant 512 : i32
    %mul3A_2 = arith.muli %add3A, %mul3A_1 : i32
    %iota3A = tpu.iota {dimensions = array<i32: 0>} : vector<16xi32>
    "tpu.region"() ({
      %run_scoped3A = tpu.sem_alloc : memref<!tpu.dma_semaphore, #tpu.memory_space<semaphore_mem>>
      %dma_start3A_933 = tpu.memref_slice %arg3[%mul3A_2] : memref<16384xi32, #tpu.memory_space<hbm>> -> memref<512xi32, #tpu.memory_space<hbm>>
      %dma_start3A_934 = tpu.memref_slice %arg3[%mul3A_2] : memref<16384xi32, #tpu.memory_space<hbm>> -> memref<512xi32, #tpu.memory_space<hbm>>
      tpu.enqueue_dma source(%dma_start3A_934 : memref<512xi32, #tpu.memory_space<hbm>>) target(%arg9 : memref<512xi32, #tpu.memory_space<vmem>>) target_semaphore(%run_scoped3A : memref<!tpu.dma_semaphore, #tpu.memory_space<semaphore_mem>>)
      %dma_wait3A_935 = tpu.memref_slice %arg3[%mul3A_2] : memref<16384xi32, #tpu.memory_space<hbm>> -> memref<512xi32, #tpu.memory_space<hbm>>
      %dma_wait3A_936 = tpu.memref_slice %arg3[%mul3A_2] : memref<16384xi32, #tpu.memory_space<hbm>> -> memref<512xi32, #tpu.memory_space<hbm>>
      tpu.wait_dma2 semaphore(%run_scoped3A : memref<!tpu.dma_semaphore, #tpu.memory_space<semaphore_mem>>) src(%dma_wait3A_936 : memref<512xi32, #tpu.memory_space<hbm>>) dst(%arg9 : memref<512xi32, #tpu.memory_space<vmem>>)
      tpu.yield
    }) : () -> ()
    "tpu.region"() ({
      %run_scoped3A = tpu.sem_alloc : memref<!tpu.dma_semaphore, #tpu.memory_space<semaphore_mem>>
      %dma_start3A_933 = tpu.memref_slice %arg4[%mul3A_2] : memref<16384xi32, #tpu.memory_space<hbm>> -> memref<512xi32, #tpu.memory_space<hbm>>
      %dma_start3A_934 = tpu.memref_slice %arg4[%mul3A_2] : memref<16384xi32, #tpu.memory_space<hbm>> -> memref<512xi32, #tpu.memory_space<hbm>>
      tpu.enqueue_dma source(%dma_start3A_934 : memref<512xi32, #tpu.memory_space<hbm>>) target(%arg10 : memref<512xi32, #tpu.memory_space<vmem>>) target_semaphore(%run_scoped3A : memref<!tpu.dma_semaphore, #tpu.memory_space<semaphore_mem>>)
      %dma_wait3A_935 = tpu.memref_slice %arg4[%mul3A_2] : memref<16384xi32, #tpu.memory_space<hbm>> -> memref<512xi32, #tpu.memory_space<hbm>>
      %dma_wait3A_936 = tpu.memref_slice %arg4[%mul3A_2] : memref<16384xi32, #tpu.memory_space<hbm>> -> memref<512xi32, #tpu.memory_space<hbm>>
      tpu.wait_dma2 semaphore(%run_scoped3A : memref<!tpu.dma_semaphore, #tpu.memory_space<semaphore_mem>>) src(%dma_wait3A_936 : memref<512xi32, #tpu.memory_space<hbm>>) dst(%arg10 : memref<512xi32, #tpu.memory_space<vmem>>)
      tpu.yield
    }) : () -> ()
    "tpu.region"() ({
      %run_scoped3A = tpu.sem_alloc : memref<!tpu.dma_semaphore, #tpu.memory_space<semaphore_mem>>
      tpu.enqueue_dma source(%arg7 : memref<64xf32, #tpu.memory_space<hbm>>) target(%arg13 : memref<64xf32, #tpu.memory_space<vmem>>) target_semaphore(%run_scoped3A : memref<!tpu.dma_semaphore, #tpu.memory_space<semaphore_mem>>)
      tpu.wait_dma2 semaphore(%run_scoped3A : memref<!tpu.dma_semaphore, #tpu.memory_space<semaphore_mem>>) src(%arg7 : memref<64xf32, #tpu.memory_space<hbm>>) dst(%arg13 : memref<64xf32, #tpu.memory_space<vmem>>)
      tpu.yield
    }) : () -> ()
    %get3A = arith.constant 0 : index
    %get3A_3 = tpu.vector_load %arg13[%get3A] {strides = array<i32>} : memref<64xf32, #tpu.memory_space<vmem>>, vector<16xf32>,
    %get3A_4 = arith.constant 16 : index
    %get3A_5 = tpu.vector_load %arg13[%get3A_4] {strides = array<i32>} : memref<64xf32, #tpu.memory_space<vmem>>, vector<16xf32>,
    %get3A_6 = arith.constant 32 : index
    %get3A_7 = tpu.vector_load %arg13[%get3A_6] {strides = array<i32>} : memref<64xf32, #tpu.memory_space<vmem>>, vector<16xf32>,
    %get3A_8 = arith.constant 48 : index
    %get3A_9 = tpu.vector_load %arg13[%get3A_8] {strides = array<i32>} : memref<64xf32, #tpu.memory_space<vmem>>, vector<16xf32>,
    %add3A_10 = arith.constant 0 : i32
    %add3A_11 = arith.addi %mul3A_2, %add3A_10 : i32
    "tpu.region"() ({
      %run_scoped3A = tpu.sem_alloc : memref<!tpu.dma_semaphore, #tpu.memory_space<semaphore_mem>>
      %dma_start3A_933 = arith.constant 0 : i32
      %dma_start3A_934 = tpu.memref_slice %arg2[%dma_start3A_933, %add3A_11] : memref<200x16384xi32, #tpu.memory_space<hbm>> -> memref<200x128xi32, #tpu.memory_space<hbm>>
      %dma_start3A_935 = arith.constant 0 : i32
      %dma_start3A_936 = tpu.memref_slice %arg2[%dma_start3A_935, %add3A_11] : memref<200x16384xi32, #tpu.memory_space<hbm>> -> memref<200x128xi32, #tpu.memory_space<hbm>>
      tpu.enqueue_dma source(%dma_start3A_936 : memref<200x128xi32, #tpu.memory_space<hbm>>) target(%arg12 : memref<200x128xi32, #tpu.memory_space<vmem>>) target_semaphore(%run_scoped3A : memref<!tpu.dma_semaphore, #tpu.memory_space<semaphore_mem>>)
      %dma_wait3A_937 = arith.constant 0 : i32
      %dma_wait3A_938 = tpu.memref_slice %arg2[%dma_wait3A_937, %add3A_11] : memref<200x16384xi32, #tpu.memory_space<hbm>> -> memref<200x128xi32, #tpu.memory_space<hbm>>
      %dma_wait3A_939 = arith.constant 0 : i32
      %dma_wait3A_940 = tpu.memref_slice %arg2[%dma_wait3A_939, %add3A_11] : memref<200x16384xi32, #tpu.memory_space<hbm>> -> memref<200x128xi32, #tpu.memory_space<hbm>>
      tpu.wait_dma2 semaphore(%run_scoped3A : memref<!tpu.dma_semaphore, #tpu.memory_space<semaphore_mem>>) src(%dma_wait3A_940 : memref<200x128xi32, #tpu.memory_space<hbm>>) dst(%arg12 : memref<200x128xi32, #tpu.memory_space<vmem>>)
      tpu.yield
    }) : () -> ()
    %get3A_12 = arith.constant 0 : index
    %get3A_13 = tpu.vector_load %arg9[%get3A_12] {strides = array<i32>} : memref<512xi32, #tpu.memory_space<vmem>>, vector<16xi32>,
    %sub3A = arith.constant 1 : i32
    %sub3A_14 = vector.broadcast %sub3A : i32 to vector<16xi32>
    %sub3A_15 = arith.subi %get3A_13, %sub3A_14 : vector<16xi32>
    %add3A_16 = arith.constant 0 : i32
    %add3A_17 = vector.broadcast %add3A_16 : i32 to vector<16xi32>
    %add3A_18 = arith.addi %add3A_17, %iota3A : vector<16xi32>
    %gather3A = tpu.vector_load_idx %arg12[%sub3A_15, %add3A_18] : memref<200x128xi32, #tpu.memory_space<vmem>>[vector<16xi32>, vector<16xi32>], vector<16xi32>,
    %swap3A = arith.constant 0 : index
    %swap3A_19 = tpu.vector_load %arg11[%swap3A] {strides = array<i32>} : memref<512xi32, #tpu.memory_space<vmem>>, vector<16xi32>,
    tpu.vector_store %arg11[%swap3A], %gather3A {strides = array<i32>} : memref<512xi32, #tpu.memory_space<vmem>>, vector<16xi32>,
    %get3A_20 = arith.constant 16 : index
    %get3A_21 = tpu.vector_load %arg9[%get3A_20] {strides = array<i32>} : memref<512xi32, #tpu.memory_space<vmem>>, vector<16xi32>,
    %sub3A_22 = arith.constant 1 : i32
    %sub3A_23 = vector.broadcast %sub3A_22 : i32 to vector<16xi32>
    %sub3A_24 = arith.subi %get3A_21, %sub3A_23 : vector<16xi32>
    %add3A_25 = arith.constant 16 : i32
    %add3A_26 = vector.broadcast %add3A_25 : i32 to vector<16xi32>
    %add3A_27 = arith.addi %add3A_26, %iota3A : vector<16xi32>
    %gather3A_28 = tpu.vector_load_idx %arg12[%sub3A_24, %add3A_27] : memref<200x128xi32, #tpu.memory_space<vmem>>[vector<16xi32>, vector<16xi32>], vector<16xi32>,
    %swap3A_29 = arith.constant 16 : index
    %swap3A_30 = tpu.vector_load %arg11[%swap3A_29] {strides = array<i32>} : memref<512xi32, #tpu.memory_space<vmem>>, vector<16xi32>,
    tpu.vector_store %arg11[%swap3A_29], %gather3A_28 {strides = array<i32>} : memref<512xi32, #tpu.memory_space<vmem>>, vector<16xi32>,
    %get3A_31 = arith.constant 32 : index
    %get3A_32 = tpu.vector_load %arg9[%get3A_31] {strides = array<i32>} : memref<512xi32, #tpu.memory_space<vmem>>, vector<16xi32>,
    %sub3A_33 = arith.constant 1 : i32
    %sub3A_34 = vector.broadcast %sub3A_33 : i32 to vector<16xi32>
    %sub3A_35 = arith.subi %get3A_32, %sub3A_34 : vector<16xi32>
    %add3A_36 = arith.constant 32 : i32
    %add3A_37 = vector.broadcast %add3A_36 : i32 to vector<16xi32>
    %add3A_38 = arith.addi %add3A_37, %iota3A : vector<16xi32>
    %gather3A_39 = tpu.vector_load_idx %arg12[%sub3A_35, %add3A_38] : memref<200x128xi32, #tpu.memory_space<vmem>>[vector<16xi32>, vector<16xi32>], vector<16xi32>,
    %swap3A_40 = arith.constant 32 : index
    %swap3A_41 = tpu.vector_load %arg11[%swap3A_40] {strides = array<i32>} : memref<512xi32, #tpu.memory_space<vmem>>, vector<16xi32>,
    tpu.vector_store %arg11[%swap3A_40], %gather3A_39 {strides = array<i32>} : memref<512xi32, #tpu.memory_space<vmem>>, vector<16xi32>,
    %get3A_42 = arith.constant 48 : index
    %get3A_43 = tpu.vector_load %arg9[%get3A_42] {strides = array<i32>} : memref<512xi32, #tpu.memory_space<vmem>>, vector<16xi32>,
    %sub3A_44 = arith.constant 1 : i32
    %sub3A_45 = vector.broadcast %sub3A_44 : i32 to vector<16xi32>
    %sub3A_46 = arith.subi %get3A_43, %sub3A_45 : vector<16xi32>
    %add3A_47 = arith.constant 48 : i32
    %add3A_48 = vector.broadcast %add3A_47 : i32 to vector<16xi32>
    %add3A_49 = arith.addi %add3A_48, %iota3A : vector<16xi32>
    %gather3A_50 = tpu.vector_load_idx %arg12[%sub3A_46, %add3A_49] : memref<200x128xi32, #tpu.memory_space<vmem>>[vector<16xi32>, vector<16xi32>], vector<16xi32>,
    %swap3A_51 = arith.constant 48 : index
    %swap3A_52 = tpu.vector_load %arg11[%swap3A_51] {strides = array<i32>} : memref<512xi32, #tpu.memory_space<vmem>>, vector<16xi32>,
    tpu.vector_store %arg11[%swap3A_51], %gather3A_50 {strides = array<i32>} : memref<512xi32, #tpu.memory_space<vmem>>, vector<16xi32>,
    %get3A_53 = arith.constant 64 : index
    %get3A_54 = tpu.vector_load %arg9[%get3A_53] {strides = array<i32>} : memref<512xi32, #tpu.memory_space<vmem>>, vector<16xi32>,
    %sub3A_55 = arith.constant 1 : i32
    %sub3A_56 = vector.broadcast %sub3A_55 : i32 to vector<16xi32>
    %sub3A_57 = arith.subi %get3A_54, %sub3A_56 : vector<16xi32>
    %add3A_58 = arith.constant 64 : i32
    %add3A_59 = vector.broadcast %add3A_58 : i32 to vector<16xi32>
    %add3A_60 = arith.addi %add3A_59, %iota3A : vector<16xi32>
    %gather3A_61 = tpu.vector_load_idx %arg12[%sub3A_57, %add3A_60] : memref<200x128xi32, #tpu.memory_space<vmem>>[vector<16xi32>, vector<16xi32>], vector<16xi32>,
    %swap3A_62 = arith.constant 64 : index
    %swap3A_63 = tpu.vector_load %arg11[%swap3A_62] {strides = array<i32>} : memref<512xi32, #tpu.memory_space<vmem>>, vector<16xi32>,
    tpu.vector_store %arg11[%swap3A_62], %gather3A_61 {strides = array<i32>} : memref<512xi32, #tpu.memory_space<vmem>>, vector<16xi32>,
    %get3A_64 = arith.constant 80 : index
    %get3A_65 = tpu.vector_load %arg9[%get3A_64] {strides = array<i32>} : memref<512xi32, #tpu.memory_space<vmem>>, vector<16xi32>,
    %sub3A_66 = arith.constant 1 : i32
    %sub3A_67 = vector.broadcast %sub3A_66 : i32 to vector<16xi32>
    %sub3A_68 = arith.subi %get3A_65, %sub3A_67 : vector<16xi32>
    %add3A_69 = arith.constant 80 : i32
    %add3A_70 = vector.broadcast %add3A_69 : i32 to vector<16xi32>
    %add3A_71 = arith.addi %add3A_70, %iota3A : vector<16xi32>
    %gather3A_72 = tpu.vector_load_idx %arg12[%sub3A_68, %add3A_71] : memref<200x128xi32, #tpu.memory_space<vmem>>[vector<16xi32>, vector<16xi32>], vector<16xi32>,
    %swap3A_73 = arith.constant 80 : index
    %swap3A_74 = tpu.vector_load %arg11[%swap3A_73] {strides = array<i32>} : memref<512xi32, #tpu.memory_space<vmem>>, vector<16xi32>,
    tpu.vector_store %arg11[%swap3A_73], %gather3A_72 {strides = array<i32>} : memref<512xi32, #tpu.memory_space<vmem>>, vector<16xi32>,
    %get3A_75 = arith.constant 96 : index
    %get3A_76 = tpu.vector_load %arg9[%get3A_75] {strides = array<i32>} : memref<512xi32, #tpu.memory_space<vmem>>, vector<16xi32>,
    %sub3A_77 = arith.constant 1 : i32
    %sub3A_78 = vector.broadcast %sub3A_77 : i32 to vector<16xi32>
    %sub3A_79 = arith.subi %get3A_76, %sub3A_78 : vector<16xi32>
    %add3A_80 = arith.constant 96 : i32
    %add3A_81 = vector.broadcast %add3A_80 : i32 to vector<16xi32>
    %add3A_82 = arith.addi %add3A_81, %iota3A : vector<16xi32>
    %gather3A_83 = tpu.vector_load_idx %arg12[%sub3A_79, %add3A_82] : memref<200x128xi32, #tpu.memory_space<vmem>>[vector<16xi32>, vector<16xi32>], vector<16xi32>,
    %swap3A_84 = arith.constant 96 : index
    %swap3A_85 = tpu.vector_load %arg11[%swap3A_84] {strides = array<i32>} : memref<512xi32, #tpu.memory_space<vmem>>, vector<16xi32>,
    tpu.vector_store %arg11[%swap3A_84], %gather3A_83 {strides = array<i32>} : memref<512xi32, #tpu.memory_space<vmem>>, vector<16xi32>,
    %get3A_86 = arith.constant 112 : index
    %get3A_87 = tpu.vector_load %arg9[%get3A_86] {strides = array<i32>} : memref<512xi32, #tpu.memory_space<vmem>>, vector<16xi32>,
    %sub3A_88 = arith.constant 1 : i32
    %sub3A_89 = vector.broadcast %sub3A_88 : i32 to vector<16xi32>
    %sub3A_90 = arith.subi %get3A_87, %sub3A_89 : vector<16xi32>
    %add3A_91 = arith.constant 112 : i32
    %add3A_92 = vector.broadcast %add3A_91 : i32 to vector<16xi32>
    %add3A_93 = arith.addi %add3A_92, %iota3A : vector<16xi32>
    %gather3A_94 = tpu.vector_load_idx %arg12[%sub3A_90, %add3A_93] : memref<200x128xi32, #tpu.memory_space<vmem>>[vector<16xi32>, vector<16xi32>], vector<16xi32>,
    %swap3A_95 = arith.constant 112 : index
    %swap3A_96 = tpu.vector_load %arg11[%swap3A_95] {strides = array<i32>} : memref<512xi32, #tpu.memory_space<vmem>>, vector<16xi32>,
    tpu.vector_store %arg11[%swap3A_95], %gather3A_94 {strides = array<i32>} : memref<512xi32, #tpu.memory_space<vmem>>, vector<16xi32>,
    %add3A_97 = arith.constant 128 : i32
    %add3A_98 = arith.addi %mul3A_2, %add3A_97 : i32
    "tpu.region"() ({
      %run_scoped3A = tpu.sem_alloc : memref<!tpu.dma_semaphore, #tpu.memory_space<semaphore_mem>>
      %dma_start3A_933 = arith.constant 0 : i32
      %dma_start3A_934 = tpu.memref_slice %arg2[%dma_start3A_933, %add3A_98] : memref<200x16384xi32, #tpu.memory_space<hbm>> -> memref<200x128xi32, #tpu.memory_space<hbm>>
      %dma_start3A_935 = arith.constant 0 : i32
      %dma_start3A_936 = tpu.memref_slice %arg2[%dma_start3A_935, %add3A_98] : memref<200x16384xi32, #tpu.memory_space<hbm>> -> memref<200x128xi32, #tpu.memory_space<hbm>>
      tpu.enqueue_dma source(%dma_start3A_936 : memref<200x128xi32, #tpu.memory_space<hbm>>) target(%arg12 : memref<200x128xi32, #tpu.memory_space<vmem>>) target_semaphore(%run_scoped3A : memref<!tpu.dma_semaphore, #tpu.memory_space<semaphore_mem>>)
      %dma_wait3A_937 = arith.constant 0 : i32
      %dma_wait3A_938 = tpu.memref_slice %arg2[%dma_wait3A_937, %add3A_98] : memref<200x16384xi32, #tpu.memory_space<hbm>> -> memref<200x128xi32, #tpu.memory_space<hbm>>
      %dma_wait3A_939 = arith.constant 0 : i32
      %dma_wait3A_940 = tpu.memref_slice %arg2[%dma_wait3A_939, %add3A_98] : memref<200x16384xi32, #tpu.memory_space<hbm>> -> memref<200x128xi32, #tpu.memory_space<hbm>>
      tpu.wait_dma2 semaphore(%run_scoped3A : memref<!tpu.dma_semaphore, #tpu.memory_space<semaphore_mem>>) src(%dma_wait3A_940 : memref<200x128xi32, #tpu.memory_space<hbm>>) dst(%arg12 : memref<200x128xi32, #tpu.memory_space<vmem>>)
      tpu.yield
    }) : () -> ()
    %get3A_99 = arith.constant 128 : index
    %get3A_100 = tpu.vector_load %arg9[%get3A_99] {strides = array<i32>} : memref<512xi32, #tpu.memory_space<vmem>>, vector<16xi32>,
    %sub3A_101 = arith.constant 1 : i32
    %sub3A_102 = vector.broadcast %sub3A_101 : i32 to vector<16xi32>
    %sub3A_103 = arith.subi %get3A_100, %sub3A_102 : vector<16xi32>
    %add3A_104 = arith.constant 0 : i32
    %add3A_105 = vector.broadcast %add3A_104 : i32 to vector<16xi32>
    %add3A_106 = arith.addi %add3A_105, %iota3A : vector<16xi32>
    %gather3A_107 = tpu.vector_load_idx %arg12[%sub3A_103, %add3A_106] : memref<200x128xi32, #tpu.memory_space<vmem>>[vector<16xi32>, vector<16xi32>], vector<16xi32>,
    %swap3A_108 = arith.constant 128 : index
    %swap3A_109 = tpu.vector_load %arg11[%swap3A_108] {strides = array<i32>} : memref<512xi32, #tpu.memory_space<vmem>>, vector<16xi32>,
    tpu.vector_store %arg11[%swap3A_108], %gather3A_107 {strides = array<i32>} : memref<512xi32, #tpu.memory_space<vmem>>, vector<16xi32>,
    %get3A_110 = arith.constant 144 : index
    %get3A_111 = tpu.vector_load %arg9[%get3A_110] {strides = array<i32>} : memref<512xi32, #tpu.memory_space<vmem>>, vector<16xi32>,
    %sub3A_112 = arith.constant 1 : i32
    %sub3A_113 = vector.broadcast %sub3A_112 : i32 to vector<16xi32>
    %sub3A_114 = arith.subi %get3A_111, %sub3A_113 : vector<16xi32>
    %add3A_115 = arith.constant 16 : i32
    %add3A_116 = vector.broadcast %add3A_115 : i32 to vector<16xi32>
    %add3A_117 = arith.addi %add3A_116, %iota3A : vector<16xi32>
    %gather3A_118 = tpu.vector_load_idx %arg12[%sub3A_114, %add3A_117] : memref<200x128xi32, #tpu.memory_space<vmem>>[vector<16xi32>, vector<16xi32>], vector<16xi32>,
    %swap3A_119 = arith.constant 144 : index
    %swap3A_120 = tpu.vector_load %arg11[%swap3A_119] {strides = array<i32>} : memref<512xi32, #tpu.memory_space<vmem>>, vector<16xi32>,
    tpu.vector_store %arg11[%swap3A_119], %gather3A_118 {strides = array<i32>} : memref<512xi32, #tpu.memory_space<vmem>>, vector<16xi32>,
    %get3A_121 = arith.constant 160 : index
    %get3A_122 = tpu.vector_load %arg9[%get3A_121] {strides = array<i32>} : memref<512xi32, #tpu.memory_space<vmem>>, vector<16xi32>,
    %sub3A_123 = arith.constant 1 : i32
    %sub3A_124 = vector.broadcast %sub3A_123 : i32 to vector<16xi32>
    %sub3A_125 = arith.subi %get3A_122, %sub3A_124 : vector<16xi32>
    %add3A_126 = arith.constant 32 : i32
    %add3A_127 = vector.broadcast %add3A_126 : i32 to vector<16xi32>
    %add3A_128 = arith.addi %add3A_127, %iota3A : vector<16xi32>
    %gather3A_129 = tpu.vector_load_idx %arg12[%sub3A_125, %add3A_128] : memref<200x128xi32, #tpu.memory_space<vmem>>[vector<16xi32>, vector<16xi32>], vector<16xi32>,
    %swap3A_130 = arith.constant 160 : index
    %swap3A_131 = tpu.vector_load %arg11[%swap3A_130] {strides = array<i32>} : memref<512xi32, #tpu.memory_space<vmem>>, vector<16xi32>,
    tpu.vector_store %arg11[%swap3A_130], %gather3A_129 {strides = array<i32>} : memref<512xi32, #tpu.memory_space<vmem>>, vector<16xi32>,
    %get3A_132 = arith.constant 176 : index
    %get3A_133 = tpu.vector_load %arg9[%get3A_132] {strides = array<i32>} : memref<512xi32, #tpu.memory_space<vmem>>, vector<16xi32>,
    %sub3A_134 = arith.constant 1 : i32
    %sub3A_135 = vector.broadcast %sub3A_134 : i32 to vector<16xi32>
    %sub3A_136 = arith.subi %get3A_133, %sub3A_135 : vector<16xi32>
    %add3A_137 = arith.constant 48 : i32
    %add3A_138 = vector.broadcast %add3A_137 : i32 to vector<16xi32>
    %add3A_139 = arith.addi %add3A_138, %iota3A : vector<16xi32>
    %gather3A_140 = tpu.vector_load_idx %arg12[%sub3A_136, %add3A_139] : memref<200x128xi32, #tpu.memory_space<vmem>>[vector<16xi32>, vector<16xi32>], vector<16xi32>,
    %swap3A_141 = arith.constant 176 : index
    %swap3A_142 = tpu.vector_load %arg11[%swap3A_141] {strides = array<i32>} : memref<512xi32, #tpu.memory_space<vmem>>, vector<16xi32>,
    tpu.vector_store %arg11[%swap3A_141], %gather3A_140 {strides = array<i32>} : memref<512xi32, #tpu.memory_space<vmem>>, vector<16xi32>,
    %get3A_143 = arith.constant 192 : index
    %get3A_144 = tpu.vector_load %arg9[%get3A_143] {strides = array<i32>} : memref<512xi32, #tpu.memory_space<vmem>>, vector<16xi32>,
    %sub3A_145 = arith.constant 1 : i32
    %sub3A_146 = vector.broadcast %sub3A_145 : i32 to vector<16xi32>
    %sub3A_147 = arith.subi %get3A_144, %sub3A_146 : vector<16xi32>
    %add3A_148 = arith.constant 64 : i32
    %add3A_149 = vector.broadcast %add3A_148 : i32 to vector<16xi32>
    %add3A_150 = arith.addi %add3A_149, %iota3A : vector<16xi32>
    %gather3A_151 = tpu.vector_load_idx %arg12[%sub3A_147, %add3A_150] : memref<200x128xi32, #tpu.memory_space<vmem>>[vector<16xi32>, vector<16xi32>], vector<16xi32>,
    %swap3A_152 = arith.constant 192 : index
    %swap3A_153 = tpu.vector_load %arg11[%swap3A_152] {strides = array<i32>} : memref<512xi32, #tpu.memory_space<vmem>>, vector<16xi32>,
    tpu.vector_store %arg11[%swap3A_152], %gather3A_151 {strides = array<i32>} : memref<512xi32, #tpu.memory_space<vmem>>, vector<16xi32>,
    %get3A_154 = arith.constant 208 : index
    %get3A_155 = tpu.vector_load %arg9[%get3A_154] {strides = array<i32>} : memref<512xi32, #tpu.memory_space<vmem>>, vector<16xi32>,
    %sub3A_156 = arith.constant 1 : i32
    %sub3A_157 = vector.broadcast %sub3A_156 : i32 to vector<16xi32>
    %sub3A_158 = arith.subi %get3A_155, %sub3A_157 : vector<16xi32>
    %add3A_159 = arith.constant 80 : i32
    %add3A_160 = vector.broadcast %add3A_159 : i32 to vector<16xi32>
    %add3A_161 = arith.addi %add3A_160, %iota3A : vector<16xi32>
    %gather3A_162 = tpu.vector_load_idx %arg12[%sub3A_158, %add3A_161] : memref<200x128xi32, #tpu.memory_space<vmem>>[vector<16xi32>, vector<16xi32>], vector<16xi32>,
    %swap3A_163 = arith.constant 208 : index
    %swap3A_164 = tpu.vector_load %arg11[%swap3A_163] {strides = array<i32>} : memref<512xi32, #tpu.memory_space<vmem>>, vector<16xi32>,
    tpu.vector_store %arg11[%swap3A_163], %gather3A_162 {strides = array<i32>} : memref<512xi32, #tpu.memory_space<vmem>>, vector<16xi32>,
    %get3A_165 = arith.constant 224 : index
    %get3A_166 = tpu.vector_load %arg9[%get3A_165] {strides = array<i32>} : memref<512xi32, #tpu.memory_space<vmem>>, vector<16xi32>,
    %sub3A_167 = arith.constant 1 : i32
    %sub3A_168 = vector.broadcast %sub3A_167 : i32 to vector<16xi32>
    %sub3A_169 = arith.subi %get3A_166, %sub3A_168 : vector<16xi32>
    %add3A_170 = arith.constant 96 : i32
    %add3A_171 = vector.broadcast %add3A_170 : i32 to vector<16xi32>
    %add3A_172 = arith.addi %add3A_171, %iota3A : vector<16xi32>
    %gather3A_173 = tpu.vector_load_idx %arg12[%sub3A_169, %add3A_172] : memref<200x128xi32, #tpu.memory_space<vmem>>[vector<16xi32>, vector<16xi32>], vector<16xi32>,
    %swap3A_174 = arith.constant 224 : index
    %swap3A_175 = tpu.vector_load %arg11[%swap3A_174] {strides = array<i32>} : memref<512xi32, #tpu.memory_space<vmem>>, vector<16xi32>,
    tpu.vector_store %arg11[%swap3A_174], %gather3A_173 {strides = array<i32>} : memref<512xi32, #tpu.memory_space<vmem>>, vector<16xi32>,
    %get3A_176 = arith.constant 240 : index
    %get3A_177 = tpu.vector_load %arg9[%get3A_176] {strides = array<i32>} : memref<512xi32, #tpu.memory_space<vmem>>, vector<16xi32>,
    %sub3A_178 = arith.constant 1 : i32
    %sub3A_179 = vector.broadcast %sub3A_178 : i32 to vector<16xi32>
    %sub3A_180 = arith.subi %get3A_177, %sub3A_179 : vector<16xi32>
    %add3A_181 = arith.constant 112 : i32
    %add3A_182 = vector.broadcast %add3A_181 : i32 to vector<16xi32>
    %add3A_183 = arith.addi %add3A_182, %iota3A : vector<16xi32>
    %gather3A_184 = tpu.vector_load_idx %arg12[%sub3A_180, %add3A_183] : memref<200x128xi32, #tpu.memory_space<vmem>>[vector<16xi32>, vector<16xi32>], vector<16xi32>,
    %swap3A_185 = arith.constant 240 : index
    %swap3A_186 = tpu.vector_load %arg11[%swap3A_185] {strides = array<i32>} : memref<512xi32, #tpu.memory_space<vmem>>, vector<16xi32>,
    tpu.vector_store %arg11[%swap3A_185], %gather3A_184 {strides = array<i32>} : memref<512xi32, #tpu.memory_space<vmem>>, vector<16xi32>,
    %add3A_187 = arith.constant 256 : i32
    %add3A_188 = arith.addi %mul3A_2, %add3A_187 : i32
    "tpu.region"() ({
      %run_scoped3A = tpu.sem_alloc : memref<!tpu.dma_semaphore, #tpu.memory_space<semaphore_mem>>
      %dma_start3A_933 = arith.constant 0 : i32
      %dma_start3A_934 = tpu.memref_slice %arg2[%dma_start3A_933, %add3A_188] : memref<200x16384xi32, #tpu.memory_space<hbm>> -> memref<200x128xi32, #tpu.memory_space<hbm>>
      %dma_start3A_935 = arith.constant 0 : i32
      %dma_start3A_936 = tpu.memref_slice %arg2[%dma_start3A_935, %add3A_188] : memref<200x16384xi32, #tpu.memory_space<hbm>> -> memref<200x128xi32, #tpu.memory_space<hbm>>
      tpu.enqueue_dma source(%dma_start3A_936 : memref<200x128xi32, #tpu.memory_space<hbm>>) target(%arg12 : memref<200x128xi32, #tpu.memory_space<vmem>>) target_semaphore(%run_scoped3A : memref<!tpu.dma_semaphore, #tpu.memory_space<semaphore_mem>>)
      %dma_wait3A_937 = arith.constant 0 : i32
      %dma_wait3A_938 = tpu.memref_slice %arg2[%dma_wait3A_937, %add3A_188] : memref<200x16384xi32, #tpu.memory_space<hbm>> -> memref<200x128xi32, #tpu.memory_space<hbm>>
      %dma_wait3A_939 = arith.constant 0 : i32
      %dma_wait3A_940 = tpu.memref_slice %arg2[%dma_wait3A_939, %add3A_188] : memref<200x16384xi32, #tpu.memory_space<hbm>> -> memref<200x128xi32, #tpu.memory_space<hbm>>
      tpu.wait_dma2 semaphore(%run_scoped3A : memref<!tpu.dma_semaphore, #tpu.memory_space<semaphore_mem>>) src(%dma_wait3A_940 : memref<200x128xi32, #tpu.memory_space<hbm>>) dst(%arg12 : memref<200x128xi32, #tpu.memory_space<vmem>>)
      tpu.yield
    }) : () -> ()
    %get3A_189 = arith.constant 256 : index
    %get3A_190 = tpu.vector_load %arg9[%get3A_189] {strides = array<i32>} : memref<512xi32, #tpu.memory_space<vmem>>, vector<16xi32>,
    %sub3A_191 = arith.constant 1 : i32
    %sub3A_192 = vector.broadcast %sub3A_191 : i32 to vector<16xi32>
    %sub3A_193 = arith.subi %get3A_190, %sub3A_192 : vector<16xi32>
    %add3A_194 = arith.constant 0 : i32
    %add3A_195 = vector.broadcast %add3A_194 : i32 to vector<16xi32>
    %add3A_196 = arith.addi %add3A_195, %iota3A : vector<16xi32>
    %gather3A_197 = tpu.vector_load_idx %arg12[%sub3A_193, %add3A_196] : memref<200x128xi32, #tpu.memory_space<vmem>>[vector<16xi32>, vector<16xi32>], vector<16xi32>,
    %swap3A_198 = arith.constant 256 : index
    %swap3A_199 = tpu.vector_load %arg11[%swap3A_198] {strides = array<i32>} : memref<512xi32, #tpu.memory_space<vmem>>, vector<16xi32>,
    tpu.vector_store %arg11[%swap3A_198], %gather3A_197 {strides = array<i32>} : memref<512xi32, #tpu.memory_space<vmem>>, vector<16xi32>,
    %get3A_200 = arith.constant 272 : index
    %get3A_201 = tpu.vector_load %arg9[%get3A_200] {strides = array<i32>} : memref<512xi32, #tpu.memory_space<vmem>>, vector<16xi32>,
    %sub3A_202 = arith.constant 1 : i32
    %sub3A_203 = vector.broadcast %sub3A_202 : i32 to vector<16xi32>
    %sub3A_204 = arith.subi %get3A_201, %sub3A_203 : vector<16xi32>
    %add3A_205 = arith.constant 16 : i32
    %add3A_206 = vector.broadcast %add3A_205 : i32 to vector<16xi32>
    %add3A_207 = arith.addi %add3A_206, %iota3A : vector<16xi32>
    %gather3A_208 = tpu.vector_load_idx %arg12[%sub3A_204, %add3A_207] : memref<200x128xi32, #tpu.memory_space<vmem>>[vector<16xi32>, vector<16xi32>], vector<16xi32>,
    %swap3A_209 = arith.constant 272 : index
    %swap3A_210 = tpu.vector_load %arg11[%swap3A_209] {strides = array<i32>} : memref<512xi32, #tpu.memory_space<vmem>>, vector<16xi32>,
    tpu.vector_store %arg11[%swap3A_209], %gather3A_208 {strides = array<i32>} : memref<512xi32, #tpu.memory_space<vmem>>, vector<16xi32>,
    %get3A_211 = arith.constant 288 : index
    %get3A_212 = tpu.vector_load %arg9[%get3A_211] {strides = array<i32>} : memref<512xi32, #tpu.memory_space<vmem>>, vector<16xi32>,
    %sub3A_213 = arith.constant 1 : i32
    %sub3A_214 = vector.broadcast %sub3A_213 : i32 to vector<16xi32>
    %sub3A_215 = arith.subi %get3A_212, %sub3A_214 : vector<16xi32>
    %add3A_216 = arith.constant 32 : i32
    %add3A_217 = vector.broadcast %add3A_216 : i32 to vector<16xi32>
    %add3A_218 = arith.addi %add3A_217, %iota3A : vector<16xi32>
    %gather3A_219 = tpu.vector_load_idx %arg12[%sub3A_215, %add3A_218] : memref<200x128xi32, #tpu.memory_space<vmem>>[vector<16xi32>, vector<16xi32>], vector<16xi32>,
    %swap3A_220 = arith.constant 288 : index
    %swap3A_221 = tpu.vector_load %arg11[%swap3A_220] {strides = array<i32>} : memref<512xi32, #tpu.memory_space<vmem>>, vector<16xi32>,
    tpu.vector_store %arg11[%swap3A_220], %gather3A_219 {strides = array<i32>} : memref<512xi32, #tpu.memory_space<vmem>>, vector<16xi32>,
    %get3A_222 = arith.constant 304 : index
    %get3A_223 = tpu.vector_load %arg9[%get3A_222] {strides = array<i32>} : memref<512xi32, #tpu.memory_space<vmem>>, vector<16xi32>,
    %sub3A_224 = arith.constant 1 : i32
    %sub3A_225 = vector.broadcast %sub3A_224 : i32 to vector<16xi32>
    %sub3A_226 = arith.subi %get3A_223, %sub3A_225 : vector<16xi32>
    %add3A_227 = arith.constant 48 : i32
    %add3A_228 = vector.broadcast %add3A_227 : i32 to vector<16xi32>
    %add3A_229 = arith.addi %add3A_228, %iota3A : vector<16xi32>
    %gather3A_230 = tpu.vector_load_idx %arg12[%sub3A_226, %add3A_229] : memref<200x128xi32, #tpu.memory_space<vmem>>[vector<16xi32>, vector<16xi32>], vector<16xi32>,
    %swap3A_231 = arith.constant 304 : index
    %swap3A_232 = tpu.vector_load %arg11[%swap3A_231] {strides = array<i32>} : memref<512xi32, #tpu.memory_space<vmem>>, vector<16xi32>,
    tpu.vector_store %arg11[%swap3A_231], %gather3A_230 {strides = array<i32>} : memref<512xi32, #tpu.memory_space<vmem>>, vector<16xi32>,
    %get3A_233 = arith.constant 320 : index
    %get3A_234 = tpu.vector_load %arg9[%get3A_233] {strides = array<i32>} : memref<512xi32, #tpu.memory_space<vmem>>, vector<16xi32>,
    %sub3A_235 = arith.constant 1 : i32
    %sub3A_236 = vector.broadcast %sub3A_235 : i32 to vector<16xi32>
    %sub3A_237 = arith.subi %get3A_234, %sub3A_236 : vector<16xi32>
    %add3A_238 = arith.constant 64 : i32
    %add3A_239 = vector.broadcast %add3A_238 : i32 to vector<16xi32>
    %add3A_240 = arith.addi %add3A_239, %iota3A : vector<16xi32>
    %gather3A_241 = tpu.vector_load_idx %arg12[%sub3A_237, %add3A_240] : memref<200x128xi32, #tpu.memory_space<vmem>>[vector<16xi32>, vector<16xi32>], vector<16xi32>,
    %swap3A_242 = arith.constant 320 : index
    %swap3A_243 = tpu.vector_load %arg11[%swap3A_242] {strides = array<i32>} : memref<512xi32, #tpu.memory_space<vmem>>, vector<16xi32>,
    tpu.vector_store %arg11[%swap3A_242], %gather3A_241 {strides = array<i32>} : memref<512xi32, #tpu.memory_space<vmem>>, vector<16xi32>,
    %get3A_244 = arith.constant 336 : index
    %get3A_245 = tpu.vector_load %arg9[%get3A_244] {strides = array<i32>} : memref<512xi32, #tpu.memory_space<vmem>>, vector<16xi32>,
    %sub3A_246 = arith.constant 1 : i32
    %sub3A_247 = vector.broadcast %sub3A_246 : i32 to vector<16xi32>
    %sub3A_248 = arith.subi %get3A_245, %sub3A_247 : vector<16xi32>
    %add3A_249 = arith.constant 80 : i32
    %add3A_250 = vector.broadcast %add3A_249 : i32 to vector<16xi32>
    %add3A_251 = arith.addi %add3A_250, %iota3A : vector<16xi32>
    %gather3A_252 = tpu.vector_load_idx %arg12[%sub3A_248, %add3A_251] : memref<200x128xi32, #tpu.memory_space<vmem>>[vector<16xi32>, vector<16xi32>], vector<16xi32>,
    %swap3A_253 = arith.constant 336 : index
    %swap3A_254 = tpu.vector_load %arg11[%swap3A_253] {strides = array<i32>} : memref<512xi32, #tpu.memory_space<vmem>>, vector<16xi32>,
    tpu.vector_store %arg11[%swap3A_253], %gather3A_252 {strides = array<i32>} : memref<512xi32, #tpu.memory_space<vmem>>, vector<16xi32>,
    %get3A_255 = arith.constant 352 : index
    %get3A_256 = tpu.vector_load %arg9[%get3A_255] {strides = array<i32>} : memref<512xi32, #tpu.memory_space<vmem>>, vector<16xi32>,
    %sub3A_257 = arith.constant 1 : i32
    %sub3A_258 = vector.broadcast %sub3A_257 : i32 to vector<16xi32>
    %sub3A_259 = arith.subi %get3A_256, %sub3A_258 : vector<16xi32>
    %add3A_260 = arith.constant 96 : i32
    %add3A_261 = vector.broadcast %add3A_260 : i32 to vector<16xi32>
    %add3A_262 = arith.addi %add3A_261, %iota3A : vector<16xi32>
    %gather3A_263 = tpu.vector_load_idx %arg12[%sub3A_259, %add3A_262] : memref<200x128xi32, #tpu.memory_space<vmem>>[vector<16xi32>, vector<16xi32>], vector<16xi32>,
    %swap3A_264 = arith.constant 352 : index
    %swap3A_265 = tpu.vector_load %arg11[%swap3A_264] {strides = array<i32>} : memref<512xi32, #tpu.memory_space<vmem>>, vector<16xi32>,
    tpu.vector_store %arg11[%swap3A_264], %gather3A_263 {strides = array<i32>} : memref<512xi32, #tpu.memory_space<vmem>>, vector<16xi32>,
    %get3A_266 = arith.constant 368 : index
    %get3A_267 = tpu.vector_load %arg9[%get3A_266] {strides = array<i32>} : memref<512xi32, #tpu.memory_space<vmem>>, vector<16xi32>,
    %sub3A_268 = arith.constant 1 : i32
    %sub3A_269 = vector.broadcast %sub3A_268 : i32 to vector<16xi32>
    %sub3A_270 = arith.subi %get3A_267, %sub3A_269 : vector<16xi32>
    %add3A_271 = arith.constant 112 : i32
    %add3A_272 = vector.broadcast %add3A_271 : i32 to vector<16xi32>
    %add3A_273 = arith.addi %add3A_272, %iota3A : vector<16xi32>
    %gather3A_274 = tpu.vector_load_idx %arg12[%sub3A_270, %add3A_273] : memref<200x128xi32, #tpu.memory_space<vmem>>[vector<16xi32>, vector<16xi32>], vector<16xi32>,
    %swap3A_275 = arith.constant 368 : index
    %swap3A_276 = tpu.vector_load %arg11[%swap3A_275] {strides = array<i32>} : memref<512xi32, #tpu.memory_space<vmem>>, vector<16xi32>,
    tpu.vector_store %arg11[%swap3A_275], %gather3A_274 {strides = array<i32>} : memref<512xi32, #tpu.memory_space<vmem>>, vector<16xi32>,
    %add3A_277 = arith.constant 384 : i32
    %add3A_278 = arith.addi %mul3A_2, %add3A_277 : i32
    "tpu.region"() ({
      %run_scoped3A = tpu.sem_alloc : memref<!tpu.dma_semaphore, #tpu.memory_space<semaphore_mem>>
      %dma_start3A_933 = arith.constant 0 : i32
      %dma_start3A_934 = tpu.memref_slice %arg2[%dma_start3A_933, %add3A_278] : memref<200x16384xi32, #tpu.memory_space<hbm>> -> memref<200x128xi32, #tpu.memory_space<hbm>>
      %dma_start3A_935 = arith.constant 0 : i32
      %dma_start3A_936 = tpu.memref_slice %arg2[%dma_start3A_935, %add3A_278] : memref<200x16384xi32, #tpu.memory_space<hbm>> -> memref<200x128xi32, #tpu.memory_space<hbm>>
      tpu.enqueue_dma source(%dma_start3A_936 : memref<200x128xi32, #tpu.memory_space<hbm>>) target(%arg12 : memref<200x128xi32, #tpu.memory_space<vmem>>) target_semaphore(%run_scoped3A : memref<!tpu.dma_semaphore, #tpu.memory_space<semaphore_mem>>)
      %dma_wait3A_937 = arith.constant 0 : i32
      %dma_wait3A_938 = tpu.memref_slice %arg2[%dma_wait3A_937, %add3A_278] : memref<200x16384xi32, #tpu.memory_space<hbm>> -> memref<200x128xi32, #tpu.memory_space<hbm>>
      %dma_wait3A_939 = arith.constant 0 : i32
      %dma_wait3A_940 = tpu.memref_slice %arg2[%dma_wait3A_939, %add3A_278] : memref<200x16384xi32, #tpu.memory_space<hbm>> -> memref<200x128xi32, #tpu.memory_space<hbm>>
      tpu.wait_dma2 semaphore(%run_scoped3A : memref<!tpu.dma_semaphore, #tpu.memory_space<semaphore_mem>>) src(%dma_wait3A_940 : memref<200x128xi32, #tpu.memory_space<hbm>>) dst(%arg12 : memref<200x128xi32, #tpu.memory_space<vmem>>)
      tpu.yield
    }) : () -> ()
    %get3A_279 = arith.constant 384 : index
    %get3A_280 = tpu.vector_load %arg9[%get3A_279] {strides = array<i32>} : memref<512xi32, #tpu.memory_space<vmem>>, vector<16xi32>,
    %sub3A_281 = arith.constant 1 : i32
    %sub3A_282 = vector.broadcast %sub3A_281 : i32 to vector<16xi32>
    %sub3A_283 = arith.subi %get3A_280, %sub3A_282 : vector<16xi32>
    %add3A_284 = arith.constant 0 : i32
    %add3A_285 = vector.broadcast %add3A_284 : i32 to vector<16xi32>
    %add3A_286 = arith.addi %add3A_285, %iota3A : vector<16xi32>
    %gather3A_287 = tpu.vector_load_idx %arg12[%sub3A_283, %add3A_286] : memref<200x128xi32, #tpu.memory_space<vmem>>[vector<16xi32>, vector<16xi32>], vector<16xi32>,
    %swap3A_288 = arith.constant 384 : index
    %swap3A_289 = tpu.vector_load %arg11[%swap3A_288] {strides = array<i32>} : memref<512xi32, #tpu.memory_space<vmem>>, vector<16xi32>,
    tpu.vector_store %arg11[%swap3A_288], %gather3A_287 {strides = array<i32>} : memref<512xi32, #tpu.memory_space<vmem>>, vector<16xi32>,
    %get3A_290 = arith.constant 400 : index
    %get3A_291 = tpu.vector_load %arg9[%get3A_290] {strides = array<i32>} : memref<512xi32, #tpu.memory_space<vmem>>, vector<16xi32>,
    %sub3A_292 = arith.constant 1 : i32
    %sub3A_293 = vector.broadcast %sub3A_292 : i32 to vector<16xi32>
    %sub3A_294 = arith.subi %get3A_291, %sub3A_293 : vector<16xi32>
    %add3A_295 = arith.constant 16 : i32
    %add3A_296 = vector.broadcast %add3A_295 : i32 to vector<16xi32>
    %add3A_297 = arith.addi %add3A_296, %iota3A : vector<16xi32>
    %gather3A_298 = tpu.vector_load_idx %arg12[%sub3A_294, %add3A_297] : memref<200x128xi32, #tpu.memory_space<vmem>>[vector<16xi32>, vector<16xi32>], vector<16xi32>,
    %swap3A_299 = arith.constant 400 : index
    %swap3A_300 = tpu.vector_load %arg11[%swap3A_299] {strides = array<i32>} : memref<512xi32, #tpu.memory_space<vmem>>, vector<16xi32>,
    tpu.vector_store %arg11[%swap3A_299], %gather3A_298 {strides = array<i32>} : memref<512xi32, #tpu.memory_space<vmem>>, vector<16xi32>,
    %get3A_301 = arith.constant 416 : index
    %get3A_302 = tpu.vector_load %arg9[%get3A_301] {strides = array<i32>} : memref<512xi32, #tpu.memory_space<vmem>>, vector<16xi32>,
    %sub3A_303 = arith.constant 1 : i32
    %sub3A_304 = vector.broadcast %sub3A_303 : i32 to vector<16xi32>
    %sub3A_305 = arith.subi %get3A_302, %sub3A_304 : vector<16xi32>
    %add3A_306 = arith.constant 32 : i32
    %add3A_307 = vector.broadcast %add3A_306 : i32 to vector<16xi32>
    %add3A_308 = arith.addi %add3A_307, %iota3A : vector<16xi32>
    %gather3A_309 = tpu.vector_load_idx %arg12[%sub3A_305, %add3A_308] : memref<200x128xi32, #tpu.memory_space<vmem>>[vector<16xi32>, vector<16xi32>], vector<16xi32>,
    %swap3A_310 = arith.constant 416 : index
    %swap3A_311 = tpu.vector_load %arg11[%swap3A_310] {strides = array<i32>} : memref<512xi32, #tpu.memory_space<vmem>>, vector<16xi32>,
    tpu.vector_store %arg11[%swap3A_310], %gather3A_309 {strides = array<i32>} : memref<512xi32, #tpu.memory_space<vmem>>, vector<16xi32>,
    %get3A_312 = arith.constant 432 : index
    %get3A_313 = tpu.vector_load %arg9[%get3A_312] {strides = array<i32>} : memref<512xi32, #tpu.memory_space<vmem>>, vector<16xi32>,
    %sub3A_314 = arith.constant 1 : i32
    %sub3A_315 = vector.broadcast %sub3A_314 : i32 to vector<16xi32>
    %sub3A_316 = arith.subi %get3A_313, %sub3A_315 : vector<16xi32>
    %add3A_317 = arith.constant 48 : i32
    %add3A_318 = vector.broadcast %add3A_317 : i32 to vector<16xi32>
    %add3A_319 = arith.addi %add3A_318, %iota3A : vector<16xi32>
    %gather3A_320 = tpu.vector_load_idx %arg12[%sub3A_316, %add3A_319] : memref<200x128xi32, #tpu.memory_space<vmem>>[vector<16xi32>, vector<16xi32>], vector<16xi32>,
    %swap3A_321 = arith.constant 432 : index
    %swap3A_322 = tpu.vector_load %arg11[%swap3A_321] {strides = array<i32>} : memref<512xi32, #tpu.memory_space<vmem>>, vector<16xi32>,
    tpu.vector_store %arg11[%swap3A_321], %gather3A_320 {strides = array<i32>} : memref<512xi32, #tpu.memory_space<vmem>>, vector<16xi32>,
    %get3A_323 = arith.constant 448 : index
    %get3A_324 = tpu.vector_load %arg9[%get3A_323] {strides = array<i32>} : memref<512xi32, #tpu.memory_space<vmem>>, vector<16xi32>,
    %sub3A_325 = arith.constant 1 : i32
    %sub3A_326 = vector.broadcast %sub3A_325 : i32 to vector<16xi32>
    %sub3A_327 = arith.subi %get3A_324, %sub3A_326 : vector<16xi32>
    %add3A_328 = arith.constant 64 : i32
    %add3A_329 = vector.broadcast %add3A_328 : i32 to vector<16xi32>
    %add3A_330 = arith.addi %add3A_329, %iota3A : vector<16xi32>
    %gather3A_331 = tpu.vector_load_idx %arg12[%sub3A_327, %add3A_330] : memref<200x128xi32, #tpu.memory_space<vmem>>[vector<16xi32>, vector<16xi32>], vector<16xi32>,
    %swap3A_332 = arith.constant 448 : index
    %swap3A_333 = tpu.vector_load %arg11[%swap3A_332] {strides = array<i32>} : memref<512xi32, #tpu.memory_space<vmem>>, vector<16xi32>,
    tpu.vector_store %arg11[%swap3A_332], %gather3A_331 {strides = array<i32>} : memref<512xi32, #tpu.memory_space<vmem>>, vector<16xi32>,
    %get3A_334 = arith.constant 464 : index
    %get3A_335 = tpu.vector_load %arg9[%get3A_334] {strides = array<i32>} : memref<512xi32, #tpu.memory_space<vmem>>, vector<16xi32>,
    %sub3A_336 = arith.constant 1 : i32
    %sub3A_337 = vector.broadcast %sub3A_336 : i32 to vector<16xi32>
    %sub3A_338 = arith.subi %get3A_335, %sub3A_337 : vector<16xi32>
    %add3A_339 = arith.constant 80 : i32
    %add3A_340 = vector.broadcast %add3A_339 : i32 to vector<16xi32>
    %add3A_341 = arith.addi %add3A_340, %iota3A : vector<16xi32>
    %gather3A_342 = tpu.vector_load_idx %arg12[%sub3A_338, %add3A_341] : memref<200x128xi32, #tpu.memory_space<vmem>>[vector<16xi32>, vector<16xi32>], vector<16xi32>,
    %swap3A_343 = arith.constant 464 : index
    %swap3A_344 = tpu.vector_load %arg11[%swap3A_343] {strides = array<i32>} : memref<512xi32, #tpu.memory_space<vmem>>, vector<16xi32>,
    tpu.vector_store %arg11[%swap3A_343], %gather3A_342 {strides = array<i32>} : memref<512xi32, #tpu.memory_space<vmem>>, vector<16xi32>,
    %get3A_345 = arith.constant 480 : index
    %get3A_346 = tpu.vector_load %arg9[%get3A_345] {strides = array<i32>} : memref<512xi32, #tpu.memory_space<vmem>>, vector<16xi32>,
    %sub3A_347 = arith.constant 1 : i32
    %sub3A_348 = vector.broadcast %sub3A_347 : i32 to vector<16xi32>
    %sub3A_349 = arith.subi %get3A_346, %sub3A_348 : vector<16xi32>
    %add3A_350 = arith.constant 96 : i32
    %add3A_351 = vector.broadcast %add3A_350 : i32 to vector<16xi32>
    %add3A_352 = arith.addi %add3A_351, %iota3A : vector<16xi32>
    %gather3A_353 = tpu.vector_load_idx %arg12[%sub3A_349, %add3A_352] : memref<200x128xi32, #tpu.memory_space<vmem>>[vector<16xi32>, vector<16xi32>], vector<16xi32>,
    %swap3A_354 = arith.constant 480 : index
    %swap3A_355 = tpu.vector_load %arg11[%swap3A_354] {strides = array<i32>} : memref<512xi32, #tpu.memory_space<vmem>>, vector<16xi32>,
    tpu.vector_store %arg11[%swap3A_354], %gather3A_353 {strides = array<i32>} : memref<512xi32, #tpu.memory_space<vmem>>, vector<16xi32>,
    %get3A_356 = arith.constant 496 : index
    %get3A_357 = tpu.vector_load %arg9[%get3A_356] {strides = array<i32>} : memref<512xi32, #tpu.memory_space<vmem>>, vector<16xi32>,
    %sub3A_358 = arith.constant 1 : i32
    %sub3A_359 = vector.broadcast %sub3A_358 : i32 to vector<16xi32>
    %sub3A_360 = arith.subi %get3A_357, %sub3A_359 : vector<16xi32>
    %add3A_361 = arith.constant 112 : i32
    %add3A_362 = vector.broadcast %add3A_361 : i32 to vector<16xi32>
    %add3A_363 = arith.addi %add3A_362, %iota3A : vector<16xi32>
    %gather3A_364 = tpu.vector_load_idx %arg12[%sub3A_360, %add3A_363] : memref<200x128xi32, #tpu.memory_space<vmem>>[vector<16xi32>, vector<16xi32>], vector<16xi32>,
    %swap3A_365 = arith.constant 496 : index
    %swap3A_366 = tpu.vector_load %arg11[%swap3A_365] {strides = array<i32>} : memref<512xi32, #tpu.memory_space<vmem>>, vector<16xi32>,
    tpu.vector_store %arg11[%swap3A_365], %gather3A_364 {strides = array<i32>} : memref<512xi32, #tpu.memory_space<vmem>>, vector<16xi32>,
    %shift_right_logical3A = arith.constant 0 : i32
    %shift_right_logical3A_367 = arith.constant 4 : i32
    %shift_right_logical3A_368 = arith.shrui %shift_right_logical3A, %shift_right_logical3A_367 : i32
    %mul3A_369 = arith.constant 16 : i32
    %mul3A_370 = arith.muli %shift_right_logical3A_368, %mul3A_369 : i32
    %multiple_of3A = tpu.assume_multiple %mul3A_370, 16 : i32
    %mul3A_371 = arith.constant 16 : i32
    %mul3A_372 = arith.muli %shift_right_logical3A_368, %mul3A_371 : i32
    %sub3A_373 = arith.constant 0 : i32
    %sub3A_374 = arith.subi %sub3A_373, %mul3A_372 : i32
    %get3A_375 = arith.index_cast %multiple_of3A : i32 to index
    %get3A_376 = tpu.vector_load %arg10[%get3A_375] {strides = array<i32>} : memref<512xi32, #tpu.memory_space<vmem>>, vector<16xi32>,
    %eq3A = vector.broadcast %sub3A_374 : i32 to vector<16xi32>
    %eq3A_377 = arith.cmpi eq, %iota3A, %eq3A : vector<16xi32>
    %jit3A = arith.constant 0 : i32
    %broadcast_in_dim3A = vector.broadcast %jit3A : i32 to vector<16xi32>
    %select_n3A = arith.select %eq3A_377, %get3A_376, %broadcast_in_dim3A : vector<16xi1>, vector<16xi32>
    %reduce_max3A = arith.constant true
    %reduce_max3A_378 = vector.broadcast %reduce_max3A : i1 to vector<16xi1>
    %reduce_max3A_379 = arith.constant -2147483648 : i32
    %reduce_max3A_380 = vector.broadcast %reduce_max3A_379 : i32 to vector<16xi32>
    %reduce_max3A_381 = arith.xori %select_n3A, %reduce_max3A_380 : vector<16xi32>
    %reduce_max3A_382 = tpu.scan <max>, %reduce_max3A_381 masked %reduce_max3A_378 : vector<16xi32>, vector<16xi1> -> vector<16xi32>
    %reduce_max3A_383 = arith.xori %reduce_max3A_382, %reduce_max3A_380 : vector<16xi32>
    %reduce_max3A_384 = vector.extract %reduce_max3A_383[15] : i32 from vector<16xi32>
    %get3A_385 = arith.index_cast %multiple_of3A : i32 to index
    %get3A_386 = tpu.vector_load %arg11[%get3A_385] {strides = array<i32>} : memref<512xi32, #tpu.memory_space<vmem>>, vector<16xi32>,
    %eq3A_387 = vector.broadcast %sub3A_374 : i32 to vector<16xi32>
    %eq3A_388 = arith.cmpi eq, %iota3A, %eq3A_387 : vector<16xi32>
    %jit3A_389 = arith.constant 0 : i32
    %broadcast_in_dim3A_390 = vector.broadcast %jit3A_389 : i32 to vector<16xi32>
    %select_n3A_391 = arith.select %eq3A_388, %get3A_386, %broadcast_in_dim3A_390 : vector<16xi1>, vector<16xi32>
    %reduce_max3A_392 = arith.constant true
    %reduce_max3A_393 = vector.broadcast %reduce_max3A_392 : i1 to vector<16xi1>
    %reduce_max3A_394 = arith.constant -2147483648 : i32
    %reduce_max3A_395 = vector.broadcast %reduce_max3A_394 : i32 to vector<16xi32>
    %reduce_max3A_396 = arith.xori %select_n3A_391, %reduce_max3A_395 : vector<16xi32>
    %reduce_max3A_397 = tpu.scan <max>, %reduce_max3A_396 masked %reduce_max3A_393 : vector<16xi32>, vector<16xi1> -> vector<16xi32>
    %reduce_max3A_398 = arith.xori %reduce_max3A_397, %reduce_max3A_395 : vector<16xi32>
    %reduce_max3A_399 = vector.extract %reduce_max3A_398[15] : i32 from vector<16xi32>
    %shift_right_logical3A_400 = arith.constant 7 : i32
    %shift_right_logical3A_401 = arith.shrui %reduce_max3A_384, %shift_right_logical3A_400 : i32
    %mul3A_402 = arith.constant 128 : i32
    %mul3A_403 = arith.muli %shift_right_logical3A_401, %mul3A_402 : i32
    %multiple_of3A_404 = tpu.assume_multiple %mul3A_403, 128 : i32
    %shift_right_logical3A_405 = arith.constant 7 : i32
    %shift_right_logical3A_406 = arith.shrui %reduce_max3A_399, %shift_right_logical3A_405 : i32
    %mul3A_407 = arith.constant 128 : i32
    %mul3A_408 = arith.muli %shift_right_logical3A_406, %mul3A_407 : i32
    %multiple_of3A_409 = tpu.assume_multiple %mul3A_408, 128 : i32
    %dma_start3A = arith.constant 0 : i32
    %dma_start3A_410 = tpu.memref_slice %arg5[%dma_start3A, %multiple_of3A_404] : memref<64x1000000xf32, #tpu.memory_space<hbm>> -> memref<64x128xf32, #tpu.memory_space<hbm>>
    %dma_start3A_411 = arith.constant 0 : i32
    %dma_start3A_412 = tpu.memref_slice %arg5[%dma_start3A_411, %multiple_of3A_404] : memref<64x1000000xf32, #tpu.memory_space<hbm>> -> memref<64x128xf32, #tpu.memory_space<hbm>>
    tpu.enqueue_dma source(%dma_start3A_412 : memref<64x128xf32, #tpu.memory_space<hbm>>) target(%arg15 : memref<64x128xf32, #tpu.memory_space<vmem>>) target_semaphore(%arg23 : memref<!tpu.dma_semaphore, #tpu.memory_space<semaphore_mem>>)
    %dma_start3A_413 = arith.constant 0 : i32
    %dma_start3A_414 = tpu.memref_slice %arg6[%dma_start3A_413, %multiple_of3A_409] : memref<64x1000000xf32, #tpu.memory_space<hbm>> -> memref<64x128xf32, #tpu.memory_space<hbm>>
    %dma_start3A_415 = arith.constant 0 : i32
    %dma_start3A_416 = tpu.memref_slice %arg6[%dma_start3A_415, %multiple_of3A_409] : memref<64x1000000xf32, #tpu.memory_space<hbm>> -> memref<64x128xf32, #tpu.memory_space<hbm>>
    tpu.enqueue_dma source(%dma_start3A_416 : memref<64x128xf32, #tpu.memory_space<hbm>>) target(%arg19 : memref<64x128xf32, #tpu.memory_space<vmem>>) target_semaphore(%arg27 : memref<!tpu.dma_semaphore, #tpu.memory_space<semaphore_mem>>)
    %shift_right_logical3A_417 = arith.constant 1 : i32
    %shift_right_logical3A_418 = arith.constant 4 : i32
    %shift_right_logical3A_419 = arith.shrui %shift_right_logical3A_417, %shift_right_logical3A_418 : i32
    %mul3A_420 = arith.constant 16 : i32
    %mul3A_421 = arith.muli %shift_right_logical3A_419, %mul3A_420 : i32
    %multiple_of3A_422 = tpu.assume_multiple %mul3A_421, 16 : i32
    %mul3A_423 = arith.constant 16 : i32
    %mul3A_424 = arith.muli %shift_right_logical3A_419, %mul3A_423 : i32
    %sub3A_425 = arith.constant 1 : i32
    %sub3A_426 = arith.subi %sub3A_425, %mul3A_424 : i32
    %get3A_427 = arith.index_cast %multiple_of3A_422 : i32 to index
    %get3A_428 = tpu.vector_load %arg10[%get3A_427] {strides = array<i32>} : memref<512xi32, #tpu.memory_space<vmem>>, vector<16xi32>,
    %eq3A_429 = vector.broadcast %sub3A_426 : i32 to vector<16xi32>
    %eq3A_430 = arith.cmpi eq, %iota3A, %eq3A_429 : vector<16xi32>
    %jit3A_431 = arith.constant 0 : i32
    %broadcast_in_dim3A_432 = vector.broadcast %jit3A_431 : i32 to vector<16xi32>
    %select_n3A_433 = arith.select %eq3A_430, %get3A_428, %broadcast_in_dim3A_432 : vector<16xi1>, vector<16xi32>
    %reduce_max3A_434 = arith.constant true
    %reduce_max3A_435 = vector.broadcast %reduce_max3A_434 : i1 to vector<16xi1>
    %reduce_max3A_436 = arith.constant -2147483648 : i32
    %reduce_max3A_437 = vector.broadcast %reduce_max3A_436 : i32 to vector<16xi32>
    %reduce_max3A_438 = arith.xori %select_n3A_433, %reduce_max3A_437 : vector<16xi32>
    %reduce_max3A_439 = tpu.scan <max>, %reduce_max3A_438 masked %reduce_max3A_435 : vector<16xi32>, vector<16xi1> -> vector<16xi32>
    %reduce_max3A_440 = arith.xori %reduce_max3A_439, %reduce_max3A_437 : vector<16xi32>
    %reduce_max3A_441 = vector.extract %reduce_max3A_440[15] : i32 from vector<16xi32>
    %get3A_442 = arith.index_cast %multiple_of3A_422 : i32 to index
    %get3A_443 = tpu.vector_load %arg11[%get3A_442] {strides = array<i32>} : memref<512xi32, #tpu.memory_space<vmem>>, vector<16xi32>,
    %eq3A_444 = vector.broadcast %sub3A_426 : i32 to vector<16xi32>
    %eq3A_445 = arith.cmpi eq, %iota3A, %eq3A_444 : vector<16xi32>
    %jit3A_446 = arith.constant 0 : i32
    %broadcast_in_dim3A_447 = vector.broadcast %jit3A_446 : i32 to vector<16xi32>
    %select_n3A_448 = arith.select %eq3A_445, %get3A_443, %broadcast_in_dim3A_447 : vector<16xi1>, vector<16xi32>
    %reduce_max3A_449 = arith.constant true
    %reduce_max3A_450 = vector.broadcast %reduce_max3A_449 : i1 to vector<16xi1>
    %reduce_max3A_451 = arith.constant -2147483648 : i32
    %reduce_max3A_452 = vector.broadcast %reduce_max3A_451 : i32 to vector<16xi32>
    %reduce_max3A_453 = arith.xori %select_n3A_448, %reduce_max3A_452 : vector<16xi32>
    %reduce_max3A_454 = tpu.scan <max>, %reduce_max3A_453 masked %reduce_max3A_450 : vector<16xi32>, vector<16xi1> -> vector<16xi32>
    %reduce_max3A_455 = arith.xori %reduce_max3A_454, %reduce_max3A_452 : vector<16xi32>
    %reduce_max3A_456 = vector.extract %reduce_max3A_455[15] : i32 from vector<16xi32>
    %shift_right_logical3A_457 = arith.constant 7 : i32
    %shift_right_logical3A_458 = arith.shrui %reduce_max3A_441, %shift_right_logical3A_457 : i32
    %mul3A_459 = arith.constant 128 : i32
    %mul3A_460 = arith.muli %shift_right_logical3A_458, %mul3A_459 : i32
    %multiple_of3A_461 = tpu.assume_multiple %mul3A_460, 128 : i32
    %shift_right_logical3A_462 = arith.constant 7 : i32
    %shift_right_logical3A_463 = arith.shrui %reduce_max3A_456, %shift_right_logical3A_462 : i32
    %mul3A_464 = arith.constant 128 : i32
    %mul3A_465 = arith.muli %shift_right_logical3A_463, %mul3A_464 : i32
    %multiple_of3A_466 = tpu.assume_multiple %mul3A_465, 128 : i32
    %dma_start3A_467 = arith.constant 0 : i32
    %dma_start3A_468 = tpu.memref_slice %arg5[%dma_start3A_467, %multiple_of3A_461] : memref<64x1000000xf32, #tpu.memory_space<hbm>> -> memref<64x128xf32, #tpu.memory_space<hbm>>
    %dma_start3A_469 = arith.constant 0 : i32
    %dma_start3A_470 = tpu.memref_slice %arg5[%dma_start3A_469, %multiple_of3A_461] : memref<64x1000000xf32, #tpu.memory_space<hbm>> -> memref<64x128xf32, #tpu.memory_space<hbm>>
    tpu.enqueue_dma source(%dma_start3A_470 : memref<64x128xf32, #tpu.memory_space<hbm>>) target(%arg16 : memref<64x128xf32, #tpu.memory_space<vmem>>) target_semaphore(%arg24 : memref<!tpu.dma_semaphore, #tpu.memory_space<semaphore_mem>>)
    %dma_start3A_471 = arith.constant 0 : i32
    %dma_start3A_472 = tpu.memref_slice %arg6[%dma_start3A_471, %multiple_of3A_466] : memref<64x1000000xf32, #tpu.memory_space<hbm>> -> memref<64x128xf32, #tpu.memory_space<hbm>>
    %dma_start3A_473 = arith.constant 0 : i32
    %dma_start3A_474 = tpu.memref_slice %arg6[%dma_start3A_473, %multiple_of3A_466] : memref<64x1000000xf32, #tpu.memory_space<hbm>> -> memref<64x128xf32, #tpu.memory_space<hbm>>
    tpu.enqueue_dma source(%dma_start3A_474 : memref<64x128xf32, #tpu.memory_space<hbm>>) target(%arg20 : memref<64x128xf32, #tpu.memory_space<vmem>>) target_semaphore(%arg28 : memref<!tpu.dma_semaphore, #tpu.memory_space<semaphore_mem>>)
    %shift_right_logical3A_475 = arith.constant 2 : i32
    %shift_right_logical3A_476 = arith.constant 4 : i32
    %shift_right_logical3A_477 = arith.shrui %shift_right_logical3A_475, %shift_right_logical3A_476 : i32
    %mul3A_478 = arith.constant 16 : i32
    %mul3A_479 = arith.muli %shift_right_logical3A_477, %mul3A_478 : i32
    %multiple_of3A_480 = tpu.assume_multiple %mul3A_479, 16 : i32
    %mul3A_481 = arith.constant 16 : i32
    %mul3A_482 = arith.muli %shift_right_logical3A_477, %mul3A_481 : i32
    %sub3A_483 = arith.constant 2 : i32
    %sub3A_484 = arith.subi %sub3A_483, %mul3A_482 : i32
    %get3A_485 = arith.index_cast %multiple_of3A_480 : i32 to index
    %get3A_486 = tpu.vector_load %arg10[%get3A_485] {strides = array<i32>} : memref<512xi32, #tpu.memory_space<vmem>>, vector<16xi32>,
    %eq3A_487 = vector.broadcast %sub3A_484 : i32 to vector<16xi32>
    %eq3A_488 = arith.cmpi eq, %iota3A, %eq3A_487 : vector<16xi32>
    %jit3A_489 = arith.constant 0 : i32
    %broadcast_in_dim3A_490 = vector.broadcast %jit3A_489 : i32 to vector<16xi32>
    %select_n3A_491 = arith.select %eq3A_488, %get3A_486, %broadcast_in_dim3A_490 : vector<16xi1>, vector<16xi32>
    %reduce_max3A_492 = arith.constant true
    %reduce_max3A_493 = vector.broadcast %reduce_max3A_492 : i1 to vector<16xi1>
    %reduce_max3A_494 = arith.constant -2147483648 : i32
    %reduce_max3A_495 = vector.broadcast %reduce_max3A_494 : i32 to vector<16xi32>
    %reduce_max3A_496 = arith.xori %select_n3A_491, %reduce_max3A_495 : vector<16xi32>
    %reduce_max3A_497 = tpu.scan <max>, %reduce_max3A_496 masked %reduce_max3A_493 : vector<16xi32>, vector<16xi1> -> vector<16xi32>
    %reduce_max3A_498 = arith.xori %reduce_max3A_497, %reduce_max3A_495 : vector<16xi32>
    %reduce_max3A_499 = vector.extract %reduce_max3A_498[15] : i32 from vector<16xi32>
    %get3A_500 = arith.index_cast %multiple_of3A_480 : i32 to index
    %get3A_501 = tpu.vector_load %arg11[%get3A_500] {strides = array<i32>} : memref<512xi32, #tpu.memory_space<vmem>>, vector<16xi32>,
    %eq3A_502 = vector.broadcast %sub3A_484 : i32 to vector<16xi32>
    %eq3A_503 = arith.cmpi eq, %iota3A, %eq3A_502 : vector<16xi32>
    %jit3A_504 = arith.constant 0 : i32
    %broadcast_in_dim3A_505 = vector.broadcast %jit3A_504 : i32 to vector<16xi32>
    %select_n3A_506 = arith.select %eq3A_503, %get3A_501, %broadcast_in_dim3A_505 : vector<16xi1>, vector<16xi32>
    %reduce_max3A_507 = arith.constant true
    %reduce_max3A_508 = vector.broadcast %reduce_max3A_507 : i1 to vector<16xi1>
    %reduce_max3A_509 = arith.constant -2147483648 : i32
    %reduce_max3A_510 = vector.broadcast %reduce_max3A_509 : i32 to vector<16xi32>
    %reduce_max3A_511 = arith.xori %select_n3A_506, %reduce_max3A_510 : vector<16xi32>
    %reduce_max3A_512 = tpu.scan <max>, %reduce_max3A_511 masked %reduce_max3A_508 : vector<16xi32>, vector<16xi1> -> vector<16xi32>
    %reduce_max3A_513 = arith.xori %reduce_max3A_512, %reduce_max3A_510 : vector<16xi32>
    %reduce_max3A_514 = vector.extract %reduce_max3A_513[15] : i32 from vector<16xi32>
    %shift_right_logical3A_515 = arith.constant 7 : i32
    %shift_right_logical3A_516 = arith.shrui %reduce_max3A_499, %shift_right_logical3A_515 : i32
    %mul3A_517 = arith.constant 128 : i32
    %mul3A_518 = arith.muli %shift_right_logical3A_516, %mul3A_517 : i32
    %multiple_of3A_519 = tpu.assume_multiple %mul3A_518, 128 : i32
    %shift_right_logical3A_520 = arith.constant 7 : i32
    %shift_right_logical3A_521 = arith.shrui %reduce_max3A_514, %shift_right_logical3A_520 : i32
    %mul3A_522 = arith.constant 128 : i32
    %mul3A_523 = arith.muli %shift_right_logical3A_521, %mul3A_522 : i32
    %multiple_of3A_524 = tpu.assume_multiple %mul3A_523, 128 : i32
    %dma_start3A_525 = arith.constant 0 : i32
    %dma_start3A_526 = tpu.memref_slice %arg5[%dma_start3A_525, %multiple_of3A_519] : memref<64x1000000xf32, #tpu.memory_space<hbm>> -> memref<64x128xf32, #tpu.memory_space<hbm>>
    %dma_start3A_527 = arith.constant 0 : i32
    %dma_start3A_528 = tpu.memref_slice %arg5[%dma_start3A_527, %multiple_of3A_519] : memref<64x1000000xf32, #tpu.memory_space<hbm>> -> memref<64x128xf32, #tpu.memory_space<hbm>>
    tpu.enqueue_dma source(%dma_start3A_528 : memref<64x128xf32, #tpu.memory_space<hbm>>) target(%arg17 : memref<64x128xf32, #tpu.memory_space<vmem>>) target_semaphore(%arg25 : memref<!tpu.dma_semaphore, #tpu.memory_space<semaphore_mem>>)
    %dma_start3A_529 = arith.constant 0 : i32
    %dma_start3A_530 = tpu.memref_slice %arg6[%dma_start3A_529, %multiple_of3A_524] : memref<64x1000000xf32, #tpu.memory_space<hbm>> -> memref<64x128xf32, #tpu.memory_space<hbm>>
    %dma_start3A_531 = arith.constant 0 : i32
    %dma_start3A_532 = tpu.memref_slice %arg6[%dma_start3A_531, %multiple_of3A_524] : memref<64x1000000xf32, #tpu.memory_space<hbm>> -> memref<64x128xf32, #tpu.memory_space<hbm>>
    tpu.enqueue_dma source(%dma_start3A_532 : memref<64x128xf32, #tpu.memory_space<hbm>>) target(%arg21 : memref<64x128xf32, #tpu.memory_space<vmem>>) target_semaphore(%arg29 : memref<!tpu.dma_semaphore, #tpu.memory_space<semaphore_mem>>)
    %shift_right_logical3A_533 = arith.constant 3 : i32
    %shift_right_logical3A_534 = arith.constant 4 : i32
    %shift_right_logical3A_535 = arith.shrui %shift_right_logical3A_533, %shift_right_logical3A_534 : i32
    %mul3A_536 = arith.constant 16 : i32
    %mul3A_537 = arith.muli %shift_right_logical3A_535, %mul3A_536 : i32
    %multiple_of3A_538 = tpu.assume_multiple %mul3A_537, 16 : i32
    %mul3A_539 = arith.constant 16 : i32
    %mul3A_540 = arith.muli %shift_right_logical3A_535, %mul3A_539 : i32
    %sub3A_541 = arith.constant 3 : i32
    %sub3A_542 = arith.subi %sub3A_541, %mul3A_540 : i32
    %get3A_543 = arith.index_cast %multiple_of3A_538 : i32 to index
    %get3A_544 = tpu.vector_load %arg10[%get3A_543] {strides = array<i32>} : memref<512xi32, #tpu.memory_space<vmem>>, vector<16xi32>,
    %eq3A_545 = vector.broadcast %sub3A_542 : i32 to vector<16xi32>
    %eq3A_546 = arith.cmpi eq, %iota3A, %eq3A_545 : vector<16xi32>
    %jit3A_547 = arith.constant 0 : i32
    %broadcast_in_dim3A_548 = vector.broadcast %jit3A_547 : i32 to vector<16xi32>
    %select_n3A_549 = arith.select %eq3A_546, %get3A_544, %broadcast_in_dim3A_548 : vector<16xi1>, vector<16xi32>
    %reduce_max3A_550 = arith.constant true
    %reduce_max3A_551 = vector.broadcast %reduce_max3A_550 : i1 to vector<16xi1>
    %reduce_max3A_552 = arith.constant -2147483648 : i32
    %reduce_max3A_553 = vector.broadcast %reduce_max3A_552 : i32 to vector<16xi32>
    %reduce_max3A_554 = arith.xori %select_n3A_549, %reduce_max3A_553 : vector<16xi32>
    %reduce_max3A_555 = tpu.scan <max>, %reduce_max3A_554 masked %reduce_max3A_551 : vector<16xi32>, vector<16xi1> -> vector<16xi32>
    %reduce_max3A_556 = arith.xori %reduce_max3A_555, %reduce_max3A_553 : vector<16xi32>
    %reduce_max3A_557 = vector.extract %reduce_max3A_556[15] : i32 from vector<16xi32>
    %get3A_558 = arith.index_cast %multiple_of3A_538 : i32 to index
    %get3A_559 = tpu.vector_load %arg11[%get3A_558] {strides = array<i32>} : memref<512xi32, #tpu.memory_space<vmem>>, vector<16xi32>,
    %eq3A_560 = vector.broadcast %sub3A_542 : i32 to vector<16xi32>
    %eq3A_561 = arith.cmpi eq, %iota3A, %eq3A_560 : vector<16xi32>
    %jit3A_562 = arith.constant 0 : i32
    %broadcast_in_dim3A_563 = vector.broadcast %jit3A_562 : i32 to vector<16xi32>
    %select_n3A_564 = arith.select %eq3A_561, %get3A_559, %broadcast_in_dim3A_563 : vector<16xi1>, vector<16xi32>
    %reduce_max3A_565 = arith.constant true
    %reduce_max3A_566 = vector.broadcast %reduce_max3A_565 : i1 to vector<16xi1>
    %reduce_max3A_567 = arith.constant -2147483648 : i32
    %reduce_max3A_568 = vector.broadcast %reduce_max3A_567 : i32 to vector<16xi32>
    %reduce_max3A_569 = arith.xori %select_n3A_564, %reduce_max3A_568 : vector<16xi32>
    %reduce_max3A_570 = tpu.scan <max>, %reduce_max3A_569 masked %reduce_max3A_566 : vector<16xi32>, vector<16xi1> -> vector<16xi32>
    %reduce_max3A_571 = arith.xori %reduce_max3A_570, %reduce_max3A_568 : vector<16xi32>
    %reduce_max3A_572 = vector.extract %reduce_max3A_571[15] : i32 from vector<16xi32>
    %shift_right_logical3A_573 = arith.constant 7 : i32
    %shift_right_logical3A_574 = arith.shrui %reduce_max3A_557, %shift_right_logical3A_573 : i32
    %mul3A_575 = arith.constant 128 : i32
    %mul3A_576 = arith.muli %shift_right_logical3A_574, %mul3A_575 : i32
    %multiple_of3A_577 = tpu.assume_multiple %mul3A_576, 128 : i32
    %shift_right_logical3A_578 = arith.constant 7 : i32
    %shift_right_logical3A_579 = arith.shrui %reduce_max3A_572, %shift_right_logical3A_578 : i32
    %mul3A_580 = arith.constant 128 : i32
    %mul3A_581 = arith.muli %shift_right_logical3A_579, %mul3A_580 : i32
    %multiple_of3A_582 = tpu.assume_multiple %mul3A_581, 128 : i32
    %dma_start3A_583 = arith.constant 0 : i32
    %dma_start3A_584 = tpu.memref_slice %arg5[%dma_start3A_583, %multiple_of3A_577] : memref<64x1000000xf32, #tpu.memory_space<hbm>> -> memref<64x128xf32, #tpu.memory_space<hbm>>
    %dma_start3A_585 = arith.constant 0 : i32
    %dma_start3A_586 = tpu.memref_slice %arg5[%dma_start3A_585, %multiple_of3A_577] : memref<64x1000000xf32, #tpu.memory_space<hbm>> -> memref<64x128xf32, #tpu.memory_space<hbm>>
    tpu.enqueue_dma source(%dma_start3A_586 : memref<64x128xf32, #tpu.memory_space<hbm>>) target(%arg18 : memref<64x128xf32, #tpu.memory_space<vmem>>) target_semaphore(%arg26 : memref<!tpu.dma_semaphore, #tpu.memory_space<semaphore_mem>>)
    %dma_start3A_587 = arith.constant 0 : i32
    %dma_start3A_588 = tpu.memref_slice %arg6[%dma_start3A_587, %multiple_of3A_582] : memref<64x1000000xf32, #tpu.memory_space<hbm>> -> memref<64x128xf32, #tpu.memory_space<hbm>>
    %dma_start3A_589 = arith.constant 0 : i32
    %dma_start3A_590 = tpu.memref_slice %arg6[%dma_start3A_589, %multiple_of3A_582] : memref<64x1000000xf32, #tpu.memory_space<hbm>> -> memref<64x128xf32, #tpu.memory_space<hbm>>
    tpu.enqueue_dma source(%dma_start3A_590 : memref<64x128xf32, #tpu.memory_space<hbm>>) target(%arg22 : memref<64x128xf32, #tpu.memory_space<vmem>>) target_semaphore(%arg30 : memref<!tpu.dma_semaphore, #tpu.memory_space<semaphore_mem>>)
    %scan3A = arith.constant 0 : i32
    %scan3A_591 = arith.constant 64 : i32
    %scan3A_592 = arith.addi %scan3A, %scan3A_591 : i32
    %scan3A_593 = arith.constant 1 : i32
    %scan3A_594:8 = scf.for %scan3A_933 = %scan3A to %scan3A_592 step %scan3A_593 iter_args(%scan3A_934 = %reduce_max3A_384, %scan3A_935 = %reduce_max3A_399, %scan3A_936 = %reduce_max3A_441, %scan3A_937 = %reduce_max3A_456, %scan3A_938 = %reduce_max3A_499, %scan3A_939 = %reduce_max3A_514, %scan3A_940 = %reduce_max3A_557, %scan3A_941 = %reduce_max3A_572) -> (i32, i32, i32, i32, i32, i32, i32, i32)  : i32 {
      %mul3A_942 = arith.constant 4 : i32
      %mul3A_943 = arith.muli %mul3A_942, %scan3A_933 : i32
      %add3A_944 = arith.constant 0 : i32
      %add3A_945 = arith.addi %add3A_944, %mul3A_943 : i32
      %add3A_946 = arith.constant 0 : i32
      %add3A_947 = arith.addi %add3A_945, %add3A_946 : i32
      %and3A = arith.constant 127 : i32
      %and3A_948 = arith.andi %scan3A_934, %and3A : i32
      %broadcast_in_dim3A_949 = vector.broadcast %and3A_948 : i32 to vector<16xi32>
      %and3A_950 = arith.constant 127 : i32
      %and3A_951 = arith.andi %scan3A_935, %and3A_950 : i32
      %broadcast_in_dim3A_952 = vector.broadcast %and3A_951 : i32 to vector<16xi32>
      %dma_wait3A_953 = arith.constant 0 : i32
      %dma_wait3A_954 = arith.constant 0 : i32
      %dma_wait3A_955 = tpu.memref_slice %arg5[%dma_wait3A_953, %dma_wait3A_954] : memref<64x1000000xf32, #tpu.memory_space<hbm>> -> memref<64x128xf32, #tpu.memory_space<hbm>>
      %dma_wait3A_956 = arith.constant 0 : i32
      %dma_wait3A_957 = arith.constant 0 : i32
      %dma_wait3A_958 = tpu.memref_slice %arg5[%dma_wait3A_956, %dma_wait3A_957] : memref<64x1000000xf32, #tpu.memory_space<hbm>> -> memref<64x128xf32, #tpu.memory_space<hbm>>
      tpu.wait_dma2 semaphore(%arg23 : memref<!tpu.dma_semaphore, #tpu.memory_space<semaphore_mem>>) src(%dma_wait3A_958 : memref<64x128xf32, #tpu.memory_space<hbm>>) dst(%arg15 : memref<64x128xf32, #tpu.memory_space<vmem>>)
      %dma_wait3A_959 = arith.constant 0 : i32
      %dma_wait3A_960 = arith.constant 0 : i32
      %dma_wait3A_961 = tpu.memref_slice %arg6[%dma_wait3A_959, %dma_wait3A_960] : memref<64x1000000xf32, #tpu.memory_space<hbm>> -> memref<64x128xf32, #tpu.memory_space<hbm>>
      %dma_wait3A_962 = arith.constant 0 : i32
      %dma_wait3A_963 = arith.constant 0 : i32
      %dma_wait3A_964 = tpu.memref_slice %arg6[%dma_wait3A_962, %dma_wait3A_963] : memref<64x1000000xf32, #tpu.memory_space<hbm>> -> memref<64x128xf32, #tpu.memory_space<hbm>>
      tpu.wait_dma2 semaphore(%arg27 : memref<!tpu.dma_semaphore, #tpu.memory_space<semaphore_mem>>) src(%dma_wait3A_964 : memref<64x128xf32, #tpu.memory_space<hbm>>) dst(%arg19 : memref<64x128xf32, #tpu.memory_space<vmem>>)
      %add3A_965 = arith.constant 0 : i32
      %add3A_966 = vector.broadcast %add3A_965 : i32 to vector<16xi32>
      %add3A_967 = arith.addi %add3A_966, %iota3A : vector<16xi32>
      %gather3A_968 = tpu.vector_load_idx %arg15[%add3A_967, %broadcast_in_dim3A_949] : memref<64x128xf32, #tpu.memory_space<vmem>>[vector<16xi32>, vector<16xi32>], vector<16xf32>,
      %gather3A_969 = tpu.vector_load_idx %arg19[%add3A_967, %broadcast_in_dim3A_952] : memref<64x128xf32, #tpu.memory_space<vmem>>[vector<16xi32>, vector<16xi32>], vector<16xf32>,
      %add3A_970 = arith.addf %gather3A_968, %gather3A_969 : vector<16xf32>
      %add3A_971 = arith.addf %add3A_970, %get3A_3 : vector<16xf32>
      %sub3A_972 = arith.constant 0 : i32
      %sub3A_973 = arith.subi %add3A_947, %sub3A_972 : i32
      %swap3A_974 = arith.index_cast %sub3A_973 : i32 to index
      %swap3A_975 = arith.constant 0 : index
      %swap3A_976 = tpu.vector_load %arg14[%swap3A_974, %swap3A_975] {strides = array<i32>} : memref<256x64xf32, #tpu.memory_space<vmem>>, vector<16xf32>,
      tpu.vector_store %arg14[%swap3A_974, %swap3A_975], %add3A_971 {strides = array<i32>} : memref<256x64xf32, #tpu.memory_space<vmem>>, vector<16xf32>,
      %add3A_977 = arith.constant 16 : i32
      %add3A_978 = vector.broadcast %add3A_977 : i32 to vector<16xi32>
      %add3A_979 = arith.addi %add3A_978, %iota3A : vector<16xi32>
      %gather3A_980 = tpu.vector_load_idx %arg15[%add3A_979, %broadcast_in_dim3A_949] : memref<64x128xf32, #tpu.memory_space<vmem>>[vector<16xi32>, vector<16xi32>], vector<16xf32>,
      %gather3A_981 = tpu.vector_load_idx %arg19[%add3A_979, %broadcast_in_dim3A_952] : memref<64x128xf32, #tpu.memory_space<vmem>>[vector<16xi32>, vector<16xi32>], vector<16xf32>,
      %add3A_982 = arith.addf %gather3A_980, %gather3A_981 : vector<16xf32>
      %add3A_983 = arith.addf %add3A_982, %get3A_5 : vector<16xf32>
      %sub3A_984 = arith.constant 0 : i32
      %sub3A_985 = arith.subi %add3A_947, %sub3A_984 : i32
      %swap3A_986 = arith.index_cast %sub3A_985 : i32 to index
      %swap3A_987 = arith.constant 16 : index
      %swap3A_988 = tpu.vector_load %arg14[%swap3A_986, %swap3A_987] {strides = array<i32>} : memref<256x64xf32, #tpu.memory_space<vmem>>, vector<16xf32>,
      tpu.vector_store %arg14[%swap3A_986, %swap3A_987], %add3A_983 {strides = array<i32>} : memref<256x64xf32, #tpu.memory_space<vmem>>, vector<16xf32>,
      %add3A_989 = arith.constant 32 : i32
      %add3A_990 = vector.broadcast %add3A_989 : i32 to vector<16xi32>
      %add3A_991 = arith.addi %add3A_990, %iota3A : vector<16xi32>
      %gather3A_992 = tpu.vector_load_idx %arg15[%add3A_991, %broadcast_in_dim3A_949] : memref<64x128xf32, #tpu.memory_space<vmem>>[vector<16xi32>, vector<16xi32>], vector<16xf32>,
      %gather3A_993 = tpu.vector_load_idx %arg19[%add3A_991, %broadcast_in_dim3A_952] : memref<64x128xf32, #tpu.memory_space<vmem>>[vector<16xi32>, vector<16xi32>], vector<16xf32>,
      %add3A_994 = arith.addf %gather3A_992, %gather3A_993 : vector<16xf32>
      %add3A_995 = arith.addf %add3A_994, %get3A_7 : vector<16xf32>
      %sub3A_996 = arith.constant 0 : i32
      %sub3A_997 = arith.subi %add3A_947, %sub3A_996 : i32
      %swap3A_998 = arith.index_cast %sub3A_997 : i32 to index
      %swap3A_999 = arith.constant 32 : index
      %swap3A_1000 = tpu.vector_load %arg14[%swap3A_998, %swap3A_999] {strides = array<i32>} : memref<256x64xf32, #tpu.memory_space<vmem>>, vector<16xf32>,
      tpu.vector_store %arg14[%swap3A_998, %swap3A_999], %add3A_995 {strides = array<i32>} : memref<256x64xf32, #tpu.memory_space<vmem>>, vector<16xf32>,
      %add3A_1001 = arith.constant 48 : i32
      %add3A_1002 = vector.broadcast %add3A_1001 : i32 to vector<16xi32>
      %add3A_1003 = arith.addi %add3A_1002, %iota3A : vector<16xi32>
      %gather3A_1004 = tpu.vector_load_idx %arg15[%add3A_1003, %broadcast_in_dim3A_949] : memref<64x128xf32, #tpu.memory_space<vmem>>[vector<16xi32>, vector<16xi32>], vector<16xf32>,
      %gather3A_1005 = tpu.vector_load_idx %arg19[%add3A_1003, %broadcast_in_dim3A_952] : memref<64x128xf32, #tpu.memory_space<vmem>>[vector<16xi32>, vector<16xi32>], vector<16xf32>,
      %add3A_1006 = arith.addf %gather3A_1004, %gather3A_1005 : vector<16xf32>
      %add3A_1007 = arith.addf %add3A_1006, %get3A_9 : vector<16xf32>
      %sub3A_1008 = arith.constant 0 : i32
      %sub3A_1009 = arith.subi %add3A_947, %sub3A_1008 : i32
      %swap3A_1010 = arith.index_cast %sub3A_1009 : i32 to index
      %swap3A_1011 = arith.constant 48 : index
      %swap3A_1012 = tpu.vector_load %arg14[%swap3A_1010, %swap3A_1011] {strides = array<i32>} : memref<256x64xf32, #tpu.memory_space<vmem>>, vector<16xf32>,
      tpu.vector_store %arg14[%swap3A_1010, %swap3A_1011], %add3A_1007 {strides = array<i32>} : memref<256x64xf32, #tpu.memory_space<vmem>>, vector<16xf32>,
      %add3A_1013 = arith.constant 0 : i32
      %add3A_1014 = arith.addi %add3A_945, %add3A_1013 : i32
      %add3A_1015 = arith.constant 4 : i32
      %add3A_1016 = arith.addi %add3A_1014, %add3A_1015 : i32
      %sub3A_1017 = arith.constant 0 : i32
      %sub3A_1018 = arith.subi %add3A_1016, %sub3A_1017 : i32
      %rem3A = arith.constant 256 : i32
      %rem3A_1019 = arith.remsi %sub3A_1018, %rem3A : i32
      %add3A_1020 = arith.constant 0 : i32
      %add3A_1021 = arith.addi %add3A_1020, %rem3A_1019 : i32
      %shift_right_logical3A_1022 = arith.constant 4 : i32
      %shift_right_logical3A_1023 = arith.shrui %add3A_1021, %shift_right_logical3A_1022 : i32
      %mul3A_1024 = arith.constant 16 : i32
      %mul3A_1025 = arith.muli %shift_right_logical3A_1023, %mul3A_1024 : i32
      %multiple_of3A_1026 = tpu.assume_multiple %mul3A_1025, 16 : i32
      %mul3A_1027 = arith.constant 16 : i32
      %mul3A_1028 = arith.muli %shift_right_logical3A_1023, %mul3A_1027 : i32
      %sub3A_1029 = arith.subi %add3A_1021, %mul3A_1028 : i32
      %get3A_1030 = arith.index_cast %multiple_of3A_1026 : i32 to index
      %get3A_1031 = tpu.vector_load %arg10[%get3A_1030] {strides = array<i32>} : memref<512xi32, #tpu.memory_space<vmem>>, vector<16xi32>,
      %eq3A_1032 = vector.broadcast %sub3A_1029 : i32 to vector<16xi32>
      %eq3A_1033 = arith.cmpi eq, %iota3A, %eq3A_1032 : vector<16xi32>
      %jit3A_1034 = arith.constant 0 : i32
      %broadcast_in_dim3A_1035 = vector.broadcast %jit3A_1034 : i32 to vector<16xi32>
      %select_n3A_1036 = arith.select %eq3A_1033, %get3A_1031, %broadcast_in_dim3A_1035 : vector<16xi1>, vector<16xi32>
      %reduce_max3A_1037 = arith.constant true
      %reduce_max3A_1038 = vector.broadcast %reduce_max3A_1037 : i1 to vector<16xi1>
      %reduce_max3A_1039 = arith.constant -2147483648 : i32
      %reduce_max3A_1040 = vector.broadcast %reduce_max3A_1039 : i32 to vector<16xi32>
      %reduce_max3A_1041 = arith.xori %select_n3A_1036, %reduce_max3A_1040 : vector<16xi32>
      %reduce_max3A_1042 = tpu.scan <max>, %reduce_max3A_1041 masked %reduce_max3A_1038 : vector<16xi32>, vector<16xi1> -> vector<16xi32>
      %reduce_max3A_1043 = arith.xori %reduce_max3A_1042, %reduce_max3A_1040 : vector<16xi32>
      %reduce_max3A_1044 = vector.extract %reduce_max3A_1043[15] : i32 from vector<16xi32>
      %get3A_1045 = arith.index_cast %multiple_of3A_1026 : i32 to index
      %get3A_1046 = tpu.vector_load %arg11[%get3A_1045] {strides = array<i32>} : memref<512xi32, #tpu.memory_space<vmem>>, vector<16xi32>,
      %eq3A_1047 = vector.broadcast %sub3A_1029 : i32 to vector<16xi32>
      %eq3A_1048 = arith.cmpi eq, %iota3A, %eq3A_1047 : vector<16xi32>
      %jit3A_1049 = arith.constant 0 : i32
      %broadcast_in_dim3A_1050 = vector.broadcast %jit3A_1049 : i32 to vector<16xi32>
      %select_n3A_1051 = arith.select %eq3A_1048, %get3A_1046, %broadcast_in_dim3A_1050 : vector<16xi1>, vector<16xi32>
      %reduce_max3A_1052 = arith.constant true
      %reduce_max3A_1053 = vector.broadcast %reduce_max3A_1052 : i1 to vector<16xi1>
      %reduce_max3A_1054 = arith.constant -2147483648 : i32
      %reduce_max3A_1055 = vector.broadcast %reduce_max3A_1054 : i32 to vector<16xi32>
      %reduce_max3A_1056 = arith.xori %select_n3A_1051, %reduce_max3A_1055 : vector<16xi32>
      %reduce_max3A_1057 = tpu.scan <max>, %reduce_max3A_1056 masked %reduce_max3A_1053 : vector<16xi32>, vector<16xi1> -> vector<16xi32>
      %reduce_max3A_1058 = arith.xori %reduce_max3A_1057, %reduce_max3A_1055 : vector<16xi32>
      %reduce_max3A_1059 = vector.extract %reduce_max3A_1058[15] : i32 from vector<16xi32>
      %shift_right_logical3A_1060 = arith.constant 7 : i32
      %shift_right_logical3A_1061 = arith.shrui %reduce_max3A_1044, %shift_right_logical3A_1060 : i32
      %mul3A_1062 = arith.constant 128 : i32
      %mul3A_1063 = arith.muli %shift_right_logical3A_1061, %mul3A_1062 : i32
      %multiple_of3A_1064 = tpu.assume_multiple %mul3A_1063, 128 : i32
      %shift_right_logical3A_1065 = arith.constant 7 : i32
      %shift_right_logical3A_1066 = arith.shrui %reduce_max3A_1059, %shift_right_logical3A_1065 : i32
      %mul3A_1067 = arith.constant 128 : i32
      %mul3A_1068 = arith.muli %shift_right_logical3A_1066, %mul3A_1067 : i32
      %multiple_of3A_1069 = tpu.assume_multiple %mul3A_1068, 128 : i32
      %dma_start3A_1070 = arith.constant 0 : i32
      %dma_start3A_1071 = tpu.memref_slice %arg5[%dma_start3A_1070, %multiple_of3A_1064] : memref<64x1000000xf32, #tpu.memory_space<hbm>> -> memref<64x128xf32, #tpu.memory_space<hbm>>
      %dma_start3A_1072 = arith.constant 0 : i32
      %dma_start3A_1073 = tpu.memref_slice %arg5[%dma_start3A_1072, %multiple_of3A_1064] : memref<64x1000000xf32, #tpu.memory_space<hbm>> -> memref<64x128xf32, #tpu.memory_space<hbm>>
      tpu.enqueue_dma source(%dma_start3A_1073 : memref<64x128xf32, #tpu.memory_space<hbm>>) target(%arg15 : memref<64x128xf32, #tpu.memory_space<vmem>>) target_semaphore(%arg23 : memref<!tpu.dma_semaphore, #tpu.memory_space<semaphore_mem>>)
      %dma_start3A_1074 = arith.constant 0 : i32
      %dma_start3A_1075 = tpu.memref_slice %arg6[%dma_start3A_1074, %multiple_of3A_1069] : memref<64x1000000xf32, #tpu.memory_space<hbm>> -> memref<64x128xf32, #tpu.memory_space<hbm>>
      %dma_start3A_1076 = arith.constant 0 : i32
      %dma_start3A_1077 = tpu.memref_slice %arg6[%dma_start3A_1076, %multiple_of3A_1069] : memref<64x1000000xf32, #tpu.memory_space<hbm>> -> memref<64x128xf32, #tpu.memory_space<hbm>>
      tpu.enqueue_dma source(%dma_start3A_1077 : memref<64x128xf32, #tpu.memory_space<hbm>>) target(%arg19 : memref<64x128xf32, #tpu.memory_space<vmem>>) target_semaphore(%arg27 : memref<!tpu.dma_semaphore, #tpu.memory_space<semaphore_mem>>)
      %add3A_1078 = arith.constant 1 : i32
      %add3A_1079 = arith.addi %add3A_945, %add3A_1078 : i32
      %and3A_1080 = arith.constant 127 : i32
      %and3A_1081 = arith.andi %scan3A_936, %and3A_1080 : i32
      %broadcast_in_dim3A_1082 = vector.broadcast %and3A_1081 : i32 to vector<16xi32>
      %and3A_1083 = arith.constant 127 : i32
      %and3A_1084 = arith.andi %scan3A_937, %and3A_1083 : i32
      %broadcast_in_dim3A_1085 = vector.broadcast %and3A_1084 : i32 to vector<16xi32>
      %dma_wait3A_1086 = arith.constant 0 : i32
      %dma_wait3A_1087 = arith.constant 0 : i32
      %dma_wait3A_1088 = tpu.memref_slice %arg5[%dma_wait3A_1086, %dma_wait3A_1087] : memref<64x1000000xf32, #tpu.memory_space<hbm>> -> memref<64x128xf32, #tpu.memory_space<hbm>>
      %dma_wait3A_1089 = arith.constant 0 : i32
      %dma_wait3A_1090 = arith.constant 0 : i32
      %dma_wait3A_1091 = tpu.memref_slice %arg5[%dma_wait3A_1089, %dma_wait3A_1090] : memref<64x1000000xf32, #tpu.memory_space<hbm>> -> memref<64x128xf32, #tpu.memory_space<hbm>>
      tpu.wait_dma2 semaphore(%arg24 : memref<!tpu.dma_semaphore, #tpu.memory_space<semaphore_mem>>) src(%dma_wait3A_1091 : memref<64x128xf32, #tpu.memory_space<hbm>>) dst(%arg16 : memref<64x128xf32, #tpu.memory_space<vmem>>)
      %dma_wait3A_1092 = arith.constant 0 : i32
      %dma_wait3A_1093 = arith.constant 0 : i32
      %dma_wait3A_1094 = tpu.memref_slice %arg6[%dma_wait3A_1092, %dma_wait3A_1093] : memref<64x1000000xf32, #tpu.memory_space<hbm>> -> memref<64x128xf32, #tpu.memory_space<hbm>>
      %dma_wait3A_1095 = arith.constant 0 : i32
      %dma_wait3A_1096 = arith.constant 0 : i32
      %dma_wait3A_1097 = tpu.memref_slice %arg6[%dma_wait3A_1095, %dma_wait3A_1096] : memref<64x1000000xf32, #tpu.memory_space<hbm>> -> memref<64x128xf32, #tpu.memory_space<hbm>>
      tpu.wait_dma2 semaphore(%arg28 : memref<!tpu.dma_semaphore, #tpu.memory_space<semaphore_mem>>) src(%dma_wait3A_1097 : memref<64x128xf32, #tpu.memory_space<hbm>>) dst(%arg20 : memref<64x128xf32, #tpu.memory_space<vmem>>)
      %add3A_1098 = arith.constant 0 : i32
      %add3A_1099 = vector.broadcast %add3A_1098 : i32 to vector<16xi32>
      %add3A_1100 = arith.addi %add3A_1099, %iota3A : vector<16xi32>
      %gather3A_1101 = tpu.vector_load_idx %arg16[%add3A_1100, %broadcast_in_dim3A_1082] : memref<64x128xf32, #tpu.memory_space<vmem>>[vector<16xi32>, vector<16xi32>], vector<16xf32>,
      %gather3A_1102 = tpu.vector_load_idx %arg20[%add3A_1100, %broadcast_in_dim3A_1085] : memref<64x128xf32, #tpu.memory_space<vmem>>[vector<16xi32>, vector<16xi32>], vector<16xf32>,
      %add3A_1103 = arith.addf %gather3A_1101, %gather3A_1102 : vector<16xf32>
      %add3A_1104 = arith.addf %add3A_1103, %get3A_3 : vector<16xf32>
      %sub3A_1105 = arith.constant 0 : i32
      %sub3A_1106 = arith.subi %add3A_1079, %sub3A_1105 : i32
      %swap3A_1107 = arith.index_cast %sub3A_1106 : i32 to index
      %swap3A_1108 = arith.constant 0 : index
      %swap3A_1109 = tpu.vector_load %arg14[%swap3A_1107, %swap3A_1108] {strides = array<i32>} : memref<256x64xf32, #tpu.memory_space<vmem>>, vector<16xf32>,
      tpu.vector_store %arg14[%swap3A_1107, %swap3A_1108], %add3A_1104 {strides = array<i32>} : memref<256x64xf32, #tpu.memory_space<vmem>>, vector<16xf32>,
      %add3A_1110 = arith.constant 16 : i32
      %add3A_1111 = vector.broadcast %add3A_1110 : i32 to vector<16xi32>
      %add3A_1112 = arith.addi %add3A_1111, %iota3A : vector<16xi32>
      %gather3A_1113 = tpu.vector_load_idx %arg16[%add3A_1112, %broadcast_in_dim3A_1082] : memref<64x128xf32, #tpu.memory_space<vmem>>[vector<16xi32>, vector<16xi32>], vector<16xf32>,
      %gather3A_1114 = tpu.vector_load_idx %arg20[%add3A_1112, %broadcast_in_dim3A_1085] : memref<64x128xf32, #tpu.memory_space<vmem>>[vector<16xi32>, vector<16xi32>], vector<16xf32>,
      %add3A_1115 = arith.addf %gather3A_1113, %gather3A_1114 : vector<16xf32>
      %add3A_1116 = arith.addf %add3A_1115, %get3A_5 : vector<16xf32>
      %sub3A_1117 = arith.constant 0 : i32
      %sub3A_1118 = arith.subi %add3A_1079, %sub3A_1117 : i32
      %swap3A_1119 = arith.index_cast %sub3A_1118 : i32 to index
      %swap3A_1120 = arith.constant 16 : index
      %swap3A_1121 = tpu.vector_load %arg14[%swap3A_1119, %swap3A_1120] {strides = array<i32>} : memref<256x64xf32, #tpu.memory_space<vmem>>, vector<16xf32>,
      tpu.vector_store %arg14[%swap3A_1119, %swap3A_1120], %add3A_1116 {strides = array<i32>} : memref<256x64xf32, #tpu.memory_space<vmem>>, vector<16xf32>,
      %add3A_1122 = arith.constant 32 : i32
      %add3A_1123 = vector.broadcast %add3A_1122 : i32 to vector<16xi32>
      %add3A_1124 = arith.addi %add3A_1123, %iota3A : vector<16xi32>
      %gather3A_1125 = tpu.vector_load_idx %arg16[%add3A_1124, %broadcast_in_dim3A_1082] : memref<64x128xf32, #tpu.memory_space<vmem>>[vector<16xi32>, vector<16xi32>], vector<16xf32>,
      %gather3A_1126 = tpu.vector_load_idx %arg20[%add3A_1124, %broadcast_in_dim3A_1085] : memref<64x128xf32, #tpu.memory_space<vmem>>[vector<16xi32>, vector<16xi32>], vector<16xf32>,
      %add3A_1127 = arith.addf %gather3A_1125, %gather3A_1126 : vector<16xf32>
      %add3A_1128 = arith.addf %add3A_1127, %get3A_7 : vector<16xf32>
      %sub3A_1129 = arith.constant 0 : i32
      %sub3A_1130 = arith.subi %add3A_1079, %sub3A_1129 : i32
      %swap3A_1131 = arith.index_cast %sub3A_1130 : i32 to index
      %swap3A_1132 = arith.constant 32 : index
      %swap3A_1133 = tpu.vector_load %arg14[%swap3A_1131, %swap3A_1132] {strides = array<i32>} : memref<256x64xf32, #tpu.memory_space<vmem>>, vector<16xf32>,
      tpu.vector_store %arg14[%swap3A_1131, %swap3A_1132], %add3A_1128 {strides = array<i32>} : memref<256x64xf32, #tpu.memory_space<vmem>>, vector<16xf32>,
      %add3A_1134 = arith.constant 48 : i32
      %add3A_1135 = vector.broadcast %add3A_1134 : i32 to vector<16xi32>
      %add3A_1136 = arith.addi %add3A_1135, %iota3A : vector<16xi32>
      %gather3A_1137 = tpu.vector_load_idx %arg16[%add3A_1136, %broadcast_in_dim3A_1082] : memref<64x128xf32, #tpu.memory_space<vmem>>[vector<16xi32>, vector<16xi32>], vector<16xf32>,
      %gather3A_1138 = tpu.vector_load_idx %arg20[%add3A_1136, %broadcast_in_dim3A_1085] : memref<64x128xf32, #tpu.memory_space<vmem>>[vector<16xi32>, vector<16xi32>], vector<16xf32>,
      %add3A_1139 = arith.addf %gather3A_1137, %gather3A_1138 : vector<16xf32>
      %add3A_1140 = arith.addf %add3A_1139, %get3A_9 : vector<16xf32>
      %sub3A_1141 = arith.constant 0 : i32
      %sub3A_1142 = arith.subi %add3A_1079, %sub3A_1141 : i32
      %swap3A_1143 = arith.index_cast %sub3A_1142 : i32 to index
      %swap3A_1144 = arith.constant 48 : index
      %swap3A_1145 = tpu.vector_load %arg14[%swap3A_1143, %swap3A_1144] {strides = array<i32>} : memref<256x64xf32, #tpu.memory_space<vmem>>, vector<16xf32>,
      tpu.vector_store %arg14[%swap3A_1143, %swap3A_1144], %add3A_1140 {strides = array<i32>} : memref<256x64xf32, #tpu.memory_space<vmem>>, vector<16xf32>,
      %add3A_1146 = arith.constant 1 : i32
      %add3A_1147 = arith.addi %add3A_945, %add3A_1146 : i32
      %add3A_1148 = arith.constant 4 : i32
      %add3A_1149 = arith.addi %add3A_1147, %add3A_1148 : i32
      %sub3A_1150 = arith.constant 0 : i32
      %sub3A_1151 = arith.subi %add3A_1149, %sub3A_1150 : i32
      %rem3A_1152 = arith.constant 256 : i32
      %rem3A_1153 = arith.remsi %sub3A_1151, %rem3A_1152 : i32
      %add3A_1154 = arith.constant 0 : i32
      %add3A_1155 = arith.addi %add3A_1154, %rem3A_1153 : i32
      %shift_right_logical3A_1156 = arith.constant 4 : i32
      %shift_right_logical3A_1157 = arith.shrui %add3A_1155, %shift_right_logical3A_1156 : i32
      %mul3A_1158 = arith.constant 16 : i32
      %mul3A_1159 = arith.muli %shift_right_logical3A_1157, %mul3A_1158 : i32
      %multiple_of3A_1160 = tpu.assume_multiple %mul3A_1159, 16 : i32
      %mul3A_1161 = arith.constant 16 : i32
      %mul3A_1162 = arith.muli %shift_right_logical3A_1157, %mul3A_1161 : i32
      %sub3A_1163 = arith.subi %add3A_1155, %mul3A_1162 : i32
      %get3A_1164 = arith.index_cast %multiple_of3A_1160 : i32 to index
      %get3A_1165 = tpu.vector_load %arg10[%get3A_1164] {strides = array<i32>} : memref<512xi32, #tpu.memory_space<vmem>>, vector<16xi32>,
      %eq3A_1166 = vector.broadcast %sub3A_1163 : i32 to vector<16xi32>
      %eq3A_1167 = arith.cmpi eq, %iota3A, %eq3A_1166 : vector<16xi32>
      %jit3A_1168 = arith.constant 0 : i32
      %broadcast_in_dim3A_1169 = vector.broadcast %jit3A_1168 : i32 to vector<16xi32>
      %select_n3A_1170 = arith.select %eq3A_1167, %get3A_1165, %broadcast_in_dim3A_1169 : vector<16xi1>, vector<16xi32>
      %reduce_max3A_1171 = arith.constant true
      %reduce_max3A_1172 = vector.broadcast %reduce_max3A_1171 : i1 to vector<16xi1>
      %reduce_max3A_1173 = arith.constant -2147483648 : i32
      %reduce_max3A_1174 = vector.broadcast %reduce_max3A_1173 : i32 to vector<16xi32>
      %reduce_max3A_1175 = arith.xori %select_n3A_1170, %reduce_max3A_1174 : vector<16xi32>
      %reduce_max3A_1176 = tpu.scan <max>, %reduce_max3A_1175 masked %reduce_max3A_1172 : vector<16xi32>, vector<16xi1> -> vector<16xi32>
      %reduce_max3A_1177 = arith.xori %reduce_max3A_1176, %reduce_max3A_1174 : vector<16xi32>
      %reduce_max3A_1178 = vector.extract %reduce_max3A_1177[15] : i32 from vector<16xi32>
      %get3A_1179 = arith.index_cast %multiple_of3A_1160 : i32 to index
      %get3A_1180 = tpu.vector_load %arg11[%get3A_1179] {strides = array<i32>} : memref<512xi32, #tpu.memory_space<vmem>>, vector<16xi32>,
      %eq3A_1181 = vector.broadcast %sub3A_1163 : i32 to vector<16xi32>
      %eq3A_1182 = arith.cmpi eq, %iota3A, %eq3A_1181 : vector<16xi32>
      %jit3A_1183 = arith.constant 0 : i32
      %broadcast_in_dim3A_1184 = vector.broadcast %jit3A_1183 : i32 to vector<16xi32>
      %select_n3A_1185 = arith.select %eq3A_1182, %get3A_1180, %broadcast_in_dim3A_1184 : vector<16xi1>, vector<16xi32>
      %reduce_max3A_1186 = arith.constant true
      %reduce_max3A_1187 = vector.broadcast %reduce_max3A_1186 : i1 to vector<16xi1>
      %reduce_max3A_1188 = arith.constant -2147483648 : i32
      %reduce_max3A_1189 = vector.broadcast %reduce_max3A_1188 : i32 to vector<16xi32>
      %reduce_max3A_1190 = arith.xori %select_n3A_1185, %reduce_max3A_1189 : vector<16xi32>
      %reduce_max3A_1191 = tpu.scan <max>, %reduce_max3A_1190 masked %reduce_max3A_1187 : vector<16xi32>, vector<16xi1> -> vector<16xi32>
      %reduce_max3A_1192 = arith.xori %reduce_max3A_1191, %reduce_max3A_1189 : vector<16xi32>
      %reduce_max3A_1193 = vector.extract %reduce_max3A_1192[15] : i32 from vector<16xi32>
      %shift_right_logical3A_1194 = arith.constant 7 : i32
      %shift_right_logical3A_1195 = arith.shrui %reduce_max3A_1178, %shift_right_logical3A_1194 : i32
      %mul3A_1196 = arith.constant 128 : i32
      %mul3A_1197 = arith.muli %shift_right_logical3A_1195, %mul3A_1196 : i32
      %multiple_of3A_1198 = tpu.assume_multiple %mul3A_1197, 128 : i32
      %shift_right_logical3A_1199 = arith.constant 7 : i32
      %shift_right_logical3A_1200 = arith.shrui %reduce_max3A_1193, %shift_right_logical3A_1199 : i32
      %mul3A_1201 = arith.constant 128 : i32
      %mul3A_1202 = arith.muli %shift_right_logical3A_1200, %mul3A_1201 : i32
      %multiple_of3A_1203 = tpu.assume_multiple %mul3A_1202, 128 : i32
      %dma_start3A_1204 = arith.constant 0 : i32
      %dma_start3A_1205 = tpu.memref_slice %arg5[%dma_start3A_1204, %multiple_of3A_1198] : memref<64x1000000xf32, #tpu.memory_space<hbm>> -> memref<64x128xf32, #tpu.memory_space<hbm>>
      %dma_start3A_1206 = arith.constant 0 : i32
      %dma_start3A_1207 = tpu.memref_slice %arg5[%dma_start3A_1206, %multiple_of3A_1198] : memref<64x1000000xf32, #tpu.memory_space<hbm>> -> memref<64x128xf32, #tpu.memory_space<hbm>>
      tpu.enqueue_dma source(%dma_start3A_1207 : memref<64x128xf32, #tpu.memory_space<hbm>>) target(%arg16 : memref<64x128xf32, #tpu.memory_space<vmem>>) target_semaphore(%arg24 : memref<!tpu.dma_semaphore, #tpu.memory_space<semaphore_mem>>)
      %dma_start3A_1208 = arith.constant 0 : i32
      %dma_start3A_1209 = tpu.memref_slice %arg6[%dma_start3A_1208, %multiple_of3A_1203] : memref<64x1000000xf32, #tpu.memory_space<hbm>> -> memref<64x128xf32, #tpu.memory_space<hbm>>
      %dma_start3A_1210 = arith.constant 0 : i32
      %dma_start3A_1211 = tpu.memref_slice %arg6[%dma_start3A_1210, %multiple_of3A_1203] : memref<64x1000000xf32, #tpu.memory_space<hbm>> -> memref<64x128xf32, #tpu.memory_space<hbm>>
      tpu.enqueue_dma source(%dma_start3A_1211 : memref<64x128xf32, #tpu.memory_space<hbm>>) target(%arg20 : memref<64x128xf32, #tpu.memory_space<vmem>>) target_semaphore(%arg28 : memref<!tpu.dma_semaphore, #tpu.memory_space<semaphore_mem>>)
      %add3A_1212 = arith.constant 2 : i32
      %add3A_1213 = arith.addi %add3A_945, %add3A_1212 : i32
      %and3A_1214 = arith.constant 127 : i32
      %and3A_1215 = arith.andi %scan3A_938, %and3A_1214 : i32
      %broadcast_in_dim3A_1216 = vector.broadcast %and3A_1215 : i32 to vector<16xi32>
      %and3A_1217 = arith.constant 127 : i32
      %and3A_1218 = arith.andi %scan3A_939, %and3A_1217 : i32
      %broadcast_in_dim3A_1219 = vector.broadcast %and3A_1218 : i32 to vector<16xi32>
      %dma_wait3A_1220 = arith.constant 0 : i32
      %dma_wait3A_1221 = arith.constant 0 : i32
      %dma_wait3A_1222 = tpu.memref_slice %arg5[%dma_wait3A_1220, %dma_wait3A_1221] : memref<64x1000000xf32, #tpu.memory_space<hbm>> -> memref<64x128xf32, #tpu.memory_space<hbm>>
      %dma_wait3A_1223 = arith.constant 0 : i32
      %dma_wait3A_1224 = arith.constant 0 : i32
      %dma_wait3A_1225 = tpu.memref_slice %arg5[%dma_wait3A_1223, %dma_wait3A_1224] : memref<64x1000000xf32, #tpu.memory_space<hbm>> -> memref<64x128xf32, #tpu.memory_space<hbm>>
      tpu.wait_dma2 semaphore(%arg25 : memref<!tpu.dma_semaphore, #tpu.memory_space<semaphore_mem>>) src(%dma_wait3A_1225 : memref<64x128xf32, #tpu.memory_space<hbm>>) dst(%arg17 : memref<64x128xf32, #tpu.memory_space<vmem>>)
      %dma_wait3A_1226 = arith.constant 0 : i32
      %dma_wait3A_1227 = arith.constant 0 : i32
      %dma_wait3A_1228 = tpu.memref_slice %arg6[%dma_wait3A_1226, %dma_wait3A_1227] : memref<64x1000000xf32, #tpu.memory_space<hbm>> -> memref<64x128xf32, #tpu.memory_space<hbm>>
      %dma_wait3A_1229 = arith.constant 0 : i32
      %dma_wait3A_1230 = arith.constant 0 : i32
      %dma_wait3A_1231 = tpu.memref_slice %arg6[%dma_wait3A_1229, %dma_wait3A_1230] : memref<64x1000000xf32, #tpu.memory_space<hbm>> -> memref<64x128xf32, #tpu.memory_space<hbm>>
      tpu.wait_dma2 semaphore(%arg29 : memref<!tpu.dma_semaphore, #tpu.memory_space<semaphore_mem>>) src(%dma_wait3A_1231 : memref<64x128xf32, #tpu.memory_space<hbm>>) dst(%arg21 : memref<64x128xf32, #tpu.memory_space<vmem>>)
      %add3A_1232 = arith.constant 0 : i32
      %add3A_1233 = vector.broadcast %add3A_1232 : i32 to vector<16xi32>
      %add3A_1234 = arith.addi %add3A_1233, %iota3A : vector<16xi32>
      %gather3A_1235 = tpu.vector_load_idx %arg17[%add3A_1234, %broadcast_in_dim3A_1216] : memref<64x128xf32, #tpu.memory_space<vmem>>[vector<16xi32>, vector<16xi32>], vector<16xf32>,
      %gather3A_1236 = tpu.vector_load_idx %arg21[%add3A_1234, %broadcast_in_dim3A_1219] : memref<64x128xf32, #tpu.memory_space<vmem>>[vector<16xi32>, vector<16xi32>], vector<16xf32>,
      %add3A_1237 = arith.addf %gather3A_1235, %gather3A_1236 : vector<16xf32>
      %add3A_1238 = arith.addf %add3A_1237, %get3A_3 : vector<16xf32>
      %sub3A_1239 = arith.constant 0 : i32
      %sub3A_1240 = arith.subi %add3A_1213, %sub3A_1239 : i32
      %swap3A_1241 = arith.index_cast %sub3A_1240 : i32 to index
      %swap3A_1242 = arith.constant 0 : index
      %swap3A_1243 = tpu.vector_load %arg14[%swap3A_1241, %swap3A_1242] {strides = array<i32>} : memref<256x64xf32, #tpu.memory_space<vmem>>, vector<16xf32>,
      tpu.vector_store %arg14[%swap3A_1241, %swap3A_1242], %add3A_1238 {strides = array<i32>} : memref<256x64xf32, #tpu.memory_space<vmem>>, vector<16xf32>,
      %add3A_1244 = arith.constant 16 : i32
      %add3A_1245 = vector.broadcast %add3A_1244 : i32 to vector<16xi32>
      %add3A_1246 = arith.addi %add3A_1245, %iota3A : vector<16xi32>
      %gather3A_1247 = tpu.vector_load_idx %arg17[%add3A_1246, %broadcast_in_dim3A_1216] : memref<64x128xf32, #tpu.memory_space<vmem>>[vector<16xi32>, vector<16xi32>], vector<16xf32>,
      %gather3A_1248 = tpu.vector_load_idx %arg21[%add3A_1246, %broadcast_in_dim3A_1219] : memref<64x128xf32, #tpu.memory_space<vmem>>[vector<16xi32>, vector<16xi32>], vector<16xf32>,
      %add3A_1249 = arith.addf %gather3A_1247, %gather3A_1248 : vector<16xf32>
      %add3A_1250 = arith.addf %add3A_1249, %get3A_5 : vector<16xf32>
      %sub3A_1251 = arith.constant 0 : i32
      %sub3A_1252 = arith.subi %add3A_1213, %sub3A_1251 : i32
      %swap3A_1253 = arith.index_cast %sub3A_1252 : i32 to index
      %swap3A_1254 = arith.constant 16 : index
      %swap3A_1255 = tpu.vector_load %arg14[%swap3A_1253, %swap3A_1254] {strides = array<i32>} : memref<256x64xf32, #tpu.memory_space<vmem>>, vector<16xf32>,
      tpu.vector_store %arg14[%swap3A_1253, %swap3A_1254], %add3A_1250 {strides = array<i32>} : memref<256x64xf32, #tpu.memory_space<vmem>>, vector<16xf32>,
      %add3A_1256 = arith.constant 32 : i32
      %add3A_1257 = vector.broadcast %add3A_1256 : i32 to vector<16xi32>
      %add3A_1258 = arith.addi %add3A_1257, %iota3A : vector<16xi32>
      %gather3A_1259 = tpu.vector_load_idx %arg17[%add3A_1258, %broadcast_in_dim3A_1216] : memref<64x128xf32, #tpu.memory_space<vmem>>[vector<16xi32>, vector<16xi32>], vector<16xf32>,
      %gather3A_1260 = tpu.vector_load_idx %arg21[%add3A_1258, %broadcast_in_dim3A_1219] : memref<64x128xf32, #tpu.memory_space<vmem>>[vector<16xi32>, vector<16xi32>], vector<16xf32>,
      %add3A_1261 = arith.addf %gather3A_1259, %gather3A_1260 : vector<16xf32>
      %add3A_1262 = arith.addf %add3A_1261, %get3A_7 : vector<16xf32>
      %sub3A_1263 = arith.constant 0 : i32
      %sub3A_1264 = arith.subi %add3A_1213, %sub3A_1263 : i32
      %swap3A_1265 = arith.index_cast %sub3A_1264 : i32 to index
      %swap3A_1266 = arith.constant 32 : index
      %swap3A_1267 = tpu.vector_load %arg14[%swap3A_1265, %swap3A_1266] {strides = array<i32>} : memref<256x64xf32, #tpu.memory_space<vmem>>, vector<16xf32>,
      tpu.vector_store %arg14[%swap3A_1265, %swap3A_1266], %add3A_1262 {strides = array<i32>} : memref<256x64xf32, #tpu.memory_space<vmem>>, vector<16xf32>,
      %add3A_1268 = arith.constant 48 : i32
      %add3A_1269 = vector.broadcast %add3A_1268 : i32 to vector<16xi32>
      %add3A_1270 = arith.addi %add3A_1269, %iota3A : vector<16xi32>
      %gather3A_1271 = tpu.vector_load_idx %arg17[%add3A_1270, %broadcast_in_dim3A_1216] : memref<64x128xf32, #tpu.memory_space<vmem>>[vector<16xi32>, vector<16xi32>], vector<16xf32>,
      %gather3A_1272 = tpu.vector_load_idx %arg21[%add3A_1270, %broadcast_in_dim3A_1219] : memref<64x128xf32, #tpu.memory_space<vmem>>[vector<16xi32>, vector<16xi32>], vector<16xf32>,
      %add3A_1273 = arith.addf %gather3A_1271, %gather3A_1272 : vector<16xf32>
      %add3A_1274 = arith.addf %add3A_1273, %get3A_9 : vector<16xf32>
      %sub3A_1275 = arith.constant 0 : i32
      %sub3A_1276 = arith.subi %add3A_1213, %sub3A_1275 : i32
      %swap3A_1277 = arith.index_cast %sub3A_1276 : i32 to index
      %swap3A_1278 = arith.constant 48 : index
      %swap3A_1279 = tpu.vector_load %arg14[%swap3A_1277, %swap3A_1278] {strides = array<i32>} : memref<256x64xf32, #tpu.memory_space<vmem>>, vector<16xf32>,
      tpu.vector_store %arg14[%swap3A_1277, %swap3A_1278], %add3A_1274 {strides = array<i32>} : memref<256x64xf32, #tpu.memory_space<vmem>>, vector<16xf32>,
      %add3A_1280 = arith.constant 2 : i32
      %add3A_1281 = arith.addi %add3A_945, %add3A_1280 : i32
      %add3A_1282 = arith.constant 4 : i32
      %add3A_1283 = arith.addi %add3A_1281, %add3A_1282 : i32
      %sub3A_1284 = arith.constant 0 : i32
      %sub3A_1285 = arith.subi %add3A_1283, %sub3A_1284 : i32
      %rem3A_1286 = arith.constant 256 : i32
      %rem3A_1287 = arith.remsi %sub3A_1285, %rem3A_1286 : i32
      %add3A_1288 = arith.constant 0 : i32
      %add3A_1289 = arith.addi %add3A_1288, %rem3A_1287 : i32
      %shift_right_logical3A_1290 = arith.constant 4 : i32
      %shift_right_logical3A_1291 = arith.shrui %add3A_1289, %shift_right_logical3A_1290 : i32
      %mul3A_1292 = arith.constant 16 : i32
      %mul3A_1293 = arith.muli %shift_right_logical3A_1291, %mul3A_1292 : i32
      %multiple_of3A_1294 = tpu.assume_multiple %mul3A_1293, 16 : i32
      %mul3A_1295 = arith.constant 16 : i32
      %mul3A_1296 = arith.muli %shift_right_logical3A_1291, %mul3A_1295 : i32
      %sub3A_1297 = arith.subi %add3A_1289, %mul3A_1296 : i32
      %get3A_1298 = arith.index_cast %multiple_of3A_1294 : i32 to index
      %get3A_1299 = tpu.vector_load %arg10[%get3A_1298] {strides = array<i32>} : memref<512xi32, #tpu.memory_space<vmem>>, vector<16xi32>,
      %eq3A_1300 = vector.broadcast %sub3A_1297 : i32 to vector<16xi32>
      %eq3A_1301 = arith.cmpi eq, %iota3A, %eq3A_1300 : vector<16xi32>
      %jit3A_1302 = arith.constant 0 : i32
      %broadcast_in_dim3A_1303 = vector.broadcast %jit3A_1302 : i32 to vector<16xi32>
      %select_n3A_1304 = arith.select %eq3A_1301, %get3A_1299, %broadcast_in_dim3A_1303 : vector<16xi1>, vector<16xi32>
      %reduce_max3A_1305 = arith.constant true
      %reduce_max3A_1306 = vector.broadcast %reduce_max3A_1305 : i1 to vector<16xi1>
      %reduce_max3A_1307 = arith.constant -2147483648 : i32
      %reduce_max3A_1308 = vector.broadcast %reduce_max3A_1307 : i32 to vector<16xi32>
      %reduce_max3A_1309 = arith.xori %select_n3A_1304, %reduce_max3A_1308 : vector<16xi32>
      %reduce_max3A_1310 = tpu.scan <max>, %reduce_max3A_1309 masked %reduce_max3A_1306 : vector<16xi32>, vector<16xi1> -> vector<16xi32>
      %reduce_max3A_1311 = arith.xori %reduce_max3A_1310, %reduce_max3A_1308 : vector<16xi32>
      %reduce_max3A_1312 = vector.extract %reduce_max3A_1311[15] : i32 from vector<16xi32>
      %get3A_1313 = arith.index_cast %multiple_of3A_1294 : i32 to index
      %get3A_1314 = tpu.vector_load %arg11[%get3A_1313] {strides = array<i32>} : memref<512xi32, #tpu.memory_space<vmem>>, vector<16xi32>,
      %eq3A_1315 = vector.broadcast %sub3A_1297 : i32 to vector<16xi32>
      %eq3A_1316 = arith.cmpi eq, %iota3A, %eq3A_1315 : vector<16xi32>
      %jit3A_1317 = arith.constant 0 : i32
      %broadcast_in_dim3A_1318 = vector.broadcast %jit3A_1317 : i32 to vector<16xi32>
      %select_n3A_1319 = arith.select %eq3A_1316, %get3A_1314, %broadcast_in_dim3A_1318 : vector<16xi1>, vector<16xi32>
      %reduce_max3A_1320 = arith.constant true
      %reduce_max3A_1321 = vector.broadcast %reduce_max3A_1320 : i1 to vector<16xi1>
      %reduce_max3A_1322 = arith.constant -2147483648 : i32
      %reduce_max3A_1323 = vector.broadcast %reduce_max3A_1322 : i32 to vector<16xi32>
      %reduce_max3A_1324 = arith.xori %select_n3A_1319, %reduce_max3A_1323 : vector<16xi32>
      %reduce_max3A_1325 = tpu.scan <max>, %reduce_max3A_1324 masked %reduce_max3A_1321 : vector<16xi32>, vector<16xi1> -> vector<16xi32>
      %reduce_max3A_1326 = arith.xori %reduce_max3A_1325, %reduce_max3A_1323 : vector<16xi32>
      %reduce_max3A_1327 = vector.extract %reduce_max3A_1326[15] : i32 from vector<16xi32>
      %shift_right_logical3A_1328 = arith.constant 7 : i32
      %shift_right_logical3A_1329 = arith.shrui %reduce_max3A_1312, %shift_right_logical3A_1328 : i32
      %mul3A_1330 = arith.constant 128 : i32
      %mul3A_1331 = arith.muli %shift_right_logical3A_1329, %mul3A_1330 : i32
      %multiple_of3A_1332 = tpu.assume_multiple %mul3A_1331, 128 : i32
      %shift_right_logical3A_1333 = arith.constant 7 : i32
      %shift_right_logical3A_1334 = arith.shrui %reduce_max3A_1327, %shift_right_logical3A_1333 : i32
      %mul3A_1335 = arith.constant 128 : i32
      %mul3A_1336 = arith.muli %shift_right_logical3A_1334, %mul3A_1335 : i32
      %multiple_of3A_1337 = tpu.assume_multiple %mul3A_1336, 128 : i32
      %dma_start3A_1338 = arith.constant 0 : i32
      %dma_start3A_1339 = tpu.memref_slice %arg5[%dma_start3A_1338, %multiple_of3A_1332] : memref<64x1000000xf32, #tpu.memory_space<hbm>> -> memref<64x128xf32, #tpu.memory_space<hbm>>
      %dma_start3A_1340 = arith.constant 0 : i32
      %dma_start3A_1341 = tpu.memref_slice %arg5[%dma_start3A_1340, %multiple_of3A_1332] : memref<64x1000000xf32, #tpu.memory_space<hbm>> -> memref<64x128xf32, #tpu.memory_space<hbm>>
      tpu.enqueue_dma source(%dma_start3A_1341 : memref<64x128xf32, #tpu.memory_space<hbm>>) target(%arg17 : memref<64x128xf32, #tpu.memory_space<vmem>>) target_semaphore(%arg25 : memref<!tpu.dma_semaphore, #tpu.memory_space<semaphore_mem>>)
      %dma_start3A_1342 = arith.constant 0 : i32
      %dma_start3A_1343 = tpu.memref_slice %arg6[%dma_start3A_1342, %multiple_of3A_1337] : memref<64x1000000xf32, #tpu.memory_space<hbm>> -> memref<64x128xf32, #tpu.memory_space<hbm>>
      %dma_start3A_1344 = arith.constant 0 : i32
      %dma_start3A_1345 = tpu.memref_slice %arg6[%dma_start3A_1344, %multiple_of3A_1337] : memref<64x1000000xf32, #tpu.memory_space<hbm>> -> memref<64x128xf32, #tpu.memory_space<hbm>>
      tpu.enqueue_dma source(%dma_start3A_1345 : memref<64x128xf32, #tpu.memory_space<hbm>>) target(%arg21 : memref<64x128xf32, #tpu.memory_space<vmem>>) target_semaphore(%arg29 : memref<!tpu.dma_semaphore, #tpu.memory_space<semaphore_mem>>)
      %add3A_1346 = arith.constant 3 : i32
      %add3A_1347 = arith.addi %add3A_945, %add3A_1346 : i32
      %and3A_1348 = arith.constant 127 : i32
      %and3A_1349 = arith.andi %scan3A_940, %and3A_1348 : i32
      %broadcast_in_dim3A_1350 = vector.broadcast %and3A_1349 : i32 to vector<16xi32>
      %and3A_1351 = arith.constant 127 : i32
      %and3A_1352 = arith.andi %scan3A_941, %and3A_1351 : i32
      %broadcast_in_dim3A_1353 = vector.broadcast %and3A_1352 : i32 to vector<16xi32>
      %dma_wait3A_1354 = arith.constant 0 : i32
      %dma_wait3A_1355 = arith.constant 0 : i32
      %dma_wait3A_1356 = tpu.memref_slice %arg5[%dma_wait3A_1354, %dma_wait3A_1355] : memref<64x1000000xf32, #tpu.memory_space<hbm>> -> memref<64x128xf32, #tpu.memory_space<hbm>>
      %dma_wait3A_1357 = arith.constant 0 : i32
      %dma_wait3A_1358 = arith.constant 0 : i32
      %dma_wait3A_1359 = tpu.memref_slice %arg5[%dma_wait3A_1357, %dma_wait3A_1358] : memref<64x1000000xf32, #tpu.memory_space<hbm>> -> memref<64x128xf32, #tpu.memory_space<hbm>>
      tpu.wait_dma2 semaphore(%arg26 : memref<!tpu.dma_semaphore, #tpu.memory_space<semaphore_mem>>) src(%dma_wait3A_1359 : memref<64x128xf32, #tpu.memory_space<hbm>>) dst(%arg18 : memref<64x128xf32, #tpu.memory_space<vmem>>)
      %dma_wait3A_1360 = arith.constant 0 : i32
      %dma_wait3A_1361 = arith.constant 0 : i32
      %dma_wait3A_1362 = tpu.memref_slice %arg6[%dma_wait3A_1360, %dma_wait3A_1361] : memref<64x1000000xf32, #tpu.memory_space<hbm>> -> memref<64x128xf32, #tpu.memory_space<hbm>>
      %dma_wait3A_1363 = arith.constant 0 : i32
      %dma_wait3A_1364 = arith.constant 0 : i32
      %dma_wait3A_1365 = tpu.memref_slice %arg6[%dma_wait3A_1363, %dma_wait3A_1364] : memref<64x1000000xf32, #tpu.memory_space<hbm>> -> memref<64x128xf32, #tpu.memory_space<hbm>>
      tpu.wait_dma2 semaphore(%arg30 : memref<!tpu.dma_semaphore, #tpu.memory_space<semaphore_mem>>) src(%dma_wait3A_1365 : memref<64x128xf32, #tpu.memory_space<hbm>>) dst(%arg22 : memref<64x128xf32, #tpu.memory_space<vmem>>)
      %add3A_1366 = arith.constant 0 : i32
      %add3A_1367 = vector.broadcast %add3A_1366 : i32 to vector<16xi32>
      %add3A_1368 = arith.addi %add3A_1367, %iota3A : vector<16xi32>
      %gather3A_1369 = tpu.vector_load_idx %arg18[%add3A_1368, %broadcast_in_dim3A_1350] : memref<64x128xf32, #tpu.memory_space<vmem>>[vector<16xi32>, vector<16xi32>], vector<16xf32>,
      %gather3A_1370 = tpu.vector_load_idx %arg22[%add3A_1368, %broadcast_in_dim3A_1353] : memref<64x128xf32, #tpu.memory_space<vmem>>[vector<16xi32>, vector<16xi32>], vector<16xf32>,
      %add3A_1371 = arith.addf %gather3A_1369, %gather3A_1370 : vector<16xf32>
      %add3A_1372 = arith.addf %add3A_1371, %get3A_3 : vector<16xf32>
      %sub3A_1373 = arith.constant 0 : i32
      %sub3A_1374 = arith.subi %add3A_1347, %sub3A_1373 : i32
      %swap3A_1375 = arith.index_cast %sub3A_1374 : i32 to index
      %swap3A_1376 = arith.constant 0 : index
      %swap3A_1377 = tpu.vector_load %arg14[%swap3A_1375, %swap3A_1376] {strides = array<i32>} : memref<256x64xf32, #tpu.memory_space<vmem>>, vector<16xf32>,
      tpu.vector_store %arg14[%swap3A_1375, %swap3A_1376], %add3A_1372 {strides = array<i32>} : memref<256x64xf32, #tpu.memory_space<vmem>>, vector<16xf32>,
      %add3A_1378 = arith.constant 16 : i32
      %add3A_1379 = vector.broadcast %add3A_1378 : i32 to vector<16xi32>
      %add3A_1380 = arith.addi %add3A_1379, %iota3A : vector<16xi32>
      %gather3A_1381 = tpu.vector_load_idx %arg18[%add3A_1380, %broadcast_in_dim3A_1350] : memref<64x128xf32, #tpu.memory_space<vmem>>[vector<16xi32>, vector<16xi32>], vector<16xf32>,
      %gather3A_1382 = tpu.vector_load_idx %arg22[%add3A_1380, %broadcast_in_dim3A_1353] : memref<64x128xf32, #tpu.memory_space<vmem>>[vector<16xi32>, vector<16xi32>], vector<16xf32>,
      %add3A_1383 = arith.addf %gather3A_1381, %gather3A_1382 : vector<16xf32>
      %add3A_1384 = arith.addf %add3A_1383, %get3A_5 : vector<16xf32>
      %sub3A_1385 = arith.constant 0 : i32
      %sub3A_1386 = arith.subi %add3A_1347, %sub3A_1385 : i32
      %swap3A_1387 = arith.index_cast %sub3A_1386 : i32 to index
      %swap3A_1388 = arith.constant 16 : index
      %swap3A_1389 = tpu.vector_load %arg14[%swap3A_1387, %swap3A_1388] {strides = array<i32>} : memref<256x64xf32, #tpu.memory_space<vmem>>, vector<16xf32>,
      tpu.vector_store %arg14[%swap3A_1387, %swap3A_1388], %add3A_1384 {strides = array<i32>} : memref<256x64xf32, #tpu.memory_space<vmem>>, vector<16xf32>,
      %add3A_1390 = arith.constant 32 : i32
      %add3A_1391 = vector.broadcast %add3A_1390 : i32 to vector<16xi32>
      %add3A_1392 = arith.addi %add3A_1391, %iota3A : vector<16xi32>
      %gather3A_1393 = tpu.vector_load_idx %arg18[%add3A_1392, %broadcast_in_dim3A_1350] : memref<64x128xf32, #tpu.memory_space<vmem>>[vector<16xi32>, vector<16xi32>], vector<16xf32>,
      %gather3A_1394 = tpu.vector_load_idx %arg22[%add3A_1392, %broadcast_in_dim3A_1353] : memref<64x128xf32, #tpu.memory_space<vmem>>[vector<16xi32>, vector<16xi32>], vector<16xf32>,
      %add3A_1395 = arith.addf %gather3A_1393, %gather3A_1394 : vector<16xf32>
      %add3A_1396 = arith.addf %add3A_1395, %get3A_7 : vector<16xf32>
      %sub3A_1397 = arith.constant 0 : i32
      %sub3A_1398 = arith.subi %add3A_1347, %sub3A_1397 : i32
      %swap3A_1399 = arith.index_cast %sub3A_1398 : i32 to index
      %swap3A_1400 = arith.constant 32 : index
      %swap3A_1401 = tpu.vector_load %arg14[%swap3A_1399, %swap3A_1400] {strides = array<i32>} : memref<256x64xf32, #tpu.memory_space<vmem>>, vector<16xf32>,
      tpu.vector_store %arg14[%swap3A_1399, %swap3A_1400], %add3A_1396 {strides = array<i32>} : memref<256x64xf32, #tpu.memory_space<vmem>>, vector<16xf32>,
      %add3A_1402 = arith.constant 48 : i32
      %add3A_1403 = vector.broadcast %add3A_1402 : i32 to vector<16xi32>
      %add3A_1404 = arith.addi %add3A_1403, %iota3A : vector<16xi32>
      %gather3A_1405 = tpu.vector_load_idx %arg18[%add3A_1404, %broadcast_in_dim3A_1350] : memref<64x128xf32, #tpu.memory_space<vmem>>[vector<16xi32>, vector<16xi32>], vector<16xf32>,
      %gather3A_1406 = tpu.vector_load_idx %arg22[%add3A_1404, %broadcast_in_dim3A_1353] : memref<64x128xf32, #tpu.memory_space<vmem>>[vector<16xi32>, vector<16xi32>], vector<16xf32>,
      %add3A_1407 = arith.addf %gather3A_1405, %gather3A_1406 : vector<16xf32>
      %add3A_1408 = arith.addf %add3A_1407, %get3A_9 : vector<16xf32>
      %sub3A_1409 = arith.constant 0 : i32
      %sub3A_1410 = arith.subi %add3A_1347, %sub3A_1409 : i32
      %swap3A_1411 = arith.index_cast %sub3A_1410 : i32 to index
      %swap3A_1412 = arith.constant 48 : index
      %swap3A_1413 = tpu.vector_load %arg14[%swap3A_1411, %swap3A_1412] {strides = array<i32>} : memref<256x64xf32, #tpu.memory_space<vmem>>, vector<16xf32>,
      tpu.vector_store %arg14[%swap3A_1411, %swap3A_1412], %add3A_1408 {strides = array<i32>} : memref<256x64xf32, #tpu.memory_space<vmem>>, vector<16xf32>,
      %add3A_1414 = arith.constant 3 : i32
      %add3A_1415 = arith.addi %add3A_945, %add3A_1414 : i32
      %add3A_1416 = arith.constant 4 : i32
      %add3A_1417 = arith.addi %add3A_1415, %add3A_1416 : i32
      %sub3A_1418 = arith.constant 0 : i32
      %sub3A_1419 = arith.subi %add3A_1417, %sub3A_1418 : i32
      %rem3A_1420 = arith.constant 256 : i32
      %rem3A_1421 = arith.remsi %sub3A_1419, %rem3A_1420 : i32
      %add3A_1422 = arith.constant 0 : i32
      %add3A_1423 = arith.addi %add3A_1422, %rem3A_1421 : i32
      %shift_right_logical3A_1424 = arith.constant 4 : i32
      %shift_right_logical3A_1425 = arith.shrui %add3A_1423, %shift_right_logical3A_1424 : i32
      %mul3A_1426 = arith.constant 16 : i32
      %mul3A_1427 = arith.muli %shift_right_logical3A_1425, %mul3A_1426 : i32
      %multiple_of3A_1428 = tpu.assume_multiple %mul3A_1427, 16 : i32
      %mul3A_1429 = arith.constant 16 : i32
      %mul3A_1430 = arith.muli %shift_right_logical3A_1425, %mul3A_1429 : i32
      %sub3A_1431 = arith.subi %add3A_1423, %mul3A_1430 : i32
      %get3A_1432 = arith.index_cast %multiple_of3A_1428 : i32 to index
      %get3A_1433 = tpu.vector_load %arg10[%get3A_1432] {strides = array<i32>} : memref<512xi32, #tpu.memory_space<vmem>>, vector<16xi32>,
      %eq3A_1434 = vector.broadcast %sub3A_1431 : i32 to vector<16xi32>
      %eq3A_1435 = arith.cmpi eq, %iota3A, %eq3A_1434 : vector<16xi32>
      %jit3A_1436 = arith.constant 0 : i32
      %broadcast_in_dim3A_1437 = vector.broadcast %jit3A_1436 : i32 to vector<16xi32>
      %select_n3A_1438 = arith.select %eq3A_1435, %get3A_1433, %broadcast_in_dim3A_1437 : vector<16xi1>, vector<16xi32>
      %reduce_max3A_1439 = arith.constant true
      %reduce_max3A_1440 = vector.broadcast %reduce_max3A_1439 : i1 to vector<16xi1>
      %reduce_max3A_1441 = arith.constant -2147483648 : i32
      %reduce_max3A_1442 = vector.broadcast %reduce_max3A_1441 : i32 to vector<16xi32>
      %reduce_max3A_1443 = arith.xori %select_n3A_1438, %reduce_max3A_1442 : vector<16xi32>
      %reduce_max3A_1444 = tpu.scan <max>, %reduce_max3A_1443 masked %reduce_max3A_1440 : vector<16xi32>, vector<16xi1> -> vector<16xi32>
      %reduce_max3A_1445 = arith.xori %reduce_max3A_1444, %reduce_max3A_1442 : vector<16xi32>
      %reduce_max3A_1446 = vector.extract %reduce_max3A_1445[15] : i32 from vector<16xi32>
      %get3A_1447 = arith.index_cast %multiple_of3A_1428 : i32 to index
      %get3A_1448 = tpu.vector_load %arg11[%get3A_1447] {strides = array<i32>} : memref<512xi32, #tpu.memory_space<vmem>>, vector<16xi32>,
      %eq3A_1449 = vector.broadcast %sub3A_1431 : i32 to vector<16xi32>
      %eq3A_1450 = arith.cmpi eq, %iota3A, %eq3A_1449 : vector<16xi32>
      %jit3A_1451 = arith.constant 0 : i32
      %broadcast_in_dim3A_1452 = vector.broadcast %jit3A_1451 : i32 to vector<16xi32>
      %select_n3A_1453 = arith.select %eq3A_1450, %get3A_1448, %broadcast_in_dim3A_1452 : vector<16xi1>, vector<16xi32>
      %reduce_max3A_1454 = arith.constant true
      %reduce_max3A_1455 = vector.broadcast %reduce_max3A_1454 : i1 to vector<16xi1>
      %reduce_max3A_1456 = arith.constant -2147483648 : i32
      %reduce_max3A_1457 = vector.broadcast %reduce_max3A_1456 : i32 to vector<16xi32>
      %reduce_max3A_1458 = arith.xori %select_n3A_1453, %reduce_max3A_1457 : vector<16xi32>
      %reduce_max3A_1459 = tpu.scan <max>, %reduce_max3A_1458 masked %reduce_max3A_1455 : vector<16xi32>, vector<16xi1> -> vector<16xi32>
      %reduce_max3A_1460 = arith.xori %reduce_max3A_1459, %reduce_max3A_1457 : vector<16xi32>
      %reduce_max3A_1461 = vector.extract %reduce_max3A_1460[15] : i32 from vector<16xi32>
      %shift_right_logical3A_1462 = arith.constant 7 : i32
      %shift_right_logical3A_1463 = arith.shrui %reduce_max3A_1446, %shift_right_logical3A_1462 : i32
      %mul3A_1464 = arith.constant 128 : i32
      %mul3A_1465 = arith.muli %shift_right_logical3A_1463, %mul3A_1464 : i32
      %multiple_of3A_1466 = tpu.assume_multiple %mul3A_1465, 128 : i32
      %shift_right_logical3A_1467 = arith.constant 7 : i32
      %shift_right_logical3A_1468 = arith.shrui %reduce_max3A_1461, %shift_right_logical3A_1467 : i32
      %mul3A_1469 = arith.constant 128 : i32
      %mul3A_1470 = arith.muli %shift_right_logical3A_1468, %mul3A_1469 : i32
      %multiple_of3A_1471 = tpu.assume_multiple %mul3A_1470, 128 : i32
      %dma_start3A_1472 = arith.constant 0 : i32
      %dma_start3A_1473 = tpu.memref_slice %arg5[%dma_start3A_1472, %multiple_of3A_1466] : memref<64x1000000xf32, #tpu.memory_space<hbm>> -> memref<64x128xf32, #tpu.memory_space<hbm>>
      %dma_start3A_1474 = arith.constant 0 : i32
      %dma_start3A_1475 = tpu.memref_slice %arg5[%dma_start3A_1474, %multiple_of3A_1466] : memref<64x1000000xf32, #tpu.memory_space<hbm>> -> memref<64x128xf32, #tpu.memory_space<hbm>>
      tpu.enqueue_dma source(%dma_start3A_1475 : memref<64x128xf32, #tpu.memory_space<hbm>>) target(%arg18 : memref<64x128xf32, #tpu.memory_space<vmem>>) target_semaphore(%arg26 : memref<!tpu.dma_semaphore, #tpu.memory_space<semaphore_mem>>)
      %dma_start3A_1476 = arith.constant 0 : i32
      %dma_start3A_1477 = tpu.memref_slice %arg6[%dma_start3A_1476, %multiple_of3A_1471] : memref<64x1000000xf32, #tpu.memory_space<hbm>> -> memref<64x128xf32, #tpu.memory_space<hbm>>
      %dma_start3A_1478 = arith.constant 0 : i32
      %dma_start3A_1479 = tpu.memref_slice %arg6[%dma_start3A_1478, %multiple_of3A_1471] : memref<64x1000000xf32, #tpu.memory_space<hbm>> -> memref<64x128xf32, #tpu.memory_space<hbm>>
      tpu.enqueue_dma source(%dma_start3A_1479 : memref<64x128xf32, #tpu.memory_space<hbm>>) target(%arg22 : memref<64x128xf32, #tpu.memory_space<vmem>>) target_semaphore(%arg30 : memref<!tpu.dma_semaphore, #tpu.memory_space<semaphore_mem>>)
      scf.yield %reduce_max3A_1044, %reduce_max3A_1059, %reduce_max3A_1178, %reduce_max3A_1193, %reduce_max3A_1312, %reduce_max3A_1327, %reduce_max3A_1446, %reduce_max3A_1461 : i32, i32, i32, i32, i32, i32, i32, i32
    }
    %scan3A_595 = arith.constant 64 : i32
    %dma_wait3A = arith.constant 0 : i32
    %dma_wait3A_596 = arith.constant 0 : i32
    %dma_wait3A_597 = tpu.memref_slice %arg5[%dma_wait3A, %dma_wait3A_596] : memref<64x1000000xf32, #tpu.memory_space<hbm>> -> memref<64x128xf32, #tpu.memory_space<hbm>>
    %dma_wait3A_598 = arith.constant 0 : i32
    %dma_wait3A_599 = arith.constant 0 : i32
    %dma_wait3A_600 = tpu.memref_slice %arg5[%dma_wait3A_598, %dma_wait3A_599] : memref<64x1000000xf32, #tpu.memory_space<hbm>> -> memref<64x128xf32, #tpu.memory_space<hbm>>
    tpu.wait_dma2 semaphore(%arg23 : memref<!tpu.dma_semaphore, #tpu.memory_space<semaphore_mem>>) src(%dma_wait3A_600 : memref<64x128xf32, #tpu.memory_space<hbm>>) dst(%arg15 : memref<64x128xf32, #tpu.memory_space<vmem>>)
    %dma_wait3A_601 = arith.constant 0 : i32
    %dma_wait3A_602 = arith.constant 0 : i32
    %dma_wait3A_603 = tpu.memref_slice %arg6[%dma_wait3A_601, %dma_wait3A_602] : memref<64x1000000xf32, #tpu.memory_space<hbm>> -> memref<64x128xf32, #tpu.memory_space<hbm>>
    %dma_wait3A_604 = arith.constant 0 : i32
    %dma_wait3A_605 = arith.constant 0 : i32
    %dma_wait3A_606 = tpu.memref_slice %arg6[%dma_wait3A_604, %dma_wait3A_605] : memref<64x1000000xf32, #tpu.memory_space<hbm>> -> memref<64x128xf32, #tpu.memory_space<hbm>>
    tpu.wait_dma2 semaphore(%arg27 : memref<!tpu.dma_semaphore, #tpu.memory_space<semaphore_mem>>) src(%dma_wait3A_606 : memref<64x128xf32, #tpu.memory_space<hbm>>) dst(%arg19 : memref<64x128xf32, #tpu.memory_space<vmem>>)
    %dma_wait3A_607 = arith.constant 0 : i32
    %dma_wait3A_608 = arith.constant 0 : i32
    %dma_wait3A_609 = tpu.memref_slice %arg5[%dma_wait3A_607, %dma_wait3A_608] : memref<64x1000000xf32, #tpu.memory_space<hbm>> -> memref<64x128xf32, #tpu.memory_space<hbm>>
    %dma_wait3A_610 = arith.constant 0 : i32
    %dma_wait3A_611 = arith.constant 0 : i32
    %dma_wait3A_612 = tpu.memref_slice %arg5[%dma_wait3A_610, %dma_wait3A_611] : memref<64x1000000xf32, #tpu.memory_space<hbm>> -> memref<64x128xf32, #tpu.memory_space<hbm>>
    tpu.wait_dma2 semaphore(%arg24 : memref<!tpu.dma_semaphore, #tpu.memory_space<semaphore_mem>>) src(%dma_wait3A_612 : memref<64x128xf32, #tpu.memory_space<hbm>>) dst(%arg16 : memref<64x128xf32, #tpu.memory_space<vmem>>)
    %dma_wait3A_613 = arith.constant 0 : i32
    %dma_wait3A_614 = arith.constant 0 : i32
    %dma_wait3A_615 = tpu.memref_slice %arg6[%dma_wait3A_613, %dma_wait3A_614] : memref<64x1000000xf32, #tpu.memory_space<hbm>> -> memref<64x128xf32, #tpu.memory_space<hbm>>
    %dma_wait3A_616 = arith.constant 0 : i32
    %dma_wait3A_617 = arith.constant 0 : i32
    %dma_wait3A_618 = tpu.memref_slice %arg6[%dma_wait3A_616, %dma_wait3A_617] : memref<64x1000000xf32, #tpu.memory_space<hbm>> -> memref<64x128xf32, #tpu.memory_space<hbm>>
    tpu.wait_dma2 semaphore(%arg28 : memref<!tpu.dma_semaphore, #tpu.memory_space<semaphore_mem>>) src(%dma_wait3A_618 : memref<64x128xf32, #tpu.memory_space<hbm>>) dst(%arg20 : memref<64x128xf32, #tpu.memory_space<vmem>>)
    %dma_wait3A_619 = arith.constant 0 : i32
    %dma_wait3A_620 = arith.constant 0 : i32
    %dma_wait3A_621 = tpu.memref_slice %arg5[%dma_wait3A_619, %dma_wait3A_620] : memref<64x1000000xf32, #tpu.memory_space<hbm>> -> memref<64x128xf32, #tpu.memory_space<hbm>>
    %dma_wait3A_622 = arith.constant 0 : i32
    %dma_wait3A_623 = arith.constant 0 : i32
    %dma_wait3A_624 = tpu.memref_slice %arg5[%dma_wait3A_622, %dma_wait3A_623] : memref<64x1000000xf32, #tpu.memory_space<hbm>> -> memref<64x128xf32, #tpu.memory_space<hbm>>
    tpu.wait_dma2 semaphore(%arg25 : memref<!tpu.dma_semaphore, #tpu.memory_space<semaphore_mem>>) src(%dma_wait3A_624 : memref<64x128xf32, #tpu.memory_space<hbm>>) dst(%arg17 : memref<64x128xf32, #tpu.memory_space<vmem>>)
    %dma_wait3A_625 = arith.constant 0 : i32
    %dma_wait3A_626 = arith.constant 0 : i32
    %dma_wait3A_627 = tpu.memref_slice %arg6[%dma_wait3A_625, %dma_wait3A_626] : memref<64x1000000xf32, #tpu.memory_space<hbm>> -> memref<64x128xf32, #tpu.memory_space<hbm>>
    %dma_wait3A_628 = arith.constant 0 : i32
    %dma_wait3A_629 = arith.constant 0 : i32
    %dma_wait3A_630 = tpu.memref_slice %arg6[%dma_wait3A_628, %dma_wait3A_629] : memref<64x1000000xf32, #tpu.memory_space<hbm>> -> memref<64x128xf32, #tpu.memory_space<hbm>>
    tpu.wait_dma2 semaphore(%arg29 : memref<!tpu.dma_semaphore, #tpu.memory_space<semaphore_mem>>) src(%dma_wait3A_630 : memref<64x128xf32, #tpu.memory_space<hbm>>) dst(%arg21 : memref<64x128xf32, #tpu.memory_space<vmem>>)
    %dma_wait3A_631 = arith.constant 0 : i32
    %dma_wait3A_632 = arith.constant 0 : i32
    %dma_wait3A_633 = tpu.memref_slice %arg5[%dma_wait3A_631, %dma_wait3A_632] : memref<64x1000000xf32, #tpu.memory_space<hbm>> -> memref<64x128xf32, #tpu.memory_space<hbm>>
    %dma_wait3A_634 = arith.constant 0 : i32
    %dma_wait3A_635 = arith.constant 0 : i32
    %dma_wait3A_636 = tpu.memref_slice %arg5[%dma_wait3A_634, %dma_wait3A_635] : memref<64x1000000xf32, #tpu.memory_space<hbm>> -> memref<64x128xf32, #tpu.memory_space<hbm>>
    tpu.wait_dma2 semaphore(%arg26 : memref<!tpu.dma_semaphore, #tpu.memory_space<semaphore_mem>>) src(%dma_wait3A_636 : memref<64x128xf32, #tpu.memory_space<hbm>>) dst(%arg18 : memref<64x128xf32, #tpu.memory_space<vmem>>)
    %dma_wait3A_637 = arith.constant 0 : i32
    %dma_wait3A_638 = arith.constant 0 : i32
    %dma_wait3A_639 = tpu.memref_slice %arg6[%dma_wait3A_637, %dma_wait3A_638] : memref<64x1000000xf32, #tpu.memory_space<hbm>> -> memref<64x128xf32, #tpu.memory_space<hbm>>
    %dma_wait3A_640 = arith.constant 0 : i32
    %dma_wait3A_641 = arith.constant 0 : i32
    %dma_wait3A_642 = tpu.memref_slice %arg6[%dma_wait3A_640, %dma_wait3A_641] : memref<64x1000000xf32, #tpu.memory_space<hbm>> -> memref<64x128xf32, #tpu.memory_space<hbm>>
    tpu.wait_dma2 semaphore(%arg30 : memref<!tpu.dma_semaphore, #tpu.memory_space<semaphore_mem>>) src(%dma_wait3A_642 : memref<64x128xf32, #tpu.memory_space<hbm>>) dst(%arg22 : memref<64x128xf32, #tpu.memory_space<vmem>>)
    %add3A_643 = arith.constant 0 : i32
    %add3A_644 = arith.addi %mul3A_2, %add3A_643 : i32
    "tpu.region"() ({
      %run_scoped3A = tpu.sem_alloc : memref<!tpu.dma_semaphore, #tpu.memory_space<semaphore_mem>>
      %dma_start3A_933 = arith.constant 0 : i32
      %dma_start3A_934 = tpu.memref_slice %arg8[%add3A_644, %dma_start3A_933] : memref<16384x64xf32, #tpu.memory_space<hbm>> -> memref<256x64xf32, #tpu.memory_space<hbm>>
      %dma_start3A_935 = arith.constant 0 : i32
      %dma_start3A_936 = tpu.memref_slice %arg8[%add3A_644, %dma_start3A_935] : memref<16384x64xf32, #tpu.memory_space<hbm>> -> memref<256x64xf32, #tpu.memory_space<hbm>>
      tpu.enqueue_dma source(%arg14 : memref<256x64xf32, #tpu.memory_space<vmem>>) target(%dma_start3A_936 : memref<256x64xf32, #tpu.memory_space<hbm>>) target_semaphore(%run_scoped3A : memref<!tpu.dma_semaphore, #tpu.memory_space<semaphore_mem>>)
      %dma_wait3A_937 = arith.constant 0 : i32
      %dma_wait3A_938 = tpu.memref_slice %arg8[%add3A_644, %dma_wait3A_937] : memref<16384x64xf32, #tpu.memory_space<hbm>> -> memref<256x64xf32, #tpu.memory_space<hbm>>
      %dma_wait3A_939 = arith.constant 0 : i32
      %dma_wait3A_940 = tpu.memref_slice %arg8[%add3A_644, %dma_wait3A_939] : memref<16384x64xf32, #tpu.memory_space<hbm>> -> memref<256x64xf32, #tpu.memory_space<hbm>>
      tpu.wait_dma2 semaphore(%run_scoped3A : memref<!tpu.dma_semaphore, #tpu.memory_space<semaphore_mem>>) src(%arg14 : memref<256x64xf32, #tpu.memory_space<vmem>>) dst(%dma_wait3A_940 : memref<256x64xf32, #tpu.memory_space<hbm>>)
      tpu.yield
    }) : () -> ()
    %shift_right_logical3A_645 = arith.constant 256 : i32
    %shift_right_logical3A_646 = arith.constant 4 : i32
    %shift_right_logical3A_647 = arith.shrui %shift_right_logical3A_645, %shift_right_logical3A_646 : i32
    %mul3A_648 = arith.constant 16 : i32
    %mul3A_649 = arith.muli %shift_right_logical3A_647, %mul3A_648 : i32
    %multiple_of3A_650 = tpu.assume_multiple %mul3A_649, 16 : i32
    %mul3A_651 = arith.constant 16 : i32
    %mul3A_652 = arith.muli %shift_right_logical3A_647, %mul3A_651 : i32
    %sub3A_653 = arith.constant 256 : i32
    %sub3A_654 = arith.subi %sub3A_653, %mul3A_652 : i32
    %get3A_655 = arith.index_cast %multiple_of3A_650 : i32 to index
    %get3A_656 = tpu.vector_load %arg10[%get3A_655] {strides = array<i32>} : memref<512xi32, #tpu.memory_space<vmem>>, vector<16xi32>,
    %eq3A_657 = vector.broadcast %sub3A_654 : i32 to vector<16xi32>
    %eq3A_658 = arith.cmpi eq, %iota3A, %eq3A_657 : vector<16xi32>
    %jit3A_659 = arith.constant 0 : i32
    %broadcast_in_dim3A_660 = vector.broadcast %jit3A_659 : i32 to vector<16xi32>
    %select_n3A_661 = arith.select %eq3A_658, %get3A_656, %broadcast_in_dim3A_660 : vector<16xi1>, vector<16xi32>
    %reduce_max3A_662 = arith.constant true
    %reduce_max3A_663 = vector.broadcast %reduce_max3A_662 : i1 to vector<16xi1>
    %reduce_max3A_664 = arith.constant -2147483648 : i32
    %reduce_max3A_665 = vector.broadcast %reduce_max3A_664 : i32 to vector<16xi32>
    %reduce_max3A_666 = arith.xori %select_n3A_661, %reduce_max3A_665 : vector<16xi32>
    %reduce_max3A_667 = tpu.scan <max>, %reduce_max3A_666 masked %reduce_max3A_663 : vector<16xi32>, vector<16xi1> -> vector<16xi32>
    %reduce_max3A_668 = arith.xori %reduce_max3A_667, %reduce_max3A_665 : vector<16xi32>
    %reduce_max3A_669 = vector.extract %reduce_max3A_668[15] : i32 from vector<16xi32>
    %get3A_670 = arith.index_cast %multiple_of3A_650 : i32 to index
    %get3A_671 = tpu.vector_load %arg11[%get3A_670] {strides = array<i32>} : memref<512xi32, #tpu.memory_space<vmem>>, vector<16xi32>,
    %eq3A_672 = vector.broadcast %sub3A_654 : i32 to vector<16xi32>
    %eq3A_673 = arith.cmpi eq, %iota3A, %eq3A_672 : vector<16xi32>
    %jit3A_674 = arith.constant 0 : i32
    %broadcast_in_dim3A_675 = vector.broadcast %jit3A_674 : i32 to vector<16xi32>
    %select_n3A_676 = arith.select %eq3A_673, %get3A_671, %broadcast_in_dim3A_675 : vector<16xi1>, vector<16xi32>
    %reduce_max3A_677 = arith.constant true
    %reduce_max3A_678 = vector.broadcast %reduce_max3A_677 : i1 to vector<16xi1>
    %reduce_max3A_679 = arith.constant -2147483648 : i32
    %reduce_max3A_680 = vector.broadcast %reduce_max3A_679 : i32 to vector<16xi32>
    %reduce_max3A_681 = arith.xori %select_n3A_676, %reduce_max3A_680 : vector<16xi32>
    %reduce_max3A_682 = tpu.scan <max>, %reduce_max3A_681 masked %reduce_max3A_678 : vector<16xi32>, vector<16xi1> -> vector<16xi32>
    %reduce_max3A_683 = arith.xori %reduce_max3A_682, %reduce_max3A_680 : vector<16xi32>
    %reduce_max3A_684 = vector.extract %reduce_max3A_683[15] : i32 from vector<16xi32>
    %shift_right_logical3A_685 = arith.constant 7 : i32
    %shift_right_logical3A_686 = arith.shrui %reduce_max3A_669, %shift_right_logical3A_685 : i32
    %mul3A_687 = arith.constant 128 : i32
    %mul3A_688 = arith.muli %shift_right_logical3A_686, %mul3A_687 : i32
    %multiple_of3A_689 = tpu.assume_multiple %mul3A_688, 128 : i32
    %shift_right_logical3A_690 = arith.constant 7 : i32
    %shift_right_logical3A_691 = arith.shrui %reduce_max3A_684, %shift_right_logical3A_690 : i32
    %mul3A_692 = arith.constant 128 : i32
    %mul3A_693 = arith.muli %shift_right_logical3A_691, %mul3A_692 : i32
    %multiple_of3A_694 = tpu.assume_multiple %mul3A_693, 128 : i32
    %dma_start3A_695 = arith.constant 0 : i32
    %dma_start3A_696 = tpu.memref_slice %arg5[%dma_start3A_695, %multiple_of3A_689] : memref<64x1000000xf32, #tpu.memory_space<hbm>> -> memref<64x128xf32, #tpu.memory_space<hbm>>
    %dma_start3A_697 = arith.constant 0 : i32
    %dma_start3A_698 = tpu.memref_slice %arg5[%dma_start3A_697, %multiple_of3A_689] : memref<64x1000000xf32, #tpu.memory_space<hbm>> -> memref<64x128xf32, #tpu.memory_space<hbm>>
    tpu.enqueue_dma source(%dma_start3A_698 : memref<64x128xf32, #tpu.memory_space<hbm>>) target(%arg15 : memref<64x128xf32, #tpu.memory_space<vmem>>) target_semaphore(%arg23 : memref<!tpu.dma_semaphore, #tpu.memory_space<semaphore_mem>>)
    %dma_start3A_699 = arith.constant 0 : i32
    %dma_start3A_700 = tpu.memref_slice %arg6[%dma_start3A_699, %multiple_of3A_694] : memref<64x1000000xf32, #tpu.memory_space<hbm>> -> memref<64x128xf32, #tpu.memory_space<hbm>>
    %dma_start3A_701 = arith.constant 0 : i32
    %dma_start3A_702 = tpu.memref_slice %arg6[%dma_start3A_701, %multiple_of3A_694] : memref<64x1000000xf32, #tpu.memory_space<hbm>> -> memref<64x128xf32, #tpu.memory_space<hbm>>
    tpu.enqueue_dma source(%dma_start3A_702 : memref<64x128xf32, #tpu.memory_space<hbm>>) target(%arg19 : memref<64x128xf32, #tpu.memory_space<vmem>>) target_semaphore(%arg27 : memref<!tpu.dma_semaphore, #tpu.memory_space<semaphore_mem>>)
    %shift_right_logical3A_703 = arith.constant 257 : i32
    %shift_right_logical3A_704 = arith.constant 4 : i32
    %shift_right_logical3A_705 = arith.shrui %shift_right_logical3A_703, %shift_right_logical3A_704 : i32
    %mul3A_706 = arith.constant 16 : i32
    %mul3A_707 = arith.muli %shift_right_logical3A_705, %mul3A_706 : i32
    %multiple_of3A_708 = tpu.assume_multiple %mul3A_707, 16 : i32
    %mul3A_709 = arith.constant 16 : i32
    %mul3A_710 = arith.muli %shift_right_logical3A_705, %mul3A_709 : i32
    %sub3A_711 = arith.constant 257 : i32
    %sub3A_712 = arith.subi %sub3A_711, %mul3A_710 : i32
    %get3A_713 = arith.index_cast %multiple_of3A_708 : i32 to index
    %get3A_714 = tpu.vector_load %arg10[%get3A_713] {strides = array<i32>} : memref<512xi32, #tpu.memory_space<vmem>>, vector<16xi32>,
    %eq3A_715 = vector.broadcast %sub3A_712 : i32 to vector<16xi32>
    %eq3A_716 = arith.cmpi eq, %iota3A, %eq3A_715 : vector<16xi32>
    %jit3A_717 = arith.constant 0 : i32
    %broadcast_in_dim3A_718 = vector.broadcast %jit3A_717 : i32 to vector<16xi32>
    %select_n3A_719 = arith.select %eq3A_716, %get3A_714, %broadcast_in_dim3A_718 : vector<16xi1>, vector<16xi32>
    %reduce_max3A_720 = arith.constant true
    %reduce_max3A_721 = vector.broadcast %reduce_max3A_720 : i1 to vector<16xi1>
    %reduce_max3A_722 = arith.constant -2147483648 : i32
    %reduce_max3A_723 = vector.broadcast %reduce_max3A_722 : i32 to vector<16xi32>
    %reduce_max3A_724 = arith.xori %select_n3A_719, %reduce_max3A_723 : vector<16xi32>
    %reduce_max3A_725 = tpu.scan <max>, %reduce_max3A_724 masked %reduce_max3A_721 : vector<16xi32>, vector<16xi1> -> vector<16xi32>
    %reduce_max3A_726 = arith.xori %reduce_max3A_725, %reduce_max3A_723 : vector<16xi32>
    %reduce_max3A_727 = vector.extract %reduce_max3A_726[15] : i32 from vector<16xi32>
    %get3A_728 = arith.index_cast %multiple_of3A_708 : i32 to index
    %get3A_729 = tpu.vector_load %arg11[%get3A_728] {strides = array<i32>} : memref<512xi32, #tpu.memory_space<vmem>>, vector<16xi32>,
    %eq3A_730 = vector.broadcast %sub3A_712 : i32 to vector<16xi32>
    %eq3A_731 = arith.cmpi eq, %iota3A, %eq3A_730 : vector<16xi32>
    %jit3A_732 = arith.constant 0 : i32
    %broadcast_in_dim3A_733 = vector.broadcast %jit3A_732 : i32 to vector<16xi32>
    %select_n3A_734 = arith.select %eq3A_731, %get3A_729, %broadcast_in_dim3A_733 : vector<16xi1>, vector<16xi32>
    %reduce_max3A_735 = arith.constant true
    %reduce_max3A_736 = vector.broadcast %reduce_max3A_735 : i1 to vector<16xi1>
    %reduce_max3A_737 = arith.constant -2147483648 : i32
    %reduce_max3A_738 = vector.broadcast %reduce_max3A_737 : i32 to vector<16xi32>
    %reduce_max3A_739 = arith.xori %select_n3A_734, %reduce_max3A_738 : vector<16xi32>
    %reduce_max3A_740 = tpu.scan <max>, %reduce_max3A_739 masked %reduce_max3A_736 : vector<16xi32>, vector<16xi1> -> vector<16xi32>
    %reduce_max3A_741 = arith.xori %reduce_max3A_740, %reduce_max3A_738 : vector<16xi32>
    %reduce_max3A_742 = vector.extract %reduce_max3A_741[15] : i32 from vector<16xi32>
    %shift_right_logical3A_743 = arith.constant 7 : i32
    %shift_right_logical3A_744 = arith.shrui %reduce_max3A_727, %shift_right_logical3A_743 : i32
    %mul3A_745 = arith.constant 128 : i32
    %mul3A_746 = arith.muli %shift_right_logical3A_744, %mul3A_745 : i32
    %multiple_of3A_747 = tpu.assume_multiple %mul3A_746, 128 : i32
    %shift_right_logical3A_748 = arith.constant 7 : i32
    %shift_right_logical3A_749 = arith.shrui %reduce_max3A_742, %shift_right_logical3A_748 : i32
    %mul3A_750 = arith.constant 128 : i32
    %mul3A_751 = arith.muli %shift_right_logical3A_749, %mul3A_750 : i32
    %multiple_of3A_752 = tpu.assume_multiple %mul3A_751, 128 : i32
    %dma_start3A_753 = arith.constant 0 : i32
    %dma_start3A_754 = tpu.memref_slice %arg5[%dma_start3A_753, %multiple_of3A_747] : memref<64x1000000xf32, #tpu.memory_space<hbm>> -> memref<64x128xf32, #tpu.memory_space<hbm>>
    %dma_start3A_755 = arith.constant 0 : i32
    %dma_start3A_756 = tpu.memref_slice %arg5[%dma_start3A_755, %multiple_of3A_747] : memref<64x1000000xf32, #tpu.memory_space<hbm>> -> memref<64x128xf32, #tpu.memory_space<hbm>>
    tpu.enqueue_dma source(%dma_start3A_756 : memref<64x128xf32, #tpu.memory_space<hbm>>) target(%arg16 : memref<64x128xf32, #tpu.memory_space<vmem>>) target_semaphore(%arg24 : memref<!tpu.dma_semaphore, #tpu.memory_space<semaphore_mem>>)
    %dma_start3A_757 = arith.constant 0 : i32
    %dma_start3A_758 = tpu.memref_slice %arg6[%dma_start3A_757, %multiple_of3A_752] : memref<64x1000000xf32, #tpu.memory_space<hbm>> -> memref<64x128xf32, #tpu.memory_space<hbm>>
    %dma_start3A_759 = arith.constant 0 : i32
    %dma_start3A_760 = tpu.memref_slice %arg6[%dma_start3A_759, %multiple_of3A_752] : memref<64x1000000xf32, #tpu.memory_space<hbm>> -> memref<64x128xf32, #tpu.memory_space<hbm>>
    tpu.enqueue_dma source(%dma_start3A_760 : memref<64x128xf32, #tpu.memory_space<hbm>>) target(%arg20 : memref<64x128xf32, #tpu.memory_space<vmem>>) target_semaphore(%arg28 : memref<!tpu.dma_semaphore, #tpu.memory_space<semaphore_mem>>)
    %shift_right_logical3A_761 = arith.constant 258 : i32
    %shift_right_logical3A_762 = arith.constant 4 : i32
    %shift_right_logical3A_763 = arith.shrui %shift_right_logical3A_761, %shift_right_logical3A_762 : i32
    %mul3A_764 = arith.constant 16 : i32
    %mul3A_765 = arith.muli %shift_right_logical3A_763, %mul3A_764 : i32
    %multiple_of3A_766 = tpu.assume_multiple %mul3A_765, 16 : i32
    %mul3A_767 = arith.constant 16 : i32
    %mul3A_768 = arith.muli %shift_right_logical3A_763, %mul3A_767 : i32
    %sub3A_769 = arith.constant 258 : i32
    %sub3A_770 = arith.subi %sub3A_769, %mul3A_768 : i32
    %get3A_771 = arith.index_cast %multiple_of3A_766 : i32 to index
    %get3A_772 = tpu.vector_load %arg10[%get3A_771] {strides = array<i32>} : memref<512xi32, #tpu.memory_space<vmem>>, vector<16xi32>,
    %eq3A_773 = vector.broadcast %sub3A_770 : i32 to vector<16xi32>
    %eq3A_774 = arith.cmpi eq, %iota3A, %eq3A_773 : vector<16xi32>
    %jit3A_775 = arith.constant 0 : i32
    %broadcast_in_dim3A_776 = vector.broadcast %jit3A_775 : i32 to vector<16xi32>
    %select_n3A_777 = arith.select %eq3A_774, %get3A_772, %broadcast_in_dim3A_776 : vector<16xi1>, vector<16xi32>
    %reduce_max3A_778 = arith.constant true
    %reduce_max3A_779 = vector.broadcast %reduce_max3A_778 : i1 to vector<16xi1>
    %reduce_max3A_780 = arith.constant -2147483648 : i32
    %reduce_max3A_781 = vector.broadcast %reduce_max3A_780 : i32 to vector<16xi32>
    %reduce_max3A_782 = arith.xori %select_n3A_777, %reduce_max3A_781 : vector<16xi32>
    %reduce_max3A_783 = tpu.scan <max>, %reduce_max3A_782 masked %reduce_max3A_779 : vector<16xi32>, vector<16xi1> -> vector<16xi32>
    %reduce_max3A_784 = arith.xori %reduce_max3A_783, %reduce_max3A_781 : vector<16xi32>
    %reduce_max3A_785 = vector.extract %reduce_max3A_784[15] : i32 from vector<16xi32>
    %get3A_786 = arith.index_cast %multiple_of3A_766 : i32 to index
    %get3A_787 = tpu.vector_load %arg11[%get3A_786] {strides = array<i32>} : memref<512xi32, #tpu.memory_space<vmem>>, vector<16xi32>,
    %eq3A_788 = vector.broadcast %sub3A_770 : i32 to vector<16xi32>
    %eq3A_789 = arith.cmpi eq, %iota3A, %eq3A_788 : vector<16xi32>
    %jit3A_790 = arith.constant 0 : i32
    %broadcast_in_dim3A_791 = vector.broadcast %jit3A_790 : i32 to vector<16xi32>
    %select_n3A_792 = arith.select %eq3A_789, %get3A_787, %broadcast_in_dim3A_791 : vector<16xi1>, vector<16xi32>
    %reduce_max3A_793 = arith.constant true
    %reduce_max3A_794 = vector.broadcast %reduce_max3A_793 : i1 to vector<16xi1>
    %reduce_max3A_795 = arith.constant -2147483648 : i32
    %reduce_max3A_796 = vector.broadcast %reduce_max3A_795 : i32 to vector<16xi32>
    %reduce_max3A_797 = arith.xori %select_n3A_792, %reduce_max3A_796 : vector<16xi32>
    %reduce_max3A_798 = tpu.scan <max>, %reduce_max3A_797 masked %reduce_max3A_794 : vector<16xi32>, vector<16xi1> -> vector<16xi32>
    %reduce_max3A_799 = arith.xori %reduce_max3A_798, %reduce_max3A_796 : vector<16xi32>
    %reduce_max3A_800 = vector.extract %reduce_max3A_799[15] : i32 from vector<16xi32>
    %shift_right_logical3A_801 = arith.constant 7 : i32
    %shift_right_logical3A_802 = arith.shrui %reduce_max3A_785, %shift_right_logical3A_801 : i32
    %mul3A_803 = arith.constant 128 : i32
    %mul3A_804 = arith.muli %shift_right_logical3A_802, %mul3A_803 : i32
    %multiple_of3A_805 = tpu.assume_multiple %mul3A_804, 128 : i32
    %shift_right_logical3A_806 = arith.constant 7 : i32
    %shift_right_logical3A_807 = arith.shrui %reduce_max3A_800, %shift_right_logical3A_806 : i32
    %mul3A_808 = arith.constant 128 : i32
    %mul3A_809 = arith.muli %shift_right_logical3A_807, %mul3A_808 : i32
    %multiple_of3A_810 = tpu.assume_multiple %mul3A_809, 128 : i32
    %dma_start3A_811 = arith.constant 0 : i32
    %dma_start3A_812 = tpu.memref_slice %arg5[%dma_start3A_811, %multiple_of3A_805] : memref<64x1000000xf32, #tpu.memory_space<hbm>> -> memref<64x128xf32, #tpu.memory_space<hbm>>
    %dma_start3A_813 = arith.constant 0 : i32
    %dma_start3A_814 = tpu.memref_slice %arg5[%dma_start3A_813, %multiple_of3A_805] : memref<64x1000000xf32, #tpu.memory_space<hbm>> -> memref<64x128xf32, #tpu.memory_space<hbm>>
    tpu.enqueue_dma source(%dma_start3A_814 : memref<64x128xf32, #tpu.memory_space<hbm>>) target(%arg17 : memref<64x128xf32, #tpu.memory_space<vmem>>) target_semaphore(%arg25 : memref<!tpu.dma_semaphore, #tpu.memory_space<semaphore_mem>>)
    %dma_start3A_815 = arith.constant 0 : i32
    %dma_start3A_816 = tpu.memref_slice %arg6[%dma_start3A_815, %multiple_of3A_810] : memref<64x1000000xf32, #tpu.memory_space<hbm>> -> memref<64x128xf32, #tpu.memory_space<hbm>>
    %dma_start3A_817 = arith.constant 0 : i32
    %dma_start3A_818 = tpu.memref_slice %arg6[%dma_start3A_817, %multiple_of3A_810] : memref<64x1000000xf32, #tpu.memory_space<hbm>> -> memref<64x128xf32, #tpu.memory_space<hbm>>
    tpu.enqueue_dma source(%dma_start3A_818 : memref<64x128xf32, #tpu.memory_space<hbm>>) target(%arg21 : memref<64x128xf32, #tpu.memory_space<vmem>>) target_semaphore(%arg29 : memref<!tpu.dma_semaphore, #tpu.memory_space<semaphore_mem>>)
    %shift_right_logical3A_819 = arith.constant 259 : i32
    %shift_right_logical3A_820 = arith.constant 4 : i32
    %shift_right_logical3A_821 = arith.shrui %shift_right_logical3A_819, %shift_right_logical3A_820 : i32
    %mul3A_822 = arith.constant 16 : i32
    %mul3A_823 = arith.muli %shift_right_logical3A_821, %mul3A_822 : i32
    %multiple_of3A_824 = tpu.assume_multiple %mul3A_823, 16 : i32
    %mul3A_825 = arith.constant 16 : i32
    %mul3A_826 = arith.muli %shift_right_logical3A_821, %mul3A_825 : i32
    %sub3A_827 = arith.constant 259 : i32
    %sub3A_828 = arith.subi %sub3A_827, %mul3A_826 : i32
    %get3A_829 = arith.index_cast %multiple_of3A_824 : i32 to index
    %get3A_830 = tpu.vector_load %arg10[%get3A_829] {strides = array<i32>} : memref<512xi32, #tpu.memory_space<vmem>>, vector<16xi32>,
    %eq3A_831 = vector.broadcast %sub3A_828 : i32 to vector<16xi32>
    %eq3A_832 = arith.cmpi eq, %iota3A, %eq3A_831 : vector<16xi32>
    %jit3A_833 = arith.constant 0 : i32
    %broadcast_in_dim3A_834 = vector.broadcast %jit3A_833 : i32 to vector<16xi32>
    %select_n3A_835 = arith.select %eq3A_832, %get3A_830, %broadcast_in_dim3A_834 : vector<16xi1>, vector<16xi32>
    %reduce_max3A_836 = arith.constant true
    %reduce_max3A_837 = vector.broadcast %reduce_max3A_836 : i1 to vector<16xi1>
    %reduce_max3A_838 = arith.constant -2147483648 : i32
    %reduce_max3A_839 = vector.broadcast %reduce_max3A_838 : i32 to vector<16xi32>
    %reduce_max3A_840 = arith.xori %select_n3A_835, %reduce_max3A_839 : vector<16xi32>
    %reduce_max3A_841 = tpu.scan <max>, %reduce_max3A_840 masked %reduce_max3A_837 : vector<16xi32>, vector<16xi1> -> vector<16xi32>
    %reduce_max3A_842 = arith.xori %reduce_max3A_841, %reduce_max3A_839 : vector<16xi32>
    %reduce_max3A_843 = vector.extract %reduce_max3A_842[15] : i32 from vector<16xi32>
    %get3A_844 = arith.index_cast %multiple_of3A_824 : i32 to index
    %get3A_845 = tpu.vector_load %arg11[%get3A_844] {strides = array<i32>} : memref<512xi32, #tpu.memory_space<vmem>>, vector<16xi32>,
    %eq3A_846 = vector.broadcast %sub3A_828 : i32 to vector<16xi32>
    %eq3A_847 = arith.cmpi eq, %iota3A, %eq3A_846 : vector<16xi32>
    %jit3A_848 = arith.constant 0 : i32
    %broadcast_in_dim3A_849 = vector.broadcast %jit3A_848 : i32 to vector<16xi32>
    %select_n3A_850 = arith.select %eq3A_847, %get3A_845, %broadcast_in_dim3A_849 : vector<16xi1>, vector<16xi32>
    %reduce_max3A_851 = arith.constant true
    %reduce_max3A_852 = vector.broadcast %reduce_max3A_851 : i1 to vector<16xi1>
    %reduce_max3A_853 = arith.constant -2147483648 : i32
    %reduce_max3A_854 = vector.broadcast %reduce_max3A_853 : i32 to vector<16xi32>
    %reduce_max3A_855 = arith.xori %select_n3A_850, %reduce_max3A_854 : vector<16xi32>
    %reduce_max3A_856 = tpu.scan <max>, %reduce_max3A_855 masked %reduce_max3A_852 : vector<16xi32>, vector<16xi1> -> vector<16xi32>
    %reduce_max3A_857 = arith.xori %reduce_max3A_856, %reduce_max3A_854 : vector<16xi32>
    %reduce_max3A_858 = vector.extract %reduce_max3A_857[15] : i32 from vector<16xi32>
    %shift_right_logical3A_859 = arith.constant 7 : i32
    %shift_right_logical3A_860 = arith.shrui %reduce_max3A_843, %shift_right_logical3A_859 : i32
    %mul3A_861 = arith.constant 128 : i32
    %mul3A_862 = arith.muli %shift_right_logical3A_860, %mul3A_861 : i32
    %multiple_of3A_863 = tpu.assume_multiple %mul3A_862, 128 : i32
    %shift_right_logical3A_864 = arith.constant 7 : i32
    %shift_right_logical3A_865 = arith.shrui %reduce_max3A_858, %shift_right_logical3A_864 : i32
    %mul3A_866 = arith.constant 128 : i32
    %mul3A_867 = arith.muli %shift_right_logical3A_865, %mul3A_866 : i32
    %multiple_of3A_868 = tpu.assume_multiple %mul3A_867, 128 : i32
    %dma_start3A_869 = arith.constant 0 : i32
    %dma_start3A_870 = tpu.memref_slice %arg5[%dma_start3A_869, %multiple_of3A_863] : memref<64x1000000xf32, #tpu.memory_space<hbm>> -> memref<64x128xf32, #tpu.memory_space<hbm>>
    %dma_start3A_871 = arith.constant 0 : i32
    %dma_start3A_872 = tpu.memref_slice %arg5[%dma_start3A_871, %multiple_of3A_863] : memref<64x1000000xf32, #tpu.memory_space<hbm>> -> memref<64x128xf32, #tpu.memory_space<hbm>>
    tpu.enqueue_dma source(%dma_start3A_872 : memref<64x128xf32, #tpu.memory_space<hbm>>) target(%arg18 : memref<64x128xf32, #tpu.memory_space<vmem>>) target_semaphore(%arg26 : memref<!tpu.dma_semaphore, #tpu.memory_space<semaphore_mem>>)
    %dma_start3A_873 = arith.constant 0 : i32
    %dma_start3A_874 = tpu.memref_slice %arg6[%dma_start3A_873, %multiple_of3A_868] : memref<64x1000000xf32, #tpu.memory_space<hbm>> -> memref<64x128xf32, #tpu.memory_space<hbm>>
    %dma_start3A_875 = arith.constant 0 : i32
    %dma_start3A_876 = tpu.memref_slice %arg6[%dma_start3A_875, %multiple_of3A_868] : memref<64x1000000xf32, #tpu.memory_space<hbm>> -> memref<64x128xf32, #tpu.memory_space<hbm>>
    tpu.enqueue_dma source(%dma_start3A_876 : memref<64x128xf32, #tpu.memory_space<hbm>>) target(%arg22 : memref<64x128xf32, #tpu.memory_space<vmem>>) target_semaphore(%arg30 : memref<!tpu.dma_semaphore, #tpu.memory_space<semaphore_mem>>)
    %scan3A_877 = arith.constant 0 : i32
    %scan3A_878 = arith.constant 64 : i32
    %scan3A_879 = arith.addi %scan3A_877, %scan3A_878 : i32
    %scan3A_880 = arith.constant 1 : i32
    %scan3A_881:8 = scf.for %scan3A_933 = %scan3A_877 to %scan3A_879 step %scan3A_880 iter_args(%scan3A_934 = %reduce_max3A_669, %scan3A_935 = %reduce_max3A_684, %scan3A_936 = %reduce_max3A_727, %scan3A_937 = %reduce_max3A_742, %scan3A_938 = %reduce_max3A_785, %scan3A_939 = %reduce_max3A_800, %scan3A_940 = %reduce_max3A_843, %scan3A_941 = %reduce_max3A_858) -> (i32, i32, i32, i32, i32, i32, i32, i32)  : i32 {
      %mul3A_942 = arith.constant 4 : i32
      %mul3A_943 = arith.muli %mul3A_942, %scan3A_933 : i32
      %add3A_944 = arith.constant 256 : i32
      %add3A_945 = arith.addi %add3A_944, %mul3A_943 : i32
      %add3A_946 = arith.constant 0 : i32
      %add3A_947 = arith.addi %add3A_945, %add3A_946 : i32
      %and3A = arith.constant 127 : i32
      %and3A_948 = arith.andi %scan3A_934, %and3A : i32
      %broadcast_in_dim3A_949 = vector.broadcast %and3A_948 : i32 to vector<16xi32>
      %and3A_950 = arith.constant 127 : i32
      %and3A_951 = arith.andi %scan3A_935, %and3A_950 : i32
      %broadcast_in_dim3A_952 = vector.broadcast %and3A_951 : i32 to vector<16xi32>
      %dma_wait3A_953 = arith.constant 0 : i32
      %dma_wait3A_954 = arith.constant 0 : i32
      %dma_wait3A_955 = tpu.memref_slice %arg5[%dma_wait3A_953, %dma_wait3A_954] : memref<64x1000000xf32, #tpu.memory_space<hbm>> -> memref<64x128xf32, #tpu.memory_space<hbm>>
      %dma_wait3A_956 = arith.constant 0 : i32
      %dma_wait3A_957 = arith.constant 0 : i32
      %dma_wait3A_958 = tpu.memref_slice %arg5[%dma_wait3A_956, %dma_wait3A_957] : memref<64x1000000xf32, #tpu.memory_space<hbm>> -> memref<64x128xf32, #tpu.memory_space<hbm>>
      tpu.wait_dma2 semaphore(%arg23 : memref<!tpu.dma_semaphore, #tpu.memory_space<semaphore_mem>>) src(%dma_wait3A_958 : memref<64x128xf32, #tpu.memory_space<hbm>>) dst(%arg15 : memref<64x128xf32, #tpu.memory_space<vmem>>)
      %dma_wait3A_959 = arith.constant 0 : i32
      %dma_wait3A_960 = arith.constant 0 : i32
      %dma_wait3A_961 = tpu.memref_slice %arg6[%dma_wait3A_959, %dma_wait3A_960] : memref<64x1000000xf32, #tpu.memory_space<hbm>> -> memref<64x128xf32, #tpu.memory_space<hbm>>
      %dma_wait3A_962 = arith.constant 0 : i32
      %dma_wait3A_963 = arith.constant 0 : i32
      %dma_wait3A_964 = tpu.memref_slice %arg6[%dma_wait3A_962, %dma_wait3A_963] : memref<64x1000000xf32, #tpu.memory_space<hbm>> -> memref<64x128xf32, #tpu.memory_space<hbm>>
      tpu.wait_dma2 semaphore(%arg27 : memref<!tpu.dma_semaphore, #tpu.memory_space<semaphore_mem>>) src(%dma_wait3A_964 : memref<64x128xf32, #tpu.memory_space<hbm>>) dst(%arg19 : memref<64x128xf32, #tpu.memory_space<vmem>>)
      %add3A_965 = arith.constant 0 : i32
      %add3A_966 = vector.broadcast %add3A_965 : i32 to vector<16xi32>
      %add3A_967 = arith.addi %add3A_966, %iota3A : vector<16xi32>
      %gather3A_968 = tpu.vector_load_idx %arg15[%add3A_967, %broadcast_in_dim3A_949] : memref<64x128xf32, #tpu.memory_space<vmem>>[vector<16xi32>, vector<16xi32>], vector<16xf32>,
      %gather3A_969 = tpu.vector_load_idx %arg19[%add3A_967, %broadcast_in_dim3A_952] : memref<64x128xf32, #tpu.memory_space<vmem>>[vector<16xi32>, vector<16xi32>], vector<16xf32>,
      %add3A_970 = arith.addf %gather3A_968, %gather3A_969 : vector<16xf32>
      %add3A_971 = arith.addf %add3A_970, %get3A_3 : vector<16xf32>
      %sub3A_972 = arith.constant 256 : i32
      %sub3A_973 = arith.subi %add3A_947, %sub3A_972 : i32
      %swap3A_974 = arith.index_cast %sub3A_973 : i32 to index
      %swap3A_975 = arith.constant 0 : index
      %swap3A_976 = tpu.vector_load %arg14[%swap3A_974, %swap3A_975] {strides = array<i32>} : memref<256x64xf32, #tpu.memory_space<vmem>>, vector<16xf32>,
      tpu.vector_store %arg14[%swap3A_974, %swap3A_975], %add3A_971 {strides = array<i32>} : memref<256x64xf32, #tpu.memory_space<vmem>>, vector<16xf32>,
      %add3A_977 = arith.constant 16 : i32
      %add3A_978 = vector.broadcast %add3A_977 : i32 to vector<16xi32>
      %add3A_979 = arith.addi %add3A_978, %iota3A : vector<16xi32>
      %gather3A_980 = tpu.vector_load_idx %arg15[%add3A_979, %broadcast_in_dim3A_949] : memref<64x128xf32, #tpu.memory_space<vmem>>[vector<16xi32>, vector<16xi32>], vector<16xf32>,
      %gather3A_981 = tpu.vector_load_idx %arg19[%add3A_979, %broadcast_in_dim3A_952] : memref<64x128xf32, #tpu.memory_space<vmem>>[vector<16xi32>, vector<16xi32>], vector<16xf32>,
      %add3A_982 = arith.addf %gather3A_980, %gather3A_981 : vector<16xf32>
      %add3A_983 = arith.addf %add3A_982, %get3A_5 : vector<16xf32>
      %sub3A_984 = arith.constant 256 : i32
      %sub3A_985 = arith.subi %add3A_947, %sub3A_984 : i32
      %swap3A_986 = arith.index_cast %sub3A_985 : i32 to index
      %swap3A_987 = arith.constant 16 : index
      %swap3A_988 = tpu.vector_load %arg14[%swap3A_986, %swap3A_987] {strides = array<i32>} : memref<256x64xf32, #tpu.memory_space<vmem>>, vector<16xf32>,
      tpu.vector_store %arg14[%swap3A_986, %swap3A_987], %add3A_983 {strides = array<i32>} : memref<256x64xf32, #tpu.memory_space<vmem>>, vector<16xf32>,
      %add3A_989 = arith.constant 32 : i32
      %add3A_990 = vector.broadcast %add3A_989 : i32 to vector<16xi32>
      %add3A_991 = arith.addi %add3A_990, %iota3A : vector<16xi32>
      %gather3A_992 = tpu.vector_load_idx %arg15[%add3A_991, %broadcast_in_dim3A_949] : memref<64x128xf32, #tpu.memory_space<vmem>>[vector<16xi32>, vector<16xi32>], vector<16xf32>,
      %gather3A_993 = tpu.vector_load_idx %arg19[%add3A_991, %broadcast_in_dim3A_952] : memref<64x128xf32, #tpu.memory_space<vmem>>[vector<16xi32>, vector<16xi32>], vector<16xf32>,
      %add3A_994 = arith.addf %gather3A_992, %gather3A_993 : vector<16xf32>
      %add3A_995 = arith.addf %add3A_994, %get3A_7 : vector<16xf32>
      %sub3A_996 = arith.constant 256 : i32
      %sub3A_997 = arith.subi %add3A_947, %sub3A_996 : i32
      %swap3A_998 = arith.index_cast %sub3A_997 : i32 to index
      %swap3A_999 = arith.constant 32 : index
      %swap3A_1000 = tpu.vector_load %arg14[%swap3A_998, %swap3A_999] {strides = array<i32>} : memref<256x64xf32, #tpu.memory_space<vmem>>, vector<16xf32>,
      tpu.vector_store %arg14[%swap3A_998, %swap3A_999], %add3A_995 {strides = array<i32>} : memref<256x64xf32, #tpu.memory_space<vmem>>, vector<16xf32>,
      %add3A_1001 = arith.constant 48 : i32
      %add3A_1002 = vector.broadcast %add3A_1001 : i32 to vector<16xi32>
      %add3A_1003 = arith.addi %add3A_1002, %iota3A : vector<16xi32>
      %gather3A_1004 = tpu.vector_load_idx %arg15[%add3A_1003, %broadcast_in_dim3A_949] : memref<64x128xf32, #tpu.memory_space<vmem>>[vector<16xi32>, vector<16xi32>], vector<16xf32>,
      %gather3A_1005 = tpu.vector_load_idx %arg19[%add3A_1003, %broadcast_in_dim3A_952] : memref<64x128xf32, #tpu.memory_space<vmem>>[vector<16xi32>, vector<16xi32>], vector<16xf32>,
      %add3A_1006 = arith.addf %gather3A_1004, %gather3A_1005 : vector<16xf32>
      %add3A_1007 = arith.addf %add3A_1006, %get3A_9 : vector<16xf32>
      %sub3A_1008 = arith.constant 256 : i32
      %sub3A_1009 = arith.subi %add3A_947, %sub3A_1008 : i32
      %swap3A_1010 = arith.index_cast %sub3A_1009 : i32 to index
      %swap3A_1011 = arith.constant 48 : index
      %swap3A_1012 = tpu.vector_load %arg14[%swap3A_1010, %swap3A_1011] {strides = array<i32>} : memref<256x64xf32, #tpu.memory_space<vmem>>, vector<16xf32>,
      tpu.vector_store %arg14[%swap3A_1010, %swap3A_1011], %add3A_1007 {strides = array<i32>} : memref<256x64xf32, #tpu.memory_space<vmem>>, vector<16xf32>,
      %add3A_1013 = arith.constant 0 : i32
      %add3A_1014 = arith.addi %add3A_945, %add3A_1013 : i32
      %add3A_1015 = arith.constant 4 : i32
      %add3A_1016 = arith.addi %add3A_1014, %add3A_1015 : i32
      %sub3A_1017 = arith.constant 256 : i32
      %sub3A_1018 = arith.subi %add3A_1016, %sub3A_1017 : i32
      %rem3A = arith.constant 256 : i32
      %rem3A_1019 = arith.remsi %sub3A_1018, %rem3A : i32
      %add3A_1020 = arith.constant 256 : i32
      %add3A_1021 = arith.addi %add3A_1020, %rem3A_1019 : i32
      %shift_right_logical3A_1022 = arith.constant 4 : i32
      %shift_right_logical3A_1023 = arith.shrui %add3A_1021, %shift_right_logical3A_1022 : i32
      %mul3A_1024 = arith.constant 16 : i32
      %mul3A_1025 = arith.muli %shift_right_logical3A_1023, %mul3A_1024 : i32
      %multiple_of3A_1026 = tpu.assume_multiple %mul3A_1025, 16 : i32
      %mul3A_1027 = arith.constant 16 : i32
      %mul3A_1028 = arith.muli %shift_right_logical3A_1023, %mul3A_1027 : i32
      %sub3A_1029 = arith.subi %add3A_1021, %mul3A_1028 : i32
      %get3A_1030 = arith.index_cast %multiple_of3A_1026 : i32 to index
      %get3A_1031 = tpu.vector_load %arg10[%get3A_1030] {strides = array<i32>} : memref<512xi32, #tpu.memory_space<vmem>>, vector<16xi32>,
      %eq3A_1032 = vector.broadcast %sub3A_1029 : i32 to vector<16xi32>
      %eq3A_1033 = arith.cmpi eq, %iota3A, %eq3A_1032 : vector<16xi32>
      %jit3A_1034 = arith.constant 0 : i32
      %broadcast_in_dim3A_1035 = vector.broadcast %jit3A_1034 : i32 to vector<16xi32>
      %select_n3A_1036 = arith.select %eq3A_1033, %get3A_1031, %broadcast_in_dim3A_1035 : vector<16xi1>, vector<16xi32>
      %reduce_max3A_1037 = arith.constant true
      %reduce_max3A_1038 = vector.broadcast %reduce_max3A_1037 : i1 to vector<16xi1>
      %reduce_max3A_1039 = arith.constant -2147483648 : i32
      %reduce_max3A_1040 = vector.broadcast %reduce_max3A_1039 : i32 to vector<16xi32>
      %reduce_max3A_1041 = arith.xori %select_n3A_1036, %reduce_max3A_1040 : vector<16xi32>
      %reduce_max3A_1042 = tpu.scan <max>, %reduce_max3A_1041 masked %reduce_max3A_1038 : vector<16xi32>, vector<16xi1> -> vector<16xi32>
      %reduce_max3A_1043 = arith.xori %reduce_max3A_1042, %reduce_max3A_1040 : vector<16xi32>
      %reduce_max3A_1044 = vector.extract %reduce_max3A_1043[15] : i32 from vector<16xi32>
      %get3A_1045 = arith.index_cast %multiple_of3A_1026 : i32 to index
      %get3A_1046 = tpu.vector_load %arg11[%get3A_1045] {strides = array<i32>} : memref<512xi32, #tpu.memory_space<vmem>>, vector<16xi32>,
      %eq3A_1047 = vector.broadcast %sub3A_1029 : i32 to vector<16xi32>
      %eq3A_1048 = arith.cmpi eq, %iota3A, %eq3A_1047 : vector<16xi32>
      %jit3A_1049 = arith.constant 0 : i32
      %broadcast_in_dim3A_1050 = vector.broadcast %jit3A_1049 : i32 to vector<16xi32>
      %select_n3A_1051 = arith.select %eq3A_1048, %get3A_1046, %broadcast_in_dim3A_1050 : vector<16xi1>, vector<16xi32>
      %reduce_max3A_1052 = arith.constant true
      %reduce_max3A_1053 = vector.broadcast %reduce_max3A_1052 : i1 to vector<16xi1>
      %reduce_max3A_1054 = arith.constant -2147483648 : i32
      %reduce_max3A_1055 = vector.broadcast %reduce_max3A_1054 : i32 to vector<16xi32>
      %reduce_max3A_1056 = arith.xori %select_n3A_1051, %reduce_max3A_1055 : vector<16xi32>
      %reduce_max3A_1057 = tpu.scan <max>, %reduce_max3A_1056 masked %reduce_max3A_1053 : vector<16xi32>, vector<16xi1> -> vector<16xi32>
      %reduce_max3A_1058 = arith.xori %reduce_max3A_1057, %reduce_max3A_1055 : vector<16xi32>
      %reduce_max3A_1059 = vector.extract %reduce_max3A_1058[15] : i32 from vector<16xi32>
      %shift_right_logical3A_1060 = arith.constant 7 : i32
      %shift_right_logical3A_1061 = arith.shrui %reduce_max3A_1044, %shift_right_logical3A_1060 : i32
      %mul3A_1062 = arith.constant 128 : i32
      %mul3A_1063 = arith.muli %shift_right_logical3A_1061, %mul3A_1062 : i32
      %multiple_of3A_1064 = tpu.assume_multiple %mul3A_1063, 128 : i32
      %shift_right_logical3A_1065 = arith.constant 7 : i32
      %shift_right_logical3A_1066 = arith.shrui %reduce_max3A_1059, %shift_right_logical3A_1065 : i32
      %mul3A_1067 = arith.constant 128 : i32
      %mul3A_1068 = arith.muli %shift_right_logical3A_1066, %mul3A_1067 : i32
      %multiple_of3A_1069 = tpu.assume_multiple %mul3A_1068, 128 : i32
      %dma_start3A_1070 = arith.constant 0 : i32
      %dma_start3A_1071 = tpu.memref_slice %arg5[%dma_start3A_1070, %multiple_of3A_1064] : memref<64x1000000xf32, #tpu.memory_space<hbm>> -> memref<64x128xf32, #tpu.memory_space<hbm>>
      %dma_start3A_1072 = arith.constant 0 : i32
      %dma_start3A_1073 = tpu.memref_slice %arg5[%dma_start3A_1072, %multiple_of3A_1064] : memref<64x1000000xf32, #tpu.memory_space<hbm>> -> memref<64x128xf32, #tpu.memory_space<hbm>>
      tpu.enqueue_dma source(%dma_start3A_1073 : memref<64x128xf32, #tpu.memory_space<hbm>>) target(%arg15 : memref<64x128xf32, #tpu.memory_space<vmem>>) target_semaphore(%arg23 : memref<!tpu.dma_semaphore, #tpu.memory_space<semaphore_mem>>)
      %dma_start3A_1074 = arith.constant 0 : i32
      %dma_start3A_1075 = tpu.memref_slice %arg6[%dma_start3A_1074, %multiple_of3A_1069] : memref<64x1000000xf32, #tpu.memory_space<hbm>> -> memref<64x128xf32, #tpu.memory_space<hbm>>
      %dma_start3A_1076 = arith.constant 0 : i32
      %dma_start3A_1077 = tpu.memref_slice %arg6[%dma_start3A_1076, %multiple_of3A_1069] : memref<64x1000000xf32, #tpu.memory_space<hbm>> -> memref<64x128xf32, #tpu.memory_space<hbm>>
      tpu.enqueue_dma source(%dma_start3A_1077 : memref<64x128xf32, #tpu.memory_space<hbm>>) target(%arg19 : memref<64x128xf32, #tpu.memory_space<vmem>>) target_semaphore(%arg27 : memref<!tpu.dma_semaphore, #tpu.memory_space<semaphore_mem>>)
      %add3A_1078 = arith.constant 1 : i32
      %add3A_1079 = arith.addi %add3A_945, %add3A_1078 : i32
      %and3A_1080 = arith.constant 127 : i32
      %and3A_1081 = arith.andi %scan3A_936, %and3A_1080 : i32
      %broadcast_in_dim3A_1082 = vector.broadcast %and3A_1081 : i32 to vector<16xi32>
      %and3A_1083 = arith.constant 127 : i32
      %and3A_1084 = arith.andi %scan3A_937, %and3A_1083 : i32
      %broadcast_in_dim3A_1085 = vector.broadcast %and3A_1084 : i32 to vector<16xi32>
      %dma_wait3A_1086 = arith.constant 0 : i32
      %dma_wait3A_1087 = arith.constant 0 : i32
      %dma_wait3A_1088 = tpu.memref_slice %arg5[%dma_wait3A_1086, %dma_wait3A_1087] : memref<64x1000000xf32, #tpu.memory_space<hbm>> -> memref<64x128xf32, #tpu.memory_space<hbm>>
      %dma_wait3A_1089 = arith.constant 0 : i32
      %dma_wait3A_1090 = arith.constant 0 : i32
      %dma_wait3A_1091 = tpu.memref_slice %arg5[%dma_wait3A_1089, %dma_wait3A_1090] : memref<64x1000000xf32, #tpu.memory_space<hbm>> -> memref<64x128xf32, #tpu.memory_space<hbm>>
      tpu.wait_dma2 semaphore(%arg24 : memref<!tpu.dma_semaphore, #tpu.memory_space<semaphore_mem>>) src(%dma_wait3A_1091 : memref<64x128xf32, #tpu.memory_space<hbm>>) dst(%arg16 : memref<64x128xf32, #tpu.memory_space<vmem>>)
      %dma_wait3A_1092 = arith.constant 0 : i32
      %dma_wait3A_1093 = arith.constant 0 : i32
      %dma_wait3A_1094 = tpu.memref_slice %arg6[%dma_wait3A_1092, %dma_wait3A_1093] : memref<64x1000000xf32, #tpu.memory_space<hbm>> -> memref<64x128xf32, #tpu.memory_space<hbm>>
      %dma_wait3A_1095 = arith.constant 0 : i32
      %dma_wait3A_1096 = arith.constant 0 : i32
      %dma_wait3A_1097 = tpu.memref_slice %arg6[%dma_wait3A_1095, %dma_wait3A_1096] : memref<64x1000000xf32, #tpu.memory_space<hbm>> -> memref<64x128xf32, #tpu.memory_space<hbm>>
      tpu.wait_dma2 semaphore(%arg28 : memref<!tpu.dma_semaphore, #tpu.memory_space<semaphore_mem>>) src(%dma_wait3A_1097 : memref<64x128xf32, #tpu.memory_space<hbm>>) dst(%arg20 : memref<64x128xf32, #tpu.memory_space<vmem>>)
      %add3A_1098 = arith.constant 0 : i32
      %add3A_1099 = vector.broadcast %add3A_1098 : i32 to vector<16xi32>
      %add3A_1100 = arith.addi %add3A_1099, %iota3A : vector<16xi32>
      %gather3A_1101 = tpu.vector_load_idx %arg16[%add3A_1100, %broadcast_in_dim3A_1082] : memref<64x128xf32, #tpu.memory_space<vmem>>[vector<16xi32>, vector<16xi32>], vector<16xf32>,
      %gather3A_1102 = tpu.vector_load_idx %arg20[%add3A_1100, %broadcast_in_dim3A_1085] : memref<64x128xf32, #tpu.memory_space<vmem>>[vector<16xi32>, vector<16xi32>], vector<16xf32>,
      %add3A_1103 = arith.addf %gather3A_1101, %gather3A_1102 : vector<16xf32>
      %add3A_1104 = arith.addf %add3A_1103, %get3A_3 : vector<16xf32>
      %sub3A_1105 = arith.constant 256 : i32
      %sub3A_1106 = arith.subi %add3A_1079, %sub3A_1105 : i32
      %swap3A_1107 = arith.index_cast %sub3A_1106 : i32 to index
      %swap3A_1108 = arith.constant 0 : index
      %swap3A_1109 = tpu.vector_load %arg14[%swap3A_1107, %swap3A_1108] {strides = array<i32>} : memref<256x64xf32, #tpu.memory_space<vmem>>, vector<16xf32>,
      tpu.vector_store %arg14[%swap3A_1107, %swap3A_1108], %add3A_1104 {strides = array<i32>} : memref<256x64xf32, #tpu.memory_space<vmem>>, vector<16xf32>,
      %add3A_1110 = arith.constant 16 : i32
      %add3A_1111 = vector.broadcast %add3A_1110 : i32 to vector<16xi32>
      %add3A_1112 = arith.addi %add3A_1111, %iota3A : vector<16xi32>
      %gather3A_1113 = tpu.vector_load_idx %arg16[%add3A_1112, %broadcast_in_dim3A_1082] : memref<64x128xf32, #tpu.memory_space<vmem>>[vector<16xi32>, vector<16xi32>], vector<16xf32>,
      %gather3A_1114 = tpu.vector_load_idx %arg20[%add3A_1112, %broadcast_in_dim3A_1085] : memref<64x128xf32, #tpu.memory_space<vmem>>[vector<16xi32>, vector<16xi32>], vector<16xf32>,
      %add3A_1115 = arith.addf %gather3A_1113, %gather3A_1114 : vector<16xf32>
      %add3A_1116 = arith.addf %add3A_1115, %get3A_5 : vector<16xf32>
      %sub3A_1117 = arith.constant 256 : i32
      %sub3A_1118 = arith.subi %add3A_1079, %sub3A_1117 : i32
      %swap3A_1119 = arith.index_cast %sub3A_1118 : i32 to index
      %swap3A_1120 = arith.constant 16 : index
      %swap3A_1121 = tpu.vector_load %arg14[%swap3A_1119, %swap3A_1120] {strides = array<i32>} : memref<256x64xf32, #tpu.memory_space<vmem>>, vector<16xf32>,
      tpu.vector_store %arg14[%swap3A_1119, %swap3A_1120], %add3A_1116 {strides = array<i32>} : memref<256x64xf32, #tpu.memory_space<vmem>>, vector<16xf32>,
      %add3A_1122 = arith.constant 32 : i32
      %add3A_1123 = vector.broadcast %add3A_1122 : i32 to vector<16xi32>
      %add3A_1124 = arith.addi %add3A_1123, %iota3A : vector<16xi32>
      %gather3A_1125 = tpu.vector_load_idx %arg16[%add3A_1124, %broadcast_in_dim3A_1082] : memref<64x128xf32, #tpu.memory_space<vmem>>[vector<16xi32>, vector<16xi32>], vector<16xf32>,
      %gather3A_1126 = tpu.vector_load_idx %arg20[%add3A_1124, %broadcast_in_dim3A_1085] : memref<64x128xf32, #tpu.memory_space<vmem>>[vector<16xi32>, vector<16xi32>], vector<16xf32>,
      %add3A_1127 = arith.addf %gather3A_1125, %gather3A_1126 : vector<16xf32>
      %add3A_1128 = arith.addf %add3A_1127, %get3A_7 : vector<16xf32>
      %sub3A_1129 = arith.constant 256 : i32
      %sub3A_1130 = arith.subi %add3A_1079, %sub3A_1129 : i32
      %swap3A_1131 = arith.index_cast %sub3A_1130 : i32 to index
      %swap3A_1132 = arith.constant 32 : index
      %swap3A_1133 = tpu.vector_load %arg14[%swap3A_1131, %swap3A_1132] {strides = array<i32>} : memref<256x64xf32, #tpu.memory_space<vmem>>, vector<16xf32>,
      tpu.vector_store %arg14[%swap3A_1131, %swap3A_1132], %add3A_1128 {strides = array<i32>} : memref<256x64xf32, #tpu.memory_space<vmem>>, vector<16xf32>,
      %add3A_1134 = arith.constant 48 : i32
      %add3A_1135 = vector.broadcast %add3A_1134 : i32 to vector<16xi32>
      %add3A_1136 = arith.addi %add3A_1135, %iota3A : vector<16xi32>
      %gather3A_1137 = tpu.vector_load_idx %arg16[%add3A_1136, %broadcast_in_dim3A_1082] : memref<64x128xf32, #tpu.memory_space<vmem>>[vector<16xi32>, vector<16xi32>], vector<16xf32>,
      %gather3A_1138 = tpu.vector_load_idx %arg20[%add3A_1136, %broadcast_in_dim3A_1085] : memref<64x128xf32, #tpu.memory_space<vmem>>[vector<16xi32>, vector<16xi32>], vector<16xf32>,
      %add3A_1139 = arith.addf %gather3A_1137, %gather3A_1138 : vector<16xf32>
      %add3A_1140 = arith.addf %add3A_1139, %get3A_9 : vector<16xf32>
      %sub3A_1141 = arith.constant 256 : i32
      %sub3A_1142 = arith.subi %add3A_1079, %sub3A_1141 : i32
      %swap3A_1143 = arith.index_cast %sub3A_1142 : i32 to index
      %swap3A_1144 = arith.constant 48 : index
      %swap3A_1145 = tpu.vector_load %arg14[%swap3A_1143, %swap3A_1144] {strides = array<i32>} : memref<256x64xf32, #tpu.memory_space<vmem>>, vector<16xf32>,
      tpu.vector_store %arg14[%swap3A_1143, %swap3A_1144], %add3A_1140 {strides = array<i32>} : memref<256x64xf32, #tpu.memory_space<vmem>>, vector<16xf32>,
      %add3A_1146 = arith.constant 1 : i32
      %add3A_1147 = arith.addi %add3A_945, %add3A_1146 : i32
      %add3A_1148 = arith.constant 4 : i32
      %add3A_1149 = arith.addi %add3A_1147, %add3A_1148 : i32
      %sub3A_1150 = arith.constant 256 : i32
      %sub3A_1151 = arith.subi %add3A_1149, %sub3A_1150 : i32
      %rem3A_1152 = arith.constant 256 : i32
      %rem3A_1153 = arith.remsi %sub3A_1151, %rem3A_1152 : i32
      %add3A_1154 = arith.constant 256 : i32
      %add3A_1155 = arith.addi %add3A_1154, %rem3A_1153 : i32
      %shift_right_logical3A_1156 = arith.constant 4 : i32
      %shift_right_logical3A_1157 = arith.shrui %add3A_1155, %shift_right_logical3A_1156 : i32
      %mul3A_1158 = arith.constant 16 : i32
      %mul3A_1159 = arith.muli %shift_right_logical3A_1157, %mul3A_1158 : i32
      %multiple_of3A_1160 = tpu.assume_multiple %mul3A_1159, 16 : i32
      %mul3A_1161 = arith.constant 16 : i32
      %mul3A_1162 = arith.muli %shift_right_logical3A_1157, %mul3A_1161 : i32
      %sub3A_1163 = arith.subi %add3A_1155, %mul3A_1162 : i32
      %get3A_1164 = arith.index_cast %multiple_of3A_1160 : i32 to index
      %get3A_1165 = tpu.vector_load %arg10[%get3A_1164] {strides = array<i32>} : memref<512xi32, #tpu.memory_space<vmem>>, vector<16xi32>,
      %eq3A_1166 = vector.broadcast %sub3A_1163 : i32 to vector<16xi32>
      %eq3A_1167 = arith.cmpi eq, %iota3A, %eq3A_1166 : vector<16xi32>
      %jit3A_1168 = arith.constant 0 : i32
      %broadcast_in_dim3A_1169 = vector.broadcast %jit3A_1168 : i32 to vector<16xi32>
      %select_n3A_1170 = arith.select %eq3A_1167, %get3A_1165, %broadcast_in_dim3A_1169 : vector<16xi1>, vector<16xi32>
      %reduce_max3A_1171 = arith.constant true
      %reduce_max3A_1172 = vector.broadcast %reduce_max3A_1171 : i1 to vector<16xi1>
      %reduce_max3A_1173 = arith.constant -2147483648 : i32
      %reduce_max3A_1174 = vector.broadcast %reduce_max3A_1173 : i32 to vector<16xi32>
      %reduce_max3A_1175 = arith.xori %select_n3A_1170, %reduce_max3A_1174 : vector<16xi32>
      %reduce_max3A_1176 = tpu.scan <max>, %reduce_max3A_1175 masked %reduce_max3A_1172 : vector<16xi32>, vector<16xi1> -> vector<16xi32>
      %reduce_max3A_1177 = arith.xori %reduce_max3A_1176, %reduce_max3A_1174 : vector<16xi32>
      %reduce_max3A_1178 = vector.extract %reduce_max3A_1177[15] : i32 from vector<16xi32>
      %get3A_1179 = arith.index_cast %multiple_of3A_1160 : i32 to index
      %get3A_1180 = tpu.vector_load %arg11[%get3A_1179] {strides = array<i32>} : memref<512xi32, #tpu.memory_space<vmem>>, vector<16xi32>,
      %eq3A_1181 = vector.broadcast %sub3A_1163 : i32 to vector<16xi32>
      %eq3A_1182 = arith.cmpi eq, %iota3A, %eq3A_1181 : vector<16xi32>
      %jit3A_1183 = arith.constant 0 : i32
      %broadcast_in_dim3A_1184 = vector.broadcast %jit3A_1183 : i32 to vector<16xi32>
      %select_n3A_1185 = arith.select %eq3A_1182, %get3A_1180, %broadcast_in_dim3A_1184 : vector<16xi1>, vector<16xi32>
      %reduce_max3A_1186 = arith.constant true
      %reduce_max3A_1187 = vector.broadcast %reduce_max3A_1186 : i1 to vector<16xi1>
      %reduce_max3A_1188 = arith.constant -2147483648 : i32
      %reduce_max3A_1189 = vector.broadcast %reduce_max3A_1188 : i32 to vector<16xi32>
      %reduce_max3A_1190 = arith.xori %select_n3A_1185, %reduce_max3A_1189 : vector<16xi32>
      %reduce_max3A_1191 = tpu.scan <max>, %reduce_max3A_1190 masked %reduce_max3A_1187 : vector<16xi32>, vector<16xi1> -> vector<16xi32>
      %reduce_max3A_1192 = arith.xori %reduce_max3A_1191, %reduce_max3A_1189 : vector<16xi32>
      %reduce_max3A_1193 = vector.extract %reduce_max3A_1192[15] : i32 from vector<16xi32>
      %shift_right_logical3A_1194 = arith.constant 7 : i32
      %shift_right_logical3A_1195 = arith.shrui %reduce_max3A_1178, %shift_right_logical3A_1194 : i32
      %mul3A_1196 = arith.constant 128 : i32
      %mul3A_1197 = arith.muli %shift_right_logical3A_1195, %mul3A_1196 : i32
      %multiple_of3A_1198 = tpu.assume_multiple %mul3A_1197, 128 : i32
      %shift_right_logical3A_1199 = arith.constant 7 : i32
      %shift_right_logical3A_1200 = arith.shrui %reduce_max3A_1193, %shift_right_logical3A_1199 : i32
      %mul3A_1201 = arith.constant 128 : i32
      %mul3A_1202 = arith.muli %shift_right_logical3A_1200, %mul3A_1201 : i32
      %multiple_of3A_1203 = tpu.assume_multiple %mul3A_1202, 128 : i32
      %dma_start3A_1204 = arith.constant 0 : i32
      %dma_start3A_1205 = tpu.memref_slice %arg5[%dma_start3A_1204, %multiple_of3A_1198] : memref<64x1000000xf32, #tpu.memory_space<hbm>> -> memref<64x128xf32, #tpu.memory_space<hbm>>
      %dma_start3A_1206 = arith.constant 0 : i32
      %dma_start3A_1207 = tpu.memref_slice %arg5[%dma_start3A_1206, %multiple_of3A_1198] : memref<64x1000000xf32, #tpu.memory_space<hbm>> -> memref<64x128xf32, #tpu.memory_space<hbm>>
      tpu.enqueue_dma source(%dma_start3A_1207 : memref<64x128xf32, #tpu.memory_space<hbm>>) target(%arg16 : memref<64x128xf32, #tpu.memory_space<vmem>>) target_semaphore(%arg24 : memref<!tpu.dma_semaphore, #tpu.memory_space<semaphore_mem>>)
      %dma_start3A_1208 = arith.constant 0 : i32
      %dma_start3A_1209 = tpu.memref_slice %arg6[%dma_start3A_1208, %multiple_of3A_1203] : memref<64x1000000xf32, #tpu.memory_space<hbm>> -> memref<64x128xf32, #tpu.memory_space<hbm>>
      %dma_start3A_1210 = arith.constant 0 : i32
      %dma_start3A_1211 = tpu.memref_slice %arg6[%dma_start3A_1210, %multiple_of3A_1203] : memref<64x1000000xf32, #tpu.memory_space<hbm>> -> memref<64x128xf32, #tpu.memory_space<hbm>>
      tpu.enqueue_dma source(%dma_start3A_1211 : memref<64x128xf32, #tpu.memory_space<hbm>>) target(%arg20 : memref<64x128xf32, #tpu.memory_space<vmem>>) target_semaphore(%arg28 : memref<!tpu.dma_semaphore, #tpu.memory_space<semaphore_mem>>)
      %add3A_1212 = arith.constant 2 : i32
      %add3A_1213 = arith.addi %add3A_945, %add3A_1212 : i32
      %and3A_1214 = arith.constant 127 : i32
      %and3A_1215 = arith.andi %scan3A_938, %and3A_1214 : i32
      %broadcast_in_dim3A_1216 = vector.broadcast %and3A_1215 : i32 to vector<16xi32>
      %and3A_1217 = arith.constant 127 : i32
      %and3A_1218 = arith.andi %scan3A_939, %and3A_1217 : i32
      %broadcast_in_dim3A_1219 = vector.broadcast %and3A_1218 : i32 to vector<16xi32>
      %dma_wait3A_1220 = arith.constant 0 : i32
      %dma_wait3A_1221 = arith.constant 0 : i32
      %dma_wait3A_1222 = tpu.memref_slice %arg5[%dma_wait3A_1220, %dma_wait3A_1221] : memref<64x1000000xf32, #tpu.memory_space<hbm>> -> memref<64x128xf32, #tpu.memory_space<hbm>>
      %dma_wait3A_1223 = arith.constant 0 : i32
      %dma_wait3A_1224 = arith.constant 0 : i32
      %dma_wait3A_1225 = tpu.memref_slice %arg5[%dma_wait3A_1223, %dma_wait3A_1224] : memref<64x1000000xf32, #tpu.memory_space<hbm>> -> memref<64x128xf32, #tpu.memory_space<hbm>>
      tpu.wait_dma2 semaphore(%arg25 : memref<!tpu.dma_semaphore, #tpu.memory_space<semaphore_mem>>) src(%dma_wait3A_1225 : memref<64x128xf32, #tpu.memory_space<hbm>>) dst(%arg17 : memref<64x128xf32, #tpu.memory_space<vmem>>)
      %dma_wait3A_1226 = arith.constant 0 : i32
      %dma_wait3A_1227 = arith.constant 0 : i32
      %dma_wait3A_1228 = tpu.memref_slice %arg6[%dma_wait3A_1226, %dma_wait3A_1227] : memref<64x1000000xf32, #tpu.memory_space<hbm>> -> memref<64x128xf32, #tpu.memory_space<hbm>>
      %dma_wait3A_1229 = arith.constant 0 : i32
      %dma_wait3A_1230 = arith.constant 0 : i32
      %dma_wait3A_1231 = tpu.memref_slice %arg6[%dma_wait3A_1229, %dma_wait3A_1230] : memref<64x1000000xf32, #tpu.memory_space<hbm>> -> memref<64x128xf32, #tpu.memory_space<hbm>>
      tpu.wait_dma2 semaphore(%arg29 : memref<!tpu.dma_semaphore, #tpu.memory_space<semaphore_mem>>) src(%dma_wait3A_1231 : memref<64x128xf32, #tpu.memory_space<hbm>>) dst(%arg21 : memref<64x128xf32, #tpu.memory_space<vmem>>)
      %add3A_1232 = arith.constant 0 : i32
      %add3A_1233 = vector.broadcast %add3A_1232 : i32 to vector<16xi32>
      %add3A_1234 = arith.addi %add3A_1233, %iota3A : vector<16xi32>
      %gather3A_1235 = tpu.vector_load_idx %arg17[%add3A_1234, %broadcast_in_dim3A_1216] : memref<64x128xf32, #tpu.memory_space<vmem>>[vector<16xi32>, vector<16xi32>], vector<16xf32>,
      %gather3A_1236 = tpu.vector_load_idx %arg21[%add3A_1234, %broadcast_in_dim3A_1219] : memref<64x128xf32, #tpu.memory_space<vmem>>[vector<16xi32>, vector<16xi32>], vector<16xf32>,
      %add3A_1237 = arith.addf %gather3A_1235, %gather3A_1236 : vector<16xf32>
      %add3A_1238 = arith.addf %add3A_1237, %get3A_3 : vector<16xf32>
      %sub3A_1239 = arith.constant 256 : i32
      %sub3A_1240 = arith.subi %add3A_1213, %sub3A_1239 : i32
      %swap3A_1241 = arith.index_cast %sub3A_1240 : i32 to index
      %swap3A_1242 = arith.constant 0 : index
      %swap3A_1243 = tpu.vector_load %arg14[%swap3A_1241, %swap3A_1242] {strides = array<i32>} : memref<256x64xf32, #tpu.memory_space<vmem>>, vector<16xf32>,
      tpu.vector_store %arg14[%swap3A_1241, %swap3A_1242], %add3A_1238 {strides = array<i32>} : memref<256x64xf32, #tpu.memory_space<vmem>>, vector<16xf32>,
      %add3A_1244 = arith.constant 16 : i32
      %add3A_1245 = vector.broadcast %add3A_1244 : i32 to vector<16xi32>
      %add3A_1246 = arith.addi %add3A_1245, %iota3A : vector<16xi32>
      %gather3A_1247 = tpu.vector_load_idx %arg17[%add3A_1246, %broadcast_in_dim3A_1216] : memref<64x128xf32, #tpu.memory_space<vmem>>[vector<16xi32>, vector<16xi32>], vector<16xf32>,
      %gather3A_1248 = tpu.vector_load_idx %arg21[%add3A_1246, %broadcast_in_dim3A_1219] : memref<64x128xf32, #tpu.memory_space<vmem>>[vector<16xi32>, vector<16xi32>], vector<16xf32>,
      %add3A_1249 = arith.addf %gather3A_1247, %gather3A_1248 : vector<16xf32>
      %add3A_1250 = arith.addf %add3A_1249, %get3A_5 : vector<16xf32>
      %sub3A_1251 = arith.constant 256 : i32
      %sub3A_1252 = arith.subi %add3A_1213, %sub3A_1251 : i32
      %swap3A_1253 = arith.index_cast %sub3A_1252 : i32 to index
      %swap3A_1254 = arith.constant 16 : index
      %swap3A_1255 = tpu.vector_load %arg14[%swap3A_1253, %swap3A_1254] {strides = array<i32>} : memref<256x64xf32, #tpu.memory_space<vmem>>, vector<16xf32>,
      tpu.vector_store %arg14[%swap3A_1253, %swap3A_1254], %add3A_1250 {strides = array<i32>} : memref<256x64xf32, #tpu.memory_space<vmem>>, vector<16xf32>,
      %add3A_1256 = arith.constant 32 : i32
      %add3A_1257 = vector.broadcast %add3A_1256 : i32 to vector<16xi32>
      %add3A_1258 = arith.addi %add3A_1257, %iota3A : vector<16xi32>
      %gather3A_1259 = tpu.vector_load_idx %arg17[%add3A_1258, %broadcast_in_dim3A_1216] : memref<64x128xf32, #tpu.memory_space<vmem>>[vector<16xi32>, vector<16xi32>], vector<16xf32>,
      %gather3A_1260 = tpu.vector_load_idx %arg21[%add3A_1258, %broadcast_in_dim3A_1219] : memref<64x128xf32, #tpu.memory_space<vmem>>[vector<16xi32>, vector<16xi32>], vector<16xf32>,
      %add3A_1261 = arith.addf %gather3A_1259, %gather3A_1260 : vector<16xf32>
      %add3A_1262 = arith.addf %add3A_1261, %get3A_7 : vector<16xf32>
      %sub3A_1263 = arith.constant 256 : i32
      %sub3A_1264 = arith.subi %add3A_1213, %sub3A_1263 : i32
      %swap3A_1265 = arith.index_cast %sub3A_1264 : i32 to index
      %swap3A_1266 = arith.constant 32 : index
      %swap3A_1267 = tpu.vector_load %arg14[%swap3A_1265, %swap3A_1266] {strides = array<i32>} : memref<256x64xf32, #tpu.memory_space<vmem>>, vector<16xf32>,
      tpu.vector_store %arg14[%swap3A_1265, %swap3A_1266], %add3A_1262 {strides = array<i32>} : memref<256x64xf32, #tpu.memory_space<vmem>>, vector<16xf32>,
      %add3A_1268 = arith.constant 48 : i32
      %add3A_1269 = vector.broadcast %add3A_1268 : i32 to vector<16xi32>
      %add3A_1270 = arith.addi %add3A_1269, %iota3A : vector<16xi32>
      %gather3A_1271 = tpu.vector_load_idx %arg17[%add3A_1270, %broadcast_in_dim3A_1216] : memref<64x128xf32, #tpu.memory_space<vmem>>[vector<16xi32>, vector<16xi32>], vector<16xf32>,
      %gather3A_1272 = tpu.vector_load_idx %arg21[%add3A_1270, %broadcast_in_dim3A_1219] : memref<64x128xf32, #tpu.memory_space<vmem>>[vector<16xi32>, vector<16xi32>], vector<16xf32>,
      %add3A_1273 = arith.addf %gather3A_1271, %gather3A_1272 : vector<16xf32>
      %add3A_1274 = arith.addf %add3A_1273, %get3A_9 : vector<16xf32>
      %sub3A_1275 = arith.constant 256 : i32
      %sub3A_1276 = arith.subi %add3A_1213, %sub3A_1275 : i32
      %swap3A_1277 = arith.index_cast %sub3A_1276 : i32 to index
      %swap3A_1278 = arith.constant 48 : index
      %swap3A_1279 = tpu.vector_load %arg14[%swap3A_1277, %swap3A_1278] {strides = array<i32>} : memref<256x64xf32, #tpu.memory_space<vmem>>, vector<16xf32>,
      tpu.vector_store %arg14[%swap3A_1277, %swap3A_1278], %add3A_1274 {strides = array<i32>} : memref<256x64xf32, #tpu.memory_space<vmem>>, vector<16xf32>,
      %add3A_1280 = arith.constant 2 : i32
      %add3A_1281 = arith.addi %add3A_945, %add3A_1280 : i32
      %add3A_1282 = arith.constant 4 : i32
      %add3A_1283 = arith.addi %add3A_1281, %add3A_1282 : i32
      %sub3A_1284 = arith.constant 256 : i32
      %sub3A_1285 = arith.subi %add3A_1283, %sub3A_1284 : i32
      %rem3A_1286 = arith.constant 256 : i32
      %rem3A_1287 = arith.remsi %sub3A_1285, %rem3A_1286 : i32
      %add3A_1288 = arith.constant 256 : i32
      %add3A_1289 = arith.addi %add3A_1288, %rem3A_1287 : i32
      %shift_right_logical3A_1290 = arith.constant 4 : i32
      %shift_right_logical3A_1291 = arith.shrui %add3A_1289, %shift_right_logical3A_1290 : i32
      %mul3A_1292 = arith.constant 16 : i32
      %mul3A_1293 = arith.muli %shift_right_logical3A_1291, %mul3A_1292 : i32
      %multiple_of3A_1294 = tpu.assume_multiple %mul3A_1293, 16 : i32
      %mul3A_1295 = arith.constant 16 : i32
      %mul3A_1296 = arith.muli %shift_right_logical3A_1291, %mul3A_1295 : i32
      %sub3A_1297 = arith.subi %add3A_1289, %mul3A_1296 : i32
      %get3A_1298 = arith.index_cast %multiple_of3A_1294 : i32 to index
      %get3A_1299 = tpu.vector_load %arg10[%get3A_1298] {strides = array<i32>} : memref<512xi32, #tpu.memory_space<vmem>>, vector<16xi32>,
      %eq3A_1300 = vector.broadcast %sub3A_1297 : i32 to vector<16xi32>
      %eq3A_1301 = arith.cmpi eq, %iota3A, %eq3A_1300 : vector<16xi32>
      %jit3A_1302 = arith.constant 0 : i32
      %broadcast_in_dim3A_1303 = vector.broadcast %jit3A_1302 : i32 to vector<16xi32>
      %select_n3A_1304 = arith.select %eq3A_1301, %get3A_1299, %broadcast_in_dim3A_1303 : vector<16xi1>, vector<16xi32>
      %reduce_max3A_1305 = arith.constant true
      %reduce_max3A_1306 = vector.broadcast %reduce_max3A_1305 : i1 to vector<16xi1>
      %reduce_max3A_1307 = arith.constant -2147483648 : i32
      %reduce_max3A_1308 = vector.broadcast %reduce_max3A_1307 : i32 to vector<16xi32>
      %reduce_max3A_1309 = arith.xori %select_n3A_1304, %reduce_max3A_1308 : vector<16xi32>
      %reduce_max3A_1310 = tpu.scan <max>, %reduce_max3A_1309 masked %reduce_max3A_1306 : vector<16xi32>, vector<16xi1> -> vector<16xi32>
      %reduce_max3A_1311 = arith.xori %reduce_max3A_1310, %reduce_max3A_1308 : vector<16xi32>
      %reduce_max3A_1312 = vector.extract %reduce_max3A_1311[15] : i32 from vector<16xi32>
      %get3A_1313 = arith.index_cast %multiple_of3A_1294 : i32 to index
      %get3A_1314 = tpu.vector_load %arg11[%get3A_1313] {strides = array<i32>} : memref<512xi32, #tpu.memory_space<vmem>>, vector<16xi32>,
      %eq3A_1315 = vector.broadcast %sub3A_1297 : i32 to vector<16xi32>
      %eq3A_1316 = arith.cmpi eq, %iota3A, %eq3A_1315 : vector<16xi32>
      %jit3A_1317 = arith.constant 0 : i32
      %broadcast_in_dim3A_1318 = vector.broadcast %jit3A_1317 : i32 to vector<16xi32>
      %select_n3A_1319 = arith.select %eq3A_1316, %get3A_1314, %broadcast_in_dim3A_1318 : vector<16xi1>, vector<16xi32>
      %reduce_max3A_1320 = arith.constant true
      %reduce_max3A_1321 = vector.broadcast %reduce_max3A_1320 : i1 to vector<16xi1>
      %reduce_max3A_1322 = arith.constant -2147483648 : i32
      %reduce_max3A_1323 = vector.broadcast %reduce_max3A_1322 : i32 to vector<16xi32>
      %reduce_max3A_1324 = arith.xori %select_n3A_1319, %reduce_max3A_1323 : vector<16xi32>
      %reduce_max3A_1325 = tpu.scan <max>, %reduce_max3A_1324 masked %reduce_max3A_1321 : vector<16xi32>, vector<16xi1> -> vector<16xi32>
      %reduce_max3A_1326 = arith.xori %reduce_max3A_1325, %reduce_max3A_1323 : vector<16xi32>
      %reduce_max3A_1327 = vector.extract %reduce_max3A_1326[15] : i32 from vector<16xi32>
      %shift_right_logical3A_1328 = arith.constant 7 : i32
      %shift_right_logical3A_1329 = arith.shrui %reduce_max3A_1312, %shift_right_logical3A_1328 : i32
      %mul3A_1330 = arith.constant 128 : i32
      %mul3A_1331 = arith.muli %shift_right_logical3A_1329, %mul3A_1330 : i32
      %multiple_of3A_1332 = tpu.assume_multiple %mul3A_1331, 128 : i32
      %shift_right_logical3A_1333 = arith.constant 7 : i32
      %shift_right_logical3A_1334 = arith.shrui %reduce_max3A_1327, %shift_right_logical3A_1333 : i32
      %mul3A_1335 = arith.constant 128 : i32
      %mul3A_1336 = arith.muli %shift_right_logical3A_1334, %mul3A_1335 : i32
      %multiple_of3A_1337 = tpu.assume_multiple %mul3A_1336, 128 : i32
      %dma_start3A_1338 = arith.constant 0 : i32
      %dma_start3A_1339 = tpu.memref_slice %arg5[%dma_start3A_1338, %multiple_of3A_1332] : memref<64x1000000xf32, #tpu.memory_space<hbm>> -> memref<64x128xf32, #tpu.memory_space<hbm>>
      %dma_start3A_1340 = arith.constant 0 : i32
      %dma_start3A_1341 = tpu.memref_slice %arg5[%dma_start3A_1340, %multiple_of3A_1332] : memref<64x1000000xf32, #tpu.memory_space<hbm>> -> memref<64x128xf32, #tpu.memory_space<hbm>>
      tpu.enqueue_dma source(%dma_start3A_1341 : memref<64x128xf32, #tpu.memory_space<hbm>>) target(%arg17 : memref<64x128xf32, #tpu.memory_space<vmem>>) target_semaphore(%arg25 : memref<!tpu.dma_semaphore, #tpu.memory_space<semaphore_mem>>)
      %dma_start3A_1342 = arith.constant 0 : i32
      %dma_start3A_1343 = tpu.memref_slice %arg6[%dma_start3A_1342, %multiple_of3A_1337] : memref<64x1000000xf32, #tpu.memory_space<hbm>> -> memref<64x128xf32, #tpu.memory_space<hbm>>
      %dma_start3A_1344 = arith.constant 0 : i32
      %dma_start3A_1345 = tpu.memref_slice %arg6[%dma_start3A_1344, %multiple_of3A_1337] : memref<64x1000000xf32, #tpu.memory_space<hbm>> -> memref<64x128xf32, #tpu.memory_space<hbm>>
      tpu.enqueue_dma source(%dma_start3A_1345 : memref<64x128xf32, #tpu.memory_space<hbm>>) target(%arg21 : memref<64x128xf32, #tpu.memory_space<vmem>>) target_semaphore(%arg29 : memref<!tpu.dma_semaphore, #tpu.memory_space<semaphore_mem>>)
      %add3A_1346 = arith.constant 3 : i32
      %add3A_1347 = arith.addi %add3A_945, %add3A_1346 : i32
      %and3A_1348 = arith.constant 127 : i32
      %and3A_1349 = arith.andi %scan3A_940, %and3A_1348 : i32
      %broadcast_in_dim3A_1350 = vector.broadcast %and3A_1349 : i32 to vector<16xi32>
      %and3A_1351 = arith.constant 127 : i32
      %and3A_1352 = arith.andi %scan3A_941, %and3A_1351 : i32
      %broadcast_in_dim3A_1353 = vector.broadcast %and3A_1352 : i32 to vector<16xi32>
      %dma_wait3A_1354 = arith.constant 0 : i32
      %dma_wait3A_1355 = arith.constant 0 : i32
      %dma_wait3A_1356 = tpu.memref_slice %arg5[%dma_wait3A_1354, %dma_wait3A_1355] : memref<64x1000000xf32, #tpu.memory_space<hbm>> -> memref<64x128xf32, #tpu.memory_space<hbm>>
      %dma_wait3A_1357 = arith.constant 0 : i32
      %dma_wait3A_1358 = arith.constant 0 : i32
      %dma_wait3A_1359 = tpu.memref_slice %arg5[%dma_wait3A_1357, %dma_wait3A_1358] : memref<64x1000000xf32, #tpu.memory_space<hbm>> -> memref<64x128xf32, #tpu.memory_space<hbm>>
      tpu.wait_dma2 semaphore(%arg26 : memref<!tpu.dma_semaphore, #tpu.memory_space<semaphore_mem>>) src(%dma_wait3A_1359 : memref<64x128xf32, #tpu.memory_space<hbm>>) dst(%arg18 : memref<64x128xf32, #tpu.memory_space<vmem>>)
      %dma_wait3A_1360 = arith.constant 0 : i32
      %dma_wait3A_1361 = arith.constant 0 : i32
      %dma_wait3A_1362 = tpu.memref_slice %arg6[%dma_wait3A_1360, %dma_wait3A_1361] : memref<64x1000000xf32, #tpu.memory_space<hbm>> -> memref<64x128xf32, #tpu.memory_space<hbm>>
      %dma_wait3A_1363 = arith.constant 0 : i32
      %dma_wait3A_1364 = arith.constant 0 : i32
      %dma_wait3A_1365 = tpu.memref_slice %arg6[%dma_wait3A_1363, %dma_wait3A_1364] : memref<64x1000000xf32, #tpu.memory_space<hbm>> -> memref<64x128xf32, #tpu.memory_space<hbm>>
      tpu.wait_dma2 semaphore(%arg30 : memref<!tpu.dma_semaphore, #tpu.memory_space<semaphore_mem>>) src(%dma_wait3A_1365 : memref<64x128xf32, #tpu.memory_space<hbm>>) dst(%arg22 : memref<64x128xf32, #tpu.memory_space<vmem>>)
      %add3A_1366 = arith.constant 0 : i32
      %add3A_1367 = vector.broadcast %add3A_1366 : i32 to vector<16xi32>
      %add3A_1368 = arith.addi %add3A_1367, %iota3A : vector<16xi32>
      %gather3A_1369 = tpu.vector_load_idx %arg18[%add3A_1368, %broadcast_in_dim3A_1350] : memref<64x128xf32, #tpu.memory_space<vmem>>[vector<16xi32>, vector<16xi32>], vector<16xf32>,
      %gather3A_1370 = tpu.vector_load_idx %arg22[%add3A_1368, %broadcast_in_dim3A_1353] : memref<64x128xf32, #tpu.memory_space<vmem>>[vector<16xi32>, vector<16xi32>], vector<16xf32>,
      %add3A_1371 = arith.addf %gather3A_1369, %gather3A_1370 : vector<16xf32>
      %add3A_1372 = arith.addf %add3A_1371, %get3A_3 : vector<16xf32>
      %sub3A_1373 = arith.constant 256 : i32
      %sub3A_1374 = arith.subi %add3A_1347, %sub3A_1373 : i32
      %swap3A_1375 = arith.index_cast %sub3A_1374 : i32 to index
      %swap3A_1376 = arith.constant 0 : index
      %swap3A_1377 = tpu.vector_load %arg14[%swap3A_1375, %swap3A_1376] {strides = array<i32>} : memref<256x64xf32, #tpu.memory_space<vmem>>, vector<16xf32>,
      tpu.vector_store %arg14[%swap3A_1375, %swap3A_1376], %add3A_1372 {strides = array<i32>} : memref<256x64xf32, #tpu.memory_space<vmem>>, vector<16xf32>,
      %add3A_1378 = arith.constant 16 : i32
      %add3A_1379 = vector.broadcast %add3A_1378 : i32 to vector<16xi32>
      %add3A_1380 = arith.addi %add3A_1379, %iota3A : vector<16xi32>
      %gather3A_1381 = tpu.vector_load_idx %arg18[%add3A_1380, %broadcast_in_dim3A_1350] : memref<64x128xf32, #tpu.memory_space<vmem>>[vector<16xi32>, vector<16xi32>], vector<16xf32>,
      %gather3A_1382 = tpu.vector_load_idx %arg22[%add3A_1380, %broadcast_in_dim3A_1353] : memref<64x128xf32, #tpu.memory_space<vmem>>[vector<16xi32>, vector<16xi32>], vector<16xf32>,
      %add3A_1383 = arith.addf %gather3A_1381, %gather3A_1382 : vector<16xf32>
      %add3A_1384 = arith.addf %add3A_1383, %get3A_5 : vector<16xf32>
      %sub3A_1385 = arith.constant 256 : i32
      %sub3A_1386 = arith.subi %add3A_1347, %sub3A_1385 : i32
      %swap3A_1387 = arith.index_cast %sub3A_1386 : i32 to index
      %swap3A_1388 = arith.constant 16 : index
      %swap3A_1389 = tpu.vector_load %arg14[%swap3A_1387, %swap3A_1388] {strides = array<i32>} : memref<256x64xf32, #tpu.memory_space<vmem>>, vector<16xf32>,
      tpu.vector_store %arg14[%swap3A_1387, %swap3A_1388], %add3A_1384 {strides = array<i32>} : memref<256x64xf32, #tpu.memory_space<vmem>>, vector<16xf32>,
      %add3A_1390 = arith.constant 32 : i32
      %add3A_1391 = vector.broadcast %add3A_1390 : i32 to vector<16xi32>
      %add3A_1392 = arith.addi %add3A_1391, %iota3A : vector<16xi32>
      %gather3A_1393 = tpu.vector_load_idx %arg18[%add3A_1392, %broadcast_in_dim3A_1350] : memref<64x128xf32, #tpu.memory_space<vmem>>[vector<16xi32>, vector<16xi32>], vector<16xf32>,
      %gather3A_1394 = tpu.vector_load_idx %arg22[%add3A_1392, %broadcast_in_dim3A_1353] : memref<64x128xf32, #tpu.memory_space<vmem>>[vector<16xi32>, vector<16xi32>], vector<16xf32>,
      %add3A_1395 = arith.addf %gather3A_1393, %gather3A_1394 : vector<16xf32>
      %add3A_1396 = arith.addf %add3A_1395, %get3A_7 : vector<16xf32>
      %sub3A_1397 = arith.constant 256 : i32
      %sub3A_1398 = arith.subi %add3A_1347, %sub3A_1397 : i32
      %swap3A_1399 = arith.index_cast %sub3A_1398 : i32 to index
      %swap3A_1400 = arith.constant 32 : index
      %swap3A_1401 = tpu.vector_load %arg14[%swap3A_1399, %swap3A_1400] {strides = array<i32>} : memref<256x64xf32, #tpu.memory_space<vmem>>, vector<16xf32>,
      tpu.vector_store %arg14[%swap3A_1399, %swap3A_1400], %add3A_1396 {strides = array<i32>} : memref<256x64xf32, #tpu.memory_space<vmem>>, vector<16xf32>,
      %add3A_1402 = arith.constant 48 : i32
      %add3A_1403 = vector.broadcast %add3A_1402 : i32 to vector<16xi32>
      %add3A_1404 = arith.addi %add3A_1403, %iota3A : vector<16xi32>
      %gather3A_1405 = tpu.vector_load_idx %arg18[%add3A_1404, %broadcast_in_dim3A_1350] : memref<64x128xf32, #tpu.memory_space<vmem>>[vector<16xi32>, vector<16xi32>], vector<16xf32>,
      %gather3A_1406 = tpu.vector_load_idx %arg22[%add3A_1404, %broadcast_in_dim3A_1353] : memref<64x128xf32, #tpu.memory_space<vmem>>[vector<16xi32>, vector<16xi32>], vector<16xf32>,
      %add3A_1407 = arith.addf %gather3A_1405, %gather3A_1406 : vector<16xf32>
      %add3A_1408 = arith.addf %add3A_1407, %get3A_9 : vector<16xf32>
      %sub3A_1409 = arith.constant 256 : i32
      %sub3A_1410 = arith.subi %add3A_1347, %sub3A_1409 : i32
      %swap3A_1411 = arith.index_cast %sub3A_1410 : i32 to index
      %swap3A_1412 = arith.constant 48 : index
      %swap3A_1413 = tpu.vector_load %arg14[%swap3A_1411, %swap3A_1412] {strides = array<i32>} : memref<256x64xf32, #tpu.memory_space<vmem>>, vector<16xf32>,
      tpu.vector_store %arg14[%swap3A_1411, %swap3A_1412], %add3A_1408 {strides = array<i32>} : memref<256x64xf32, #tpu.memory_space<vmem>>, vector<16xf32>,
      %add3A_1414 = arith.constant 3 : i32
      %add3A_1415 = arith.addi %add3A_945, %add3A_1414 : i32
      %add3A_1416 = arith.constant 4 : i32
      %add3A_1417 = arith.addi %add3A_1415, %add3A_1416 : i32
      %sub3A_1418 = arith.constant 256 : i32
      %sub3A_1419 = arith.subi %add3A_1417, %sub3A_1418 : i32
      %rem3A_1420 = arith.constant 256 : i32
      %rem3A_1421 = arith.remsi %sub3A_1419, %rem3A_1420 : i32
      %add3A_1422 = arith.constant 256 : i32
      %add3A_1423 = arith.addi %add3A_1422, %rem3A_1421 : i32
      %shift_right_logical3A_1424 = arith.constant 4 : i32
      %shift_right_logical3A_1425 = arith.shrui %add3A_1423, %shift_right_logical3A_1424 : i32
      %mul3A_1426 = arith.constant 16 : i32
      %mul3A_1427 = arith.muli %shift_right_logical3A_1425, %mul3A_1426 : i32
      %multiple_of3A_1428 = tpu.assume_multiple %mul3A_1427, 16 : i32
      %mul3A_1429 = arith.constant 16 : i32
      %mul3A_1430 = arith.muli %shift_right_logical3A_1425, %mul3A_1429 : i32
      %sub3A_1431 = arith.subi %add3A_1423, %mul3A_1430 : i32
      %get3A_1432 = arith.index_cast %multiple_of3A_1428 : i32 to index
      %get3A_1433 = tpu.vector_load %arg10[%get3A_1432] {strides = array<i32>} : memref<512xi32, #tpu.memory_space<vmem>>, vector<16xi32>,
      %eq3A_1434 = vector.broadcast %sub3A_1431 : i32 to vector<16xi32>
      %eq3A_1435 = arith.cmpi eq, %iota3A, %eq3A_1434 : vector<16xi32>
      %jit3A_1436 = arith.constant 0 : i32
      %broadcast_in_dim3A_1437 = vector.broadcast %jit3A_1436 : i32 to vector<16xi32>
      %select_n3A_1438 = arith.select %eq3A_1435, %get3A_1433, %broadcast_in_dim3A_1437 : vector<16xi1>, vector<16xi32>
      %reduce_max3A_1439 = arith.constant true
      %reduce_max3A_1440 = vector.broadcast %reduce_max3A_1439 : i1 to vector<16xi1>
      %reduce_max3A_1441 = arith.constant -2147483648 : i32
      %reduce_max3A_1442 = vector.broadcast %reduce_max3A_1441 : i32 to vector<16xi32>
      %reduce_max3A_1443 = arith.xori %select_n3A_1438, %reduce_max3A_1442 : vector<16xi32>
      %reduce_max3A_1444 = tpu.scan <max>, %reduce_max3A_1443 masked %reduce_max3A_1440 : vector<16xi32>, vector<16xi1> -> vector<16xi32>
      %reduce_max3A_1445 = arith.xori %reduce_max3A_1444, %reduce_max3A_1442 : vector<16xi32>
      %reduce_max3A_1446 = vector.extract %reduce_max3A_1445[15] : i32 from vector<16xi32>
      %get3A_1447 = arith.index_cast %multiple_of3A_1428 : i32 to index
      %get3A_1448 = tpu.vector_load %arg11[%get3A_1447] {strides = array<i32>} : memref<512xi32, #tpu.memory_space<vmem>>, vector<16xi32>,
      %eq3A_1449 = vector.broadcast %sub3A_1431 : i32 to vector<16xi32>
      %eq3A_1450 = arith.cmpi eq, %iota3A, %eq3A_1449 : vector<16xi32>
      %jit3A_1451 = arith.constant 0 : i32
      %broadcast_in_dim3A_1452 = vector.broadcast %jit3A_1451 : i32 to vector<16xi32>
      %select_n3A_1453 = arith.select %eq3A_1450, %get3A_1448, %broadcast_in_dim3A_1452 : vector<16xi1>, vector<16xi32>
      %reduce_max3A_1454 = arith.constant true
      %reduce_max3A_1455 = vector.broadcast %reduce_max3A_1454 : i1 to vector<16xi1>
      %reduce_max3A_1456 = arith.constant -2147483648 : i32
      %reduce_max3A_1457 = vector.broadcast %reduce_max3A_1456 : i32 to vector<16xi32>
      %reduce_max3A_1458 = arith.xori %select_n3A_1453, %reduce_max3A_1457 : vector<16xi32>
      %reduce_max3A_1459 = tpu.scan <max>, %reduce_max3A_1458 masked %reduce_max3A_1455 : vector<16xi32>, vector<16xi1> -> vector<16xi32>
      %reduce_max3A_1460 = arith.xori %reduce_max3A_1459, %reduce_max3A_1457 : vector<16xi32>
      %reduce_max3A_1461 = vector.extract %reduce_max3A_1460[15] : i32 from vector<16xi32>
      %shift_right_logical3A_1462 = arith.constant 7 : i32
      %shift_right_logical3A_1463 = arith.shrui %reduce_max3A_1446, %shift_right_logical3A_1462 : i32
      %mul3A_1464 = arith.constant 128 : i32
      %mul3A_1465 = arith.muli %shift_right_logical3A_1463, %mul3A_1464 : i32
      %multiple_of3A_1466 = tpu.assume_multiple %mul3A_1465, 128 : i32
      %shift_right_logical3A_1467 = arith.constant 7 : i32
      %shift_right_logical3A_1468 = arith.shrui %reduce_max3A_1461, %shift_right_logical3A_1467 : i32
      %mul3A_1469 = arith.constant 128 : i32
      %mul3A_1470 = arith.muli %shift_right_logical3A_1468, %mul3A_1469 : i32
      %multiple_of3A_1471 = tpu.assume_multiple %mul3A_1470, 128 : i32
      %dma_start3A_1472 = arith.constant 0 : i32
      %dma_start3A_1473 = tpu.memref_slice %arg5[%dma_start3A_1472, %multiple_of3A_1466] : memref<64x1000000xf32, #tpu.memory_space<hbm>> -> memref<64x128xf32, #tpu.memory_space<hbm>>
      %dma_start3A_1474 = arith.constant 0 : i32
      %dma_start3A_1475 = tpu.memref_slice %arg5[%dma_start3A_1474, %multiple_of3A_1466] : memref<64x1000000xf32, #tpu.memory_space<hbm>> -> memref<64x128xf32, #tpu.memory_space<hbm>>
      tpu.enqueue_dma source(%dma_start3A_1475 : memref<64x128xf32, #tpu.memory_space<hbm>>) target(%arg18 : memref<64x128xf32, #tpu.memory_space<vmem>>) target_semaphore(%arg26 : memref<!tpu.dma_semaphore, #tpu.memory_space<semaphore_mem>>)
      %dma_start3A_1476 = arith.constant 0 : i32
      %dma_start3A_1477 = tpu.memref_slice %arg6[%dma_start3A_1476, %multiple_of3A_1471] : memref<64x1000000xf32, #tpu.memory_space<hbm>> -> memref<64x128xf32, #tpu.memory_space<hbm>>
      %dma_start3A_1478 = arith.constant 0 : i32
      %dma_start3A_1479 = tpu.memref_slice %arg6[%dma_start3A_1478, %multiple_of3A_1471] : memref<64x1000000xf32, #tpu.memory_space<hbm>> -> memref<64x128xf32, #tpu.memory_space<hbm>>
      tpu.enqueue_dma source(%dma_start3A_1479 : memref<64x128xf32, #tpu.memory_space<hbm>>) target(%arg22 : memref<64x128xf32, #tpu.memory_space<vmem>>) target_semaphore(%arg30 : memref<!tpu.dma_semaphore, #tpu.memory_space<semaphore_mem>>)
      scf.yield %reduce_max3A_1044, %reduce_max3A_1059, %reduce_max3A_1178, %reduce_max3A_1193, %reduce_max3A_1312, %reduce_max3A_1327, %reduce_max3A_1446, %reduce_max3A_1461 : i32, i32, i32, i32, i32, i32, i32, i32
    }
    %scan3A_882 = arith.constant 64 : i32
    %dma_wait3A_883 = arith.constant 0 : i32
    %dma_wait3A_884 = arith.constant 0 : i32
    %dma_wait3A_885 = tpu.memref_slice %arg5[%dma_wait3A_883, %dma_wait3A_884] : memref<64x1000000xf32, #tpu.memory_space<hbm>> -> memref<64x128xf32, #tpu.memory_space<hbm>>
    %dma_wait3A_886 = arith.constant 0 : i32
    %dma_wait3A_887 = arith.constant 0 : i32
    %dma_wait3A_888 = tpu.memref_slice %arg5[%dma_wait3A_886, %dma_wait3A_887] : memref<64x1000000xf32, #tpu.memory_space<hbm>> -> memref<64x128xf32, #tpu.memory_space<hbm>>
    tpu.wait_dma2 semaphore(%arg23 : memref<!tpu.dma_semaphore, #tpu.memory_space<semaphore_mem>>) src(%dma_wait3A_888 : memref<64x128xf32, #tpu.memory_space<hbm>>) dst(%arg15 : memref<64x128xf32, #tpu.memory_space<vmem>>)
    %dma_wait3A_889 = arith.constant 0 : i32
    %dma_wait3A_890 = arith.constant 0 : i32
    %dma_wait3A_891 = tpu.memref_slice %arg6[%dma_wait3A_889, %dma_wait3A_890] : memref<64x1000000xf32, #tpu.memory_space<hbm>> -> memref<64x128xf32, #tpu.memory_space<hbm>>
    %dma_wait3A_892 = arith.constant 0 : i32
    %dma_wait3A_893 = arith.constant 0 : i32
    %dma_wait3A_894 = tpu.memref_slice %arg6[%dma_wait3A_892, %dma_wait3A_893] : memref<64x1000000xf32, #tpu.memory_space<hbm>> -> memref<64x128xf32, #tpu.memory_space<hbm>>
    tpu.wait_dma2 semaphore(%arg27 : memref<!tpu.dma_semaphore, #tpu.memory_space<semaphore_mem>>) src(%dma_wait3A_894 : memref<64x128xf32, #tpu.memory_space<hbm>>) dst(%arg19 : memref<64x128xf32, #tpu.memory_space<vmem>>)
    %dma_wait3A_895 = arith.constant 0 : i32
    %dma_wait3A_896 = arith.constant 0 : i32
    %dma_wait3A_897 = tpu.memref_slice %arg5[%dma_wait3A_895, %dma_wait3A_896] : memref<64x1000000xf32, #tpu.memory_space<hbm>> -> memref<64x128xf32, #tpu.memory_space<hbm>>
    %dma_wait3A_898 = arith.constant 0 : i32
    %dma_wait3A_899 = arith.constant 0 : i32
    %dma_wait3A_900 = tpu.memref_slice %arg5[%dma_wait3A_898, %dma_wait3A_899] : memref<64x1000000xf32, #tpu.memory_space<hbm>> -> memref<64x128xf32, #tpu.memory_space<hbm>>
    tpu.wait_dma2 semaphore(%arg24 : memref<!tpu.dma_semaphore, #tpu.memory_space<semaphore_mem>>) src(%dma_wait3A_900 : memref<64x128xf32, #tpu.memory_space<hbm>>) dst(%arg16 : memref<64x128xf32, #tpu.memory_space<vmem>>)
    %dma_wait3A_901 = arith.constant 0 : i32
    %dma_wait3A_902 = arith.constant 0 : i32
    %dma_wait3A_903 = tpu.memref_slice %arg6[%dma_wait3A_901, %dma_wait3A_902] : memref<64x1000000xf32, #tpu.memory_space<hbm>> -> memref<64x128xf32, #tpu.memory_space<hbm>>
    %dma_wait3A_904 = arith.constant 0 : i32
    %dma_wait3A_905 = arith.constant 0 : i32
    %dma_wait3A_906 = tpu.memref_slice %arg6[%dma_wait3A_904, %dma_wait3A_905] : memref<64x1000000xf32, #tpu.memory_space<hbm>> -> memref<64x128xf32, #tpu.memory_space<hbm>>
    tpu.wait_dma2 semaphore(%arg28 : memref<!tpu.dma_semaphore, #tpu.memory_space<semaphore_mem>>) src(%dma_wait3A_906 : memref<64x128xf32, #tpu.memory_space<hbm>>) dst(%arg20 : memref<64x128xf32, #tpu.memory_space<vmem>>)
    %dma_wait3A_907 = arith.constant 0 : i32
    %dma_wait3A_908 = arith.constant 0 : i32
    %dma_wait3A_909 = tpu.memref_slice %arg5[%dma_wait3A_907, %dma_wait3A_908] : memref<64x1000000xf32, #tpu.memory_space<hbm>> -> memref<64x128xf32, #tpu.memory_space<hbm>>
    %dma_wait3A_910 = arith.constant 0 : i32
    %dma_wait3A_911 = arith.constant 0 : i32
    %dma_wait3A_912 = tpu.memref_slice %arg5[%dma_wait3A_910, %dma_wait3A_911] : memref<64x1000000xf32, #tpu.memory_space<hbm>> -> memref<64x128xf32, #tpu.memory_space<hbm>>
    tpu.wait_dma2 semaphore(%arg25 : memref<!tpu.dma_semaphore, #tpu.memory_space<semaphore_mem>>) src(%dma_wait3A_912 : memref<64x128xf32, #tpu.memory_space<hbm>>) dst(%arg17 : memref<64x128xf32, #tpu.memory_space<vmem>>)
    %dma_wait3A_913 = arith.constant 0 : i32
    %dma_wait3A_914 = arith.constant 0 : i32
    %dma_wait3A_915 = tpu.memref_slice %arg6[%dma_wait3A_913, %dma_wait3A_914] : memref<64x1000000xf32, #tpu.memory_space<hbm>> -> memref<64x128xf32, #tpu.memory_space<hbm>>
    %dma_wait3A_916 = arith.constant 0 : i32
    %dma_wait3A_917 = arith.constant 0 : i32
    %dma_wait3A_918 = tpu.memref_slice %arg6[%dma_wait3A_916, %dma_wait3A_917] : memref<64x1000000xf32, #tpu.memory_space<hbm>> -> memref<64x128xf32, #tpu.memory_space<hbm>>
    tpu.wait_dma2 semaphore(%arg29 : memref<!tpu.dma_semaphore, #tpu.memory_space<semaphore_mem>>) src(%dma_wait3A_918 : memref<64x128xf32, #tpu.memory_space<hbm>>) dst(%arg21 : memref<64x128xf32, #tpu.memory_space<vmem>>)
    %dma_wait3A_919 = arith.constant 0 : i32
    %dma_wait3A_920 = arith.constant 0 : i32
    %dma_wait3A_921 = tpu.memref_slice %arg5[%dma_wait3A_919, %dma_wait3A_920] : memref<64x1000000xf32, #tpu.memory_space<hbm>> -> memref<64x128xf32, #tpu.memory_space<hbm>>
    %dma_wait3A_922 = arith.constant 0 : i32
    %dma_wait3A_923 = arith.constant 0 : i32
    %dma_wait3A_924 = tpu.memref_slice %arg5[%dma_wait3A_922, %dma_wait3A_923] : memref<64x1000000xf32, #tpu.memory_space<hbm>> -> memref<64x128xf32, #tpu.memory_space<hbm>>
    tpu.wait_dma2 semaphore(%arg26 : memref<!tpu.dma_semaphore, #tpu.memory_space<semaphore_mem>>) src(%dma_wait3A_924 : memref<64x128xf32, #tpu.memory_space<hbm>>) dst(%arg18 : memref<64x128xf32, #tpu.memory_space<vmem>>)
    %dma_wait3A_925 = arith.constant 0 : i32
    %dma_wait3A_926 = arith.constant 0 : i32
    %dma_wait3A_927 = tpu.memref_slice %arg6[%dma_wait3A_925, %dma_wait3A_926] : memref<64x1000000xf32, #tpu.memory_space<hbm>> -> memref<64x128xf32, #tpu.memory_space<hbm>>
    %dma_wait3A_928 = arith.constant 0 : i32
    %dma_wait3A_929 = arith.constant 0 : i32
    %dma_wait3A_930 = tpu.memref_slice %arg6[%dma_wait3A_928, %dma_wait3A_929] : memref<64x1000000xf32, #tpu.memory_space<hbm>> -> memref<64x128xf32, #tpu.memory_space<hbm>>
    tpu.wait_dma2 semaphore(%arg30 : memref<!tpu.dma_semaphore, #tpu.memory_space<semaphore_mem>>) src(%dma_wait3A_930 : memref<64x128xf32, #tpu.memory_space<hbm>>) dst(%arg22 : memref<64x128xf32, #tpu.memory_space<vmem>>)
    %add3A_931 = arith.constant 256 : i32
    %add3A_932 = arith.addi %mul3A_2, %add3A_931 : i32
    "tpu.region"() ({
      %run_scoped3A = tpu.sem_alloc : memref<!tpu.dma_semaphore, #tpu.memory_space<semaphore_mem>>
      %dma_start3A_933 = arith.constant 0 : i32
      %dma_start3A_934 = tpu.memref_slice %arg8[%add3A_932, %dma_start3A_933] : memref<16384x64xf32, #tpu.memory_space<hbm>> -> memref<256x64xf32, #tpu.memory_space<hbm>>
      %dma_start3A_935 = arith.constant 0 : i32
      %dma_start3A_936 = tpu.memref_slice %arg8[%add3A_932, %dma_start3A_935] : memref<16384x64xf32, #tpu.memory_space<hbm>> -> memref<256x64xf32, #tpu.memory_space<hbm>>
      tpu.enqueue_dma source(%arg14 : memref<256x64xf32, #tpu.memory_space<vmem>>) target(%dma_start3A_936 : memref<256x64xf32, #tpu.memory_space<hbm>>) target_semaphore(%run_scoped3A : memref<!tpu.dma_semaphore, #tpu.memory_space<semaphore_mem>>)
      %dma_wait3A_937 = arith.constant 0 : i32
      %dma_wait3A_938 = tpu.memref_slice %arg8[%add3A_932, %dma_wait3A_937] : memref<16384x64xf32, #tpu.memory_space<hbm>> -> memref<256x64xf32, #tpu.memory_space<hbm>>
      %dma_wait3A_939 = arith.constant 0 : i32
      %dma_wait3A_940 = tpu.memref_slice %arg8[%add3A_932, %dma_wait3A_939] : memref<16384x64xf32, #tpu.memory_space<hbm>> -> memref<256x64xf32, #tpu.memory_space<hbm>>
      tpu.wait_dma2 semaphore(%run_scoped3A : memref<!tpu.dma_semaphore, #tpu.memory_space<semaphore_mem>>) src(%arg14 : memref<256x64xf32, #tpu.memory_space<vmem>>) dst(%dma_wait3A_940 : memref<256x64xf32, #tpu.memory_space<hbm>>)
      tpu.yield
    }) : () -> ()
    return
  }
}

</mosaic_0001>

<sc_bundles>
// kernel: kernel.3.cloned.1.call-start
scs
__scs_entry_jumppad:
0x0: {  	(pc) =	sbr.rel $0x88, $3  }
0x1: {  	(tag) =	ssettag $0x0;
	lr =	simm.s32 $0x1  }
0x2: {  	[smem:$0x3F9B] =	sst lr;
	_ =	strace $0xD0000000  }
0x3: {  	_ = 	snop  }
0x4: {  	_ = 	snop  }
0x5: {  	_ = 	snop  }
0x6: {  	_ = 	snop  }
0x7: {  	_ = 	snop  }
__scs_overlays_trampoline_lowered:
0x8: {  	[smem:$0x3FAA] =	sst s0  }
0x9: {  	[smem:$0x3FAB] =	sst s1  }
0xa: {  	[smem:$0x3FAC] =	sst s2  }
0xb: {  	[smem:$0x3FAD] =	sst s3  }
0xc: {  	[smem:$0x3FAE] =	sst s4  }
0xd: {  	[smem:$0x3FAF] =	sst s5  }
0xe: {  	[smem:$0x3FB0] =	sst s6  }
0xf: {  	[smem:$0x3FB1] =	sst s7  }
0x10: {  	[smem:$0x3FB2] =	sst s8  }
0x11: {  	[smem:$0x3FB3] =	sst s9;
	s0 =	simm.s32 @!p0 $0x0  }
0x12: {  	s1 =	sld [smem:$0x3F99];
	s0 =	simm.s32 @p0 $0x1  }
0x13: {  	[smem:$0x3FB4] =	sst s0;
	s0 =	simm.s32 @!p1 $0x0  }
0x14: {  	s2 =	sld [smem:$0x3F98];
	s0 =	simm.s32 @p1 $0x1  }
0x15: {  	[smem:$0x3FB5] =	sst s0;
	s0 =	simm.s32 @!p2 $0x0  }
0x16: {  	s3 =	sld [smem:$0x3FDB];
	s0 =	simm.s32 @p2 $0x1  }
0x17: {  	s4 =	simm.s32 $0x1BF5;
	[smem:$0x3FB7] =	sst s0  }
0x18: {  	s0 =	sld [smem:$0x3F9A];
	_ =	swait.ge [sflag:s4], $0x0  }
0x19: {  	s7 =	sld [smem:$0x3F9B]  }
0x1a: {  	s8 =	sadd.s32 $0xFFFFE003, lr  }
0x1b: {  	s9 =	sadd.s32 $0xFFFFFEF7, lr;
	s5 =	simm.s32 $0xFFFFFFFF;
	p2 =	slt.u32 s8, $0xFFFFF086  }
0x1c: {  	p1 =	slt.u32 s9, $0xF7A;
	s5 =	simm.s32 @!p2 $0x0  }
0x1d: {  	s5 =	simm.s32 @p1 $0x1;
	p0 =	seq.s32 s7, s2  }
0x1e: {  	s7 =	smul.u32 @!p0 $0xF7A, s2;
	p2 =	seq.s32 @!p0 s5, $0x0  }
0x1f: {  	s9 =	smul.u32 $0xF7A, s1;
	s8 =	simm.s32 @!p0 $0x1BF5;
	p2 =	por !p2, p0  }
0x20: {  	[sflag:s8] =	ssyncset.s32 @!p0 $0xFFFFF086;
	s6 =	sadd.s32 @!p0 s3, s7;
	s7 =	simm.s32 @!p0 $0x108  }
0x21: {  	s3 =	sadd.s32 s3, s9;
	s6 =	sadd.s32 @!p0 $0x88, s6;
	s7 =	simm.s32 @p2 $0x1082  }
0x22: {  	[simem:s7], [sflag:s8] =	dma.local @!p0 [hbm:s6], $0xF7A  }
0x23: {  	s9 =	sor.u32 $0xD0000000, s2;
	s6 =	simm.s32 $0x108;
	_ =	swait.ge @!p0 [sflag:s8], $0x0  }
0x24: {  	s3 =	sadd.s32 $0x88, s3;
	s6 =	simm.s32 @!p1 $0x1082;
	[sflag:s4] =	ssyncset.s32 $0xFFFFF086  }
0x25: {  	[simem:s6], [sflag:s4] =	dma.local [hbm:s3], $0xF7A  }
0x26: {  	[smem:$0x3F9B] =	sst s1;
	(tag) =	ssettag s2;
	_ =	strace s9  }
0x27: {  	s1 =	sld [smem:$0x3FAB]  }
0x28: {  	s2 =	sld [smem:$0x3FAC]  }
0x29: {  	s4 =	sld [smem:$0x3FAE]  }
0x2a: {  	p0 =	seq.s32 s5, $0x0;
	s5 =	sld [smem:$0x3FAF]  }
0x2b: {  	s6 =	sld [smem:$0x3FB0]  }
0x2c: {  	s7 =	sld [smem:$0x3FB1]  }
0x2d: {  	s3 =	simm.s32 $0x108;
	s8 =	sld [smem:$0x3FB2]  }
0x2e: {  	s3 =	simm.s32 @!p0 $0x1082;
	s9 =	sld [smem:$0x3FB3]  }
0x2f: {  	lr =	sadd.s32 s0, s3;
	s0 =	sld [smem:$0x3FAA]  }
0x30: {  	s3 =	sld [smem:$0x3FAD]  }
0x31: {  	[smem:$0x3FB6] =	sst s10  }
0x32: {  	s10 =	sld [smem:$0x3FB4];
	_ =	sdelay $0x3  }
0x33: {  	p0 =	seq.s32 s10, $0x1;
	s10 =	sld [smem:$0x3FB6];
	_ =	sdelay $0x3  }
0x34: {  	[smem:$0x3FB6] =	sst s10  }
0x35: {  	s10 =	sld [smem:$0x3FB5];
	_ =	sdelay $0x3  }
0x36: {  	p1 =	seq.s32 s10, $0x1;
	s10 =	sld [smem:$0x3FB6];
	_ =	sdelay $0x3  }
0x37: {  	[smem:$0x3FB6] =	sst s10  }
0x38: {  	s10 =	sld [smem:$0x3FB7]  }
0x39: {  	_ = 	snop;
	(pc) =	sbr.ind lr, $3  }
0x3a: {  	_ = 	snop  }
0x3b: {  	_ = 	snop  }
0x3c: {  	p2 =	seq.s32 s10, $0x1;
	s10 =	sld [smem:$0x3FB6]  }
0x3d: {  	_ =	shalt  }
0x3e: {  	_ =	shalt  }
0x3f: {  	_ =	shalt  }
0x40: {  	_ =	shalt  }
0x41: {  	_ =	shalt  }
0x42: {  	_ =	shalt  }
0x43: {  	_ =	shalt  }
0x44: {  	_ =	shalt  }
0x45: {  	_ =	shalt  }
0x46: {  	_ =	shalt  }
0x47: {  	_ =	shalt  }
0x48: {  	_ =	shalt  }
0x49: {  	_ =	shalt  }
0x4a: {  	_ =	shalt  }
0x4b: {  	_ =	shalt  }
0x4c: {  	_ =	shalt  }
0x4d: {  	_ =	shalt  }
0x4e: {  	_ =	shalt  }
0x4f: {  	_ =	shalt  }
0x50: {  	_ =	shalt  }
0x51: {  	_ =	shalt  }
0x52: {  	_ =	shalt  }
0x53: {  	_ =	shalt  }
0x54: {  	_ =	shalt  }
0x55: {  	_ =	shalt  }
0x56: {  	_ =	shalt  }
0x57: {  	_ =	shalt  }
0x58: {  	_ =	shalt  }
0x59: {  	_ =	shalt  }
0x5a: {  	_ =	shalt  }
0x5b: {  	_ =	shalt  }
0x5c: {  	_ =	shalt  }
0x5d: {  	_ =	shalt  }
0x5e: {  	_ =	shalt  }
0x5f: {  	_ =	shalt  }
0x60: {  	_ =	shalt  }
0x61: {  	_ =	shalt  }
0x62: {  	_ =	shalt  }
0x63: {  	_ =	shalt  }
0x64: {  	_ =	shalt  }
0x65: {  	_ =	shalt  }
0x66: {  	_ =	shalt  }
0x67: {  	_ =	shalt  }
0x68: {  	_ =	shalt  }
0x69: {  	_ =	shalt  }
0x6a: {  	_ =	shalt  }
0x6b: {  	_ =	shalt  }
0x6c: {  	_ =	shalt  }
0x6d: {  	_ =	shalt  }
0x6e: {  	_ =	shalt  }
0x6f: {  	_ =	shalt  }
0x70: {  	_ =	shalt  }
0x71: {  	_ =	shalt  }
0x72: {  	_ =	shalt  }
0x73: {  	_ =	shalt  }
0x74: {  	_ =	shalt  }
0x75: {  	_ =	shalt  }
0x76: {  	_ =	shalt  }
0x77: {  	_ =	shalt  }
0x78: {  	_ =	shalt  }
0x79: {  	_ =	shalt  }
0x7a: {  	_ =	shalt  }
0x7b: {  	_ =	shalt  }
0x7c: {  	_ =	shalt  }
0x7d: {  	_ =	shalt  }
0x7e: {  	_ =	shalt  }
0x7f: {  	_ =	shalt  }
0x80: {  	_ =	shalt  }
0x81: {  	_ =	shalt  }
0x82: {  	_ =	shalt  }
0x83: {  	_ =	shalt  }
0x84: {  	_ =	shalt  }
0x85: {  	_ =	shalt  }
0x86: {  	_ =	shalt  }
0x87: {  	_ =	shalt  }
.Lfunc_end0:
.L_simem_size_0:
called_computation_lowered:
.L_overlay_start_0:
0x88: {  	s2 =	sld [smem:$0x3FD9]  }
0x89: {  	s3 =	sld [smem:$0x3FFE];
	_ =	sdelay $0x1  }
0x8a: {  	s1 =	srdreg.scid  }
0x8b: {  	s0 =	sand.u32 $0x1, s1  }
0x8c: {  	s17 =	sshll.u32 s0, $0xA;
	s2 =	sadd.s32 s3, s2  }
0x8d: {  	s2 =	sadd.s32 s2, s17  }
0x8e: {  	[smem:$0x3FC2] =	sst s2  }
0x8f: {  	_ = 	snop  }
0x90: {  	s2 =	sld [smem:$0x3FC9]  }
0x91: {  	s18 =	sld [smem:$0x3FC8]  }
0x92: {  	s4 =	sld [smem:$0x3FC7]  }
0x93: {  	s5 =	sld [smem:$0x3FC6]  }
0x94: {  	s6 =	sld [smem:$0x3FC5]  }
0x95: {  	s7 =	sld [smem:$0x3FC4];
	(tm) =	ssettm $0x1  }
0x96: {  	s8 =	sld [smem:$0x3FFB];
	_ =	sdelay $0x3  }
0x97: {  	_ =	strace s8  }
0x98: {  	s8 =	sld [smem:$0x3FFC];
	_ =	sdelay $0x3  }
0x99: {  	_ =	strace s8  }
0x9a: {  	s8 =	sld [smem:$0x3FFD];
	_ =	sdelay $0x3  }
0x9b: {  	_ =	strace s8  }
0x9c: {  	_ =	strace $0x8FFFFFFF  }
0x9d: {  	s19 =	sld [smem:$0x3FDB];
	_ =	sdelay $0x1  }
0x9e: {  	s9 =	simm.s32 $_scs_section_size  }
0x9f: {  	s10 =	simm.s32 $_size__tile_overlayer_lowered;
	s11 =	simm.s32 $_tile_overlayer_lowered  }
0xa0: {  	s22 =	simm.s32 $0x1BFF;
	s21 =	sshll.u32 s11, $0x1;
	s8 =	sadd.s32 s9, s19  }
0xa1: {  	s12 =	simm.s32 $0x0;
	s20 =	sshll.u32 s10, $0x1;
	s10 =	sadd.s32 s21, s8  }
0xa2: {  	[timem:s12], [sflag:s22] =	dma.local [hbm:s10], s20  }
0xa3: {  	_ =	swait.ge [sflag:s22], s20  }
0xa4: {  	s9 =	ssub.s32 $0x0, s20;
	[sflag:s22] =	ssyncset.done $0x0  }
0xa5: {  	[sflag:s22] =	ssyncadd.s32 s9;
	_ =	sdelay $0x1  }
0xa6: {  	s23 =	simm.s32 $0x1B8B  }
0xa7: {  	_ =	swait.ge [sflag:s23], $0x1  }
0xa8: {  	[sflag:s23] =	ssyncset.done $0x0  }
0xa9: {  	s25 =	simm.s32 $0x1B8E;
	s24 =	sld [smem:$0x3FFE];
	[sflag:s23] =	ssyncadd.s32 $0xFFFFFFFF  }
0xaa: {  	s26 =	simm.s32 $execute0_lowered;
	[smem:$0x3FD2] =	sst s25  }
0xab: {  	s10 =	sshll.u32 s26, $0x1;
	_ =	strace $0x80000046;
	[dreg:$0x1] =	wrdreg $0xFFFFFFFF  }
0xac: {  	s28 =	simm.s32 $_size_execute0_lowered;
	s8 =	sadd.s32 s8, s10;
	[dreg:$0x0] =	wrdreg $0x0  }
0xad: {  	s10 =	sshll.u32 s28, $0x1;
	[dreg:$0x2] =	wrdreg s8  }
0xae: {  	[dreg:$0x3] =	wrdreg s10  }
0xaf: {  	[dreg:$0x4] =	wrdreg $0xC0  }
0xb0: {  	_ =	task [dreg:s12], $0x5FFFF  }
0xb1: {  	[dreg:$0x1] =	wrdreg $0xFFFFFFFF  }
0xb2: {  	[dreg:$0x0] =	wrdreg $0x60  }
0xb3: {  	[dreg:$0x2] =	wrdreg s2  }
0xb4: {  	[dreg:$0x3] =	wrdreg s18  }
0xb5: {  	[dreg:$0x4] =	wrdreg s4  }
0xb6: {  	[dreg:$0x5] =	wrdreg s5  }
0xb7: {  	[dreg:$0x6] =	wrdreg s6  }
0xb8: {  	[dreg:$0x7] =	wrdreg s7  }
0xb9: {  	[dreg:$0x8] =	wrdreg s24  }
0xba: {  	[dreg:$0x9] =	wrdreg $0x9  }
0xbb: {  	_ =	task.clear_ibuf [dreg:s12], $0xAFFFF;
	_ =	strace $0x90000046  }
0xbc: {  	s29 =	simm.s32 $0x9;
	_ =	strace $0x80000048  }
0xbd: {  	_ =	swait.ge [sflag:s29], $0x1  }
0xbe: {  	[sflag:s29] =	ssyncadd.s32 $0xFFFFFFFF  }
0xbf: {  	_ =	strace $0x90000048  }
0xc0: {  	_ =	sfence  }
0xc1: {  	s30 =	sld [smem:$0x0];
	_ =	sdelay $0x2  }
0xc2: {  	s31 =	sshll.u32 s1, $0xD;
	s1 =	sshrl.u32 s1, $0x2  }
0xc3: {  	s3 =	sand.u32 $0x4000, s31;
	s1 =	sadd.s32 s1, s30  }
0xc4: {  	s0 =	sor.u32 s3, s0;
	s1 =	sshll.u32 s1, $0x11  }
0xc5: {  	s0 =	sor.u32 s1, s0  }
0xc6: {  	s0 =	sadd.s32 $0x8F2B, s0  }
0xc7: {  	[sflag:s0] =	ssyncadd.remote.s32 $0x1  }
0xc8: {  	_ =	sfence.sel $0xFFFF  }
0xc9: {  	[dreg:$0x0] =	wrdreg $0xFFFFFFFF;
	(pc) =	sbr.abs _section_cstart, $3  }
0xca: {  	[dreg:$0x1] =	wrdreg $0xFFFFFFFF  }
0xcb: {  	_ =	task.clear_ibuf [dreg:s12], $0x2FFFF;
	_ =	strace $0x9FFFFFFF  }
0xcc: {  	(tm) =	ssettm $0x7FFFFFFF  }
0xcd: {  	_ =	shalt  }
tec
execute0_lowered:
.L_overlay_start_1:
0x0: {  	(tag) =	ssettag $0x1  }
0x1: {  	s0 =	rddreg [dreg:$0x0]  }
0x2: {  	s3 =	rddreg [dreg:$0x1]  }
0x3: {  	s4 =	rddreg [dreg:$0x2]  }
0x4: {  	s1 =	rddreg [dreg:$0x3]  }
0x5: {  	s2 =	rddreg [dreg:$0x4]  }
0x6: {  	s5 =	rddreg [dreg:$0x6];
	s6 =	srdreg.scid  }
0x7: {  	s7 =	stileid.u32;
	s10 =	simm.s32 $0x0;
	s18 =	simm.s32 $0x400  }
0x8: {  	s28 =	simm.s32 $0x1AA80;
	s29 =	simm.s32 $0x14A80;
	s30 =	simm.s32 $0x1CA80  }
0x9: {  	s31 =	simm.s32 $0x1;
	s16 =	simm.s32 $0x3;
	s17 =	simm.s32 $0x7  }
0xa: {  	s6 =	sand.u32 $0x1, s6;
	s7 =	sshll.u32 s7, $0xA;
	[smem:$0x7FF] =	sst s10  }
0xb: {  	s5 =	sadd.s32 $0x400, s5;
	s8 =	sshll.u32 s6, $0x9;
	s6 =	ssub.s32 $0x2, s6  }
0xc: {  	_ =	strace $0x80000047;
	s7 =	sor.u32 s8, s7;
	s19 =	sshrl.u32 s6, $0x1  }
0xd: {  	s8 =	simm.s32 $0x9;
	s9 =	sshrl.u32 s7, $0x3;
	s6 =	ssub.s32 s6, s19  }
0xe: {  	s21 =	sadd.s32 s0, s7;
	s22 =	sor.u32 $0x100, s7;
	s24 =	sshll.u32 s7, $0x4  }
0xf: {  	s7 =	simm.s32 $0x8;
	s3 =	sadd.s32 s3, s9;
	[dreg:$0xa] =	wrdreg s21  }
0x10: {  	s20 =	sadd.s32 s4, s9;
	s23 =	sadd.s32 $0x80, s21;
	[dreg:$0x8] =	wrdreg s3  }
0x11: {  	s0 =	sadd.s32 s0, s22;
	s4 =	sadd.s32 $0x180, s21;
	[dreg:$0x9] =	wrdreg s20  }
0x12: {  	s25 =	sshll.u32 s22, $0x4;
	s26 =	smax.u32 s6, $0x1;
	[dreg:$0xb] =	wrdreg s23  }
0x13: {  	v0 =	vlaneseq.u32;
	vm0 =	vmmov $0x1;
	s21 =	simm.s32 $0x7A1400;
	s22 =	simm.s32 $0xEA80;
	[dreg:$0xc] =	wrdreg s0  }
0x14: {  	vm1 =	vcmask $0x308;
	vm2 =	vcmask $0x70C;
	vm3 =	vcmask $0xB10;
	s6 =	simm.s32 $0x4;
	s9 =	simm.s32 $0x0;
	[dreg:$0xd] =	wrdreg s4  }
0x15: {  	v1 =	vor.u32 $0xFFFFFF80, v0;
	v2 =	vor.u32 $0xFFFFFF90, v0;
	v3 =	vor.u32 $0xFFFFFFA0, v0;
	s0 =	sadd.s32 s5, s24;
	[dreg:$0x10] =	wrdreg s26;
	s23 =	simm.s32 $0x16A80  }
0x16: {  	v4 =	vor.u32 $0xFFFFFFB0, v0;
	v5 =	vor.u32 $0xFFFFFFC0, v0;
	v9 =	vmul.u32 $0x80, v0;
	s24 =	simm.s32 $0x10A80;
	s26 =	simm.s32 $0x12A80;
	s3 =	simm.s32 $0x2  }
0x17: {  	v6 =	vor.u32 $0xFFFFFFD0, v0;
	v7 =	vor.u32 $0xFFFFFFE0, v0;
	v8 =	vor.u32 $0xFFFFFFF0, v0;
	s4 =	simm.s32 $0x6;
	[dreg:$0xe] =	wrdreg s0;
	s0 =	sadd.s32 s5, s25  }
0x18: {  	v10 =	vor.u32 $0x800, v9;
	v11 =	vor.u32 $0x1000, v9;
	v12 =	vor.u32 $0x1800, v9;
	s25 =	simm.s32 $0x18A80;
	[dreg:$0xf] =	wrdreg s0;
	s0 =	simm.s32 $0x5  }
.LBB2_1:
0x19: {  	[dreg:$0x11] =	wrdreg s9  }
0x1a: {  	s5 =	rddreg [dreg:$0x8]  }
0x1b: {  	[tilespmem:s10], [sflag:$0x9] =	stream.linear.gather [hbm4b:s5+s10], $0x200, $0x38;
	[tilespmem:$0x1EA80] =	vst v63  }
0x1c: {  	_ =	swait.ge [sflag:s8], $0x200  }
0x1d: {  	[sflag:s8] =	ssyncset.done $0x0  }
0x1e: {  	s20 =	simm.s32 $0x200;
	s19 =	rddreg [dreg:$0x9];
	[sflag:s8] =	ssyncadd.s32 $0xFFFFFE00  }
0x1f: {  	[tilespmem:s20], [sflag:$0x9] =	stream.linear.gather [hbm4b:s19+s10], $0x200, $0x38;
	[tilespmem:$0x1EA80] =	vst v63  }
0x20: {  	_ =	swait.ge [sflag:s8], $0x200  }
0x21: {  	[sflag:s8] =	ssyncset.done $0x0  }
0x22: {  	[sflag:s8] =	ssyncadd.s32 $0xFFFFFE00  }
0x23: {  	s11 =	simm.s32 $0x6A00;
	s9 =	rddreg [dreg:$0x5]  }
0x24: {  	[tilespmem:s11], [sflag:$0x9] =	stream.linear.gather [hbm4b:s9+s10], $0x80, $0x38;
	[tilespmem:$0x1EA80] =	vst v63  }
0x25: {  	_ =	swait.ge [sflag:s8], $0x80  }
0x26: {  	[sflag:s8] =	ssyncset.done $0x0  }
0x27: {  	[sflag:s8] =	ssyncadd.s32 $0xFFFFFF80  }
0x28: {  	v13 =	vld [tilespmem:$0x6A00]  }
0x29: {  	v14 =	vld [tilespmem:$0x6A10]  }
0x2a: {  	s13 =	simm.s32 $0x20000;
	s14 =	simm.s32 $0x600;
	s12 =	rddreg [dreg:$0xa];
	v15 =	vld [tilespmem:$0x6A20]  }
0x2b: {  	v16 =	vld [tilespmem:$0x6A30];
	[tilespmem:s14], [sflag:$0x9] =	stream.strided.gather [hbm4b:s12+s18], $0x6400, s13, s18, $0x38  }
0x2c: {  	_ =	swait.ge [sflag:s8], $0x6400  }
0x2d: {  	[sflag:s8] =	ssyncset.done $0x0  }
0x2e: {  	[sflag:s8] =	ssyncadd.s32 $0xFFFF9C00  }
0x2f: {  	v17 =	vld [tilespmem:$0x0];
	_ =	sdelay $0x4  }
0x30: {  	v17 =	vshll.u32 v17, $0x7  }
0x31: {  	v18 =	vld [tilespmem:$0x10];
	v17 =	vadd.s32 v1, v17;
	_ =	sdelay $0x4  }
0x32: {  	v18 =	vshll.u32 v18, $0x7;
	v17 =	vld.idx.msk [tilespmem:v17+s14+$0x0], $0xffff  }
0x33: {  	v19 =	vld [tilespmem:$0x20];
	v18 =	vadd.s32 v2, v18;
	_ =	sdelay $0x3  }
0x34: {  	[tilespmem:$0x400] =	vst v17  }
0x35: {  	v17 =	vld.idx.msk [tilespmem:v18+s14+$0x0], $0xffff;
	v18 =	vshll.u32 v19, $0x7  }
0x36: {  	v19 =	vld [tilespmem:$0x30];
	v18 =	vadd.s32 v3, v18;
	_ =	sdelay $0x3  }
0x37: {  	[tilespmem:$0x410] =	vst v17  }
0x38: {  	v17 =	vld.idx.msk [tilespmem:v18+s14+$0x0], $0xffff;
	v18 =	vshll.u32 v19, $0x7  }
0x39: {  	v19 =	vld [tilespmem:$0x40];
	v18 =	vadd.s32 v4, v18;
	_ =	sdelay $0x3  }
0x3a: {  	[tilespmem:$0x420] =	vst v17  }
0x3b: {  	v17 =	vld.idx.msk [tilespmem:v18+s14+$0x0], $0xffff;
	v18 =	vshll.u32 v19, $0x7  }
0x3c: {  	v19 =	vld [tilespmem:$0x50];
	v18 =	vadd.s32 v5, v18;
	_ =	sdelay $0x3  }
0x3d: {  	[tilespmem:$0x430] =	vst v17  }
0x3e: {  	v17 =	vld.idx.msk [tilespmem:v18+s14+$0x0], $0xffff;
	v18 =	vshll.u32 v19, $0x7  }
0x3f: {  	v19 =	vld [tilespmem:$0x60];
	v18 =	vadd.s32 v6, v18;
	_ =	sdelay $0x3  }
0x40: {  	[tilespmem:$0x440] =	vst v17  }
0x41: {  	v17 =	vld.idx.msk [tilespmem:v18+s14+$0x0], $0xffff;
	v18 =	vshll.u32 v19, $0x7  }
0x42: {  	v19 =	vld [tilespmem:$0x70];
	v18 =	vadd.s32 v7, v18;
	_ =	sdelay $0x3  }
0x43: {  	[tilespmem:$0x450] =	vst v17  }
0x44: {  	v17 =	vld.idx.msk [tilespmem:v18+s14+$0x0], $0xffff;
	v18 =	vshll.u32 v19, $0x7  }
0x45: {  	v18 =	vadd.s32 v8, v18;
	_ =	sdelay $0x3  }
0x46: {  	[tilespmem:$0x460] =	vst v17  }
0x47: {  	v17 =	vld.idx.msk [tilespmem:v18+s14+$0x0], $0xffff;
	_ =	sdelay $0x4  }
0x48: {  	s15 =	rddreg [dreg:$0xb];
	[tilespmem:$0x470] =	vst v17  }
0x49: {  	[tilespmem:s14], [sflag:$0x9] =	stream.strided.gather [hbm4b:s15+s18], $0x6400, s13, s18, $0x38;
	[tilespmem:$0x1EA80] =	vst v63  }
0x4a: {  	_ =	swait.ge [sflag:s8], $0x6400  }
0x4b: {  	[sflag:s8] =	ssyncset.done $0x0  }
0x4c: {  	[sflag:s8] =	ssyncadd.s32 $0xFFFF9C00  }
0x4d: {  	v17 =	vld [tilespmem:$0x80];
	_ =	sdelay $0x4  }
0x4e: {  	v17 =	vshll.u32 v17, $0x7  }
0x4f: {  	v18 =	vld [tilespmem:$0x90];
	v17 =	vadd.s32 v1, v17;
	_ =	sdelay $0x4  }
0x50: {  	v18 =	vshll.u32 v18, $0x7;
	v17 =	vld.idx.msk [tilespmem:v17+s14+$0x0], $0xffff  }
0x51: {  	v19 =	vld [tilespmem:$0xA0];
	v18 =	vadd.s32 v2, v18;
	_ =	sdelay $0x3  }
0x52: {  	[tilespmem:$0x480] =	vst v17  }
0x53: {  	v17 =	vld.idx.msk [tilespmem:v18+s14+$0x0], $0xffff;
	v18 =	vshll.u32 v19, $0x7  }
0x54: {  	v19 =	vld [tilespmem:$0xB0];
	v18 =	vadd.s32 v3, v18;
	_ =	sdelay $0x3  }
0x55: {  	[tilespmem:$0x490] =	vst v17  }
0x56: {  	v17 =	vld.idx.msk [tilespmem:v18+s14+$0x0], $0xffff;
	v18 =	vshll.u32 v19, $0x7  }
0x57: {  	v19 =	vld [tilespmem:$0xC0];
	v18 =	vadd.s32 v4, v18;
	_ =	sdelay $0x3  }
0x58: {  	[tilespmem:$0x4A0] =	vst v17  }
0x59: {  	v17 =	vld.idx.msk [tilespmem:v18+s14+$0x0], $0xffff;
	v18 =	vshll.u32 v19, $0x7  }
0x5a: {  	v19 =	vld [tilespmem:$0xD0];
	v18 =	vadd.s32 v5, v18;
	_ =	sdelay $0x3  }
0x5b: {  	[tilespmem:$0x4B0] =	vst v17  }
0x5c: {  	v17 =	vld.idx.msk [tilespmem:v18+s14+$0x0], $0xffff;
	v18 =	vshll.u32 v19, $0x7  }
0x5d: {  	v19 =	vld [tilespmem:$0xE0];
	v18 =	vadd.s32 v6, v18;
	_ =	sdelay $0x3  }
0x5e: {  	[tilespmem:$0x4C0] =	vst v17  }
0x5f: {  	v17 =	vld.idx.msk [tilespmem:v18+s14+$0x0], $0xffff;
	v18 =	vshll.u32 v19, $0x7  }
0x60: {  	v19 =	vld [tilespmem:$0xF0];
	v18 =	vadd.s32 v7, v18;
	_ =	sdelay $0x3  }
0x61: {  	[tilespmem:$0x4D0] =	vst v17  }
0x62: {  	v17 =	vld.idx.msk [tilespmem:v18+s14+$0x0], $0xffff;
	v18 =	vshll.u32 v19, $0x7  }
0x63: {  	v18 =	vadd.s32 v8, v18;
	_ =	sdelay $0x3  }
0x64: {  	[tilespmem:$0x4E0] =	vst v17  }
0x65: {  	v17 =	vld.idx.msk [tilespmem:v18+s14+$0x0], $0xffff;
	_ =	sdelay $0x4  }
0x66: {  	s19 =	rddreg [dreg:$0xc];
	[tilespmem:$0x4F0] =	vst v17  }
0x67: {  	[tilespmem:s14], [sflag:$0x9] =	stream.strided.gather [hbm4b:s19+s18], $0x6400, s13, s18, $0x38;
	[tilespmem:$0x1EA80] =	vst v63  }
0x68: {  	_ =	swait.ge [sflag:s8], $0x6400  }
0x69: {  	[sflag:s8] =	ssyncset.done $0x0  }
0x6a: {  	[sflag:s8] =	ssyncadd.s32 $0xFFFF9C00  }
0x6b: {  	v17 =	vld [tilespmem:$0x100];
	_ =	sdelay $0x4  }
0x6c: {  	v17 =	vshll.u32 v17, $0x7  }
0x6d: {  	v18 =	vld [tilespmem:$0x110];
	v17 =	vadd.s32 v1, v17;
	_ =	sdelay $0x4  }
0x6e: {  	v18 =	vshll.u32 v18, $0x7;
	v17 =	vld.idx.msk [tilespmem:v17+s14+$0x0], $0xffff  }
0x6f: {  	v19 =	vld [tilespmem:$0x120];
	v18 =	vadd.s32 v2, v18;
	_ =	sdelay $0x3  }
0x70: {  	[tilespmem:$0x500] =	vst v17  }
0x71: {  	v17 =	vld.idx.msk [tilespmem:v18+s14+$0x0], $0xffff;
	v18 =	vshll.u32 v19, $0x7  }
0x72: {  	v19 =	vld [tilespmem:$0x130];
	v18 =	vadd.s32 v3, v18;
	_ =	sdelay $0x3  }
0x73: {  	[tilespmem:$0x510] =	vst v17  }
0x74: {  	v17 =	vld.idx.msk [tilespmem:v18+s14+$0x0], $0xffff;
	v18 =	vshll.u32 v19, $0x7  }
0x75: {  	v19 =	vld [tilespmem:$0x140];
	v18 =	vadd.s32 v4, v18;
	_ =	sdelay $0x3  }
0x76: {  	[tilespmem:$0x520] =	vst v17  }
0x77: {  	v17 =	vld.idx.msk [tilespmem:v18+s14+$0x0], $0xffff;
	v18 =	vshll.u32 v19, $0x7  }
0x78: {  	v19 =	vld [tilespmem:$0x150];
	v18 =	vadd.s32 v5, v18;
	_ =	sdelay $0x3  }
0x79: {  	[tilespmem:$0x530] =	vst v17  }
0x7a: {  	v17 =	vld.idx.msk [tilespmem:v18+s14+$0x0], $0xffff;
	v18 =	vshll.u32 v19, $0x7  }
0x7b: {  	v19 =	vld [tilespmem:$0x160];
	v18 =	vadd.s32 v6, v18;
	_ =	sdelay $0x3  }
0x7c: {  	[tilespmem:$0x540] =	vst v17  }
0x7d: {  	v17 =	vld.idx.msk [tilespmem:v18+s14+$0x0], $0xffff;
	v18 =	vshll.u32 v19, $0x7  }
0x7e: {  	v19 =	vld [tilespmem:$0x170];
	v18 =	vadd.s32 v7, v18;
	_ =	sdelay $0x3  }
0x7f: {  	[tilespmem:$0x550] =	vst v17  }
0x80: {  	v17 =	vld.idx.msk [tilespmem:v18+s14+$0x0], $0xffff;
	v18 =	vshll.u32 v19, $0x7  }
0x81: {  	v18 =	vadd.s32 v8, v18;
	_ =	sdelay $0x3  }
0x82: {  	[tilespmem:$0x560] =	vst v17  }
0x83: {  	v17 =	vld.idx.msk [tilespmem:v18+s14+$0x0], $0xffff;
	_ =	sdelay $0x4  }
0x84: {  	s20 =	rddreg [dreg:$0xd];
	[tilespmem:$0x570] =	vst v17  }
0x85: {  	[tilespmem:s14], [sflag:$0x9] =	stream.strided.gather [hbm4b:s20+s18], $0x6400, s13, s18, $0x38;
	[tilespmem:$0x1EA80] =	vst v63  }
0x86: {  	_ =	swait.ge [sflag:s8], $0x6400  }
0x87: {  	[sflag:s8] =	ssyncset.done $0x0  }
0x88: {  	[sflag:s8] =	ssyncadd.s32 $0xFFFF9C00  }
0x89: {  	v17 =	vld [tilespmem:$0x180];
	_ =	sdelay $0x4  }
0x8a: {  	v17 =	vshll.u32 v17, $0x7  }
0x8b: {  	v18 =	vld [tilespmem:$0x190];
	v17 =	vadd.s32 v1, v17;
	_ =	sdelay $0x4  }
0x8c: {  	v18 =	vshll.u32 v18, $0x7;
	v17 =	vld.idx.msk [tilespmem:v17+s14+$0x0], $0xffff  }
0x8d: {  	v19 =	vld [tilespmem:$0x1A0];
	v18 =	vadd.s32 v2, v18;
	_ =	sdelay $0x3  }
0x8e: {  	[tilespmem:$0x580] =	vst v17  }
0x8f: {  	v17 =	vld.idx.msk [tilespmem:v18+s14+$0x0], $0xffff;
	v18 =	vshll.u32 v19, $0x7  }
0x90: {  	v18 =	vadd.s32 v3, v18  }
0x91: {  	v19 =	vld [tilespmem:$0x1B0];
	_ =	sdelay $0x2  }
0x92: {  	[tilespmem:$0x590] =	vst v17  }
0x93: {  	v17 =	vld.idx.msk [tilespmem:v18+s14+$0x0], $0xffff  }
0x94: {  	v18 =	vshll.u32 v19, $0x7  }
0x95: {  	v19 =	vld [tilespmem:$0x1C0];
	v18 =	vadd.s32 v4, v18;
	_ =	sdelay $0x2  }
0x96: {  	[tilespmem:$0x5A0] =	vst v17;
	v17 =	vld [tilespmem:$0x200]  }
0x97: {  	v20 =	vld [tilespmem:$0x400]  }
0x98: {  	v19 =	vshll.u32 v19, $0x7;
	v18 =	vld.idx.msk [tilespmem:v18+s14+$0x0], $0xffff  }
0x99: {  	v21 =	vld [tilespmem:$0x1D0];
	v19 =	vadd.s32 v5, v19;
	_ =	sdelay $0x1  }
0x9a: {  	v17 =	vnsel vm0, $0x0, v17  }
0x9b: {  	v17 =	vxor.u32 $0x80000000, v17  }
0x9c: {  	[tilespmem:$0x5B0] =	vst v18;
	(xrf0) =	vmax.scan.msk.u32 $0xffff, v17;
	v17 =	vnsel vm0, $0x0, v20  }
0x9d: {  	v18 =	vld.idx.msk [tilespmem:v19+s14+$0x0], $0xffff;
	v19 =	vshll.u32 v21, $0x7;
	v17 =	vxor.u32 $0x80000000, v17  }
0x9e: {  	v62 =	vld [tilespmem:$0x1E0];
	v19 =	vadd.s32 v6, v19;
	(xrf0) =	vmax.scan.msk.u32 $0xffff, v17;
	_ =	sdelay $0x3  }
0x9f: {  	[tilespmem:$0x5C0] =	vst v18;
	v17, _, _ =	vpop (xrf0)  }
0xa0: {  	v18 =	vld.idx.msk [tilespmem:v19+s14+$0x0], $0xffff;
	v19 =	vshll.u32 v62, $0x7;
	(v2sf) =	vpush v17, $0xF  }
0xa1: {  	v17 =	vadd.s32 v7, v19;
	v19 =	vld [tilespmem:$0x1F0];
	v63, _, _ =	vpop (xrf0)  }
0xa2: {  	(v2sf) =	vpush v63, $0xF;
	_ =	sdelay $0x2  }
0xa3: {  	[tilespmem:$0x5D0] =	vst v18  }
0xa4: {  	v17 =	vld.idx.msk [tilespmem:v17+s14+$0x0], $0xffff;
	v18 =	vshll.u32 v19, $0x7  }
0xa5: {  	v18 =	vadd.s32 v8, v18;
	_ =	sdelay $0x3  }
0xa6: {  	[tilespmem:$0x5E0] =	vst v17  }
0xa7: {  	v17 =	vld.idx.msk [tilespmem:v18+s14+$0x0], $0xffff;
	_ =	sdelay $0x2  }
0xa8: {  	s11 =	spop (v2sf)  }
0xa9: {  	s8 =	sand.u32 $0xFFFFF80, s11  }
0xaa: {  	[tilespmem:$0x5F0] =	vst v17;
	s12 =	spop (v2sf);
	s5 =	sadd.s32 s1, s8  }
0xab: {  	[tilespmem:s22], [sflag:$0x1] =	stream.strided.gather [hbm4b:s5+s18], $0x2000, s21, s18, $0x38;
	[tilespmem:$0x1EA80] =	vst v63  }
0xac: {  	s9 =	sand.u32 $0xFFFFF80, s12  }
0xad: {  	s5 =	sadd.s32 s2, s9  }
0xae: {  	[tilespmem:s23], [sflag:$0x5] =	stream.strided.gather [hbm4b:s5+s18], $0x2000, s21, s18, $0x38;
	[tilespmem:$0x1EA80] =	vst v63  }
0xaf: {  	v17 =	vld [tilespmem:$0x200];
	_ =	sdelay $0x1  }
0xb0: {  	v18 =	vld [tilespmem:$0x400];
	_ =	sdelay $0x2  }
0xb1: {  	v17 =	vsel vm1, $0x0, v17  }
0xb2: {  	v17 =	vxor.u32 $0x80000000, v17  }
0xb3: {  	(xrf0) =	vmax.scan.msk.u32 $0xffff, v17;
	v17 =	vsel vm1, $0x0, v18  }
0xb4: {  	v17 =	vxor.u32 $0x80000000, v17  }
0xb5: {  	(xrf0) =	vmax.scan.msk.u32 $0xffff, v17;
	_ =	sdelay $0x3  }
0xb6: {  	v17, _, _ =	vpop (xrf0)  }
0xb7: {  	(v2sf) =	vpush v17, $0xF  }
0xb8: {  	v17, _, _ =	vpop (xrf0)  }
0xb9: {  	(v2sf) =	vpush v17, $0xF;
	_ =	sdelay $0xc  }
0xba: {  	s9 =	spop (v2sf)  }
0xbb: {  	s10 =	sand.u32 $0xFFFFF80, s9  }
0xbc: {  	s8 =	spop (v2sf);
	s5 =	sadd.s32 s1, s10  }
0xbd: {  	[tilespmem:s24], [sflag:$0x2] =	stream.strided.gather [hbm4b:s5+s18], $0x2000, s21, s18, $0x38;
	[tilespmem:$0x1EA80] =	vst v63  }
0xbe: {  	s13 =	sand.u32 $0xFFFFF80, s8  }
0xbf: {  	s5 =	sadd.s32 s2, s13  }
0xc0: {  	[tilespmem:s25], [sflag:$0x6] =	stream.strided.gather [hbm4b:s5+s18], $0x2000, s21, s18, $0x38;
	[tilespmem:$0x1EA80] =	vst v63  }
0xc1: {  	v17 =	vld [tilespmem:$0x200];
	_ =	sdelay $0x1  }
0xc2: {  	v18 =	vld [tilespmem:$0x400];
	_ =	sdelay $0x2  }
0xc3: {  	v17 =	vsel vm2, $0x0, v17  }
0xc4: {  	v17 =	vxor.u32 $0x80000000, v17  }
0xc5: {  	(xrf0) =	vmax.scan.msk.u32 $0xffff, v17;
	v17 =	vsel vm2, $0x0, v18  }
0xc6: {  	v17 =	vxor.u32 $0x80000000, v17  }
0xc7: {  	(xrf0) =	vmax.scan.msk.u32 $0xffff, v17;
	_ =	sdelay $0x3  }
0xc8: {  	v17, _, _ =	vpop (xrf0)  }
0xc9: {  	(v2sf) =	vpush v17, $0xF  }
0xca: {  	v17, _, _ =	vpop (xrf0)  }
0xcb: {  	(v2sf) =	vpush v17, $0xF;
	_ =	sdelay $0xc  }
0xcc: {  	s19 =	spop (v2sf)  }
0xcd: {  	s14 =	sand.u32 $0xFFFFF80, s19  }
0xce: {  	s5 =	spop (v2sf);
	s10 =	sadd.s32 s1, s14  }
0xcf: {  	[tilespmem:s26], [sflag:$0x3] =	stream.strided.gather [hbm4b:s10+s18], $0x2000, s21, s18, $0x38;
	[tilespmem:$0x1EA80] =	vst v63  }
0xd0: {  	s15 =	sand.u32 $0xFFFFF80, s5  }
0xd1: {  	s10 =	sadd.s32 s2, s15  }
0xd2: {  	[tilespmem:s28], [sflag:$0x7] =	stream.strided.gather [hbm4b:s10+s18], $0x2000, s21, s18, $0x38;
	[tilespmem:$0x1EA80] =	vst v63  }
0xd3: {  	v17 =	vld [tilespmem:$0x200];
	_ =	sdelay $0x1  }
0xd4: {  	v18 =	vld [tilespmem:$0x400];
	_ =	sdelay $0x2  }
0xd5: {  	v17 =	vsel vm3, $0x0, v17  }
0xd6: {  	v17 =	vxor.u32 $0x80000000, v17  }
0xd7: {  	(xrf0) =	vmax.scan.msk.u32 $0xffff, v17;
	v17 =	vsel vm3, $0x0, v18  }
0xd8: {  	v17 =	vxor.u32 $0x80000000, v17  }
0xd9: {  	(xrf0) =	vmax.scan.msk.u32 $0xffff, v17;
	_ =	sdelay $0x3  }
0xda: {  	v17, _, _ =	vpop (xrf0)  }
0xdb: {  	(v2sf) =	vpush v17, $0xF  }
0xdc: {  	v17, _, _ =	vpop (xrf0)  }
0xdd: {  	(v2sf) =	vpush v17, $0xF;
	_ =	sdelay $0xc  }
0xde: {  	s10 =	spop (v2sf)  }
0xdf: {  	s13 =	sand.u32 $0xFFFFF80, s10  }
0xe0: {  	s15 =	spop (v2sf);
	s13 =	sadd.s32 s1, s13  }
0xe1: {  	[tilespmem:s29], [sflag:$0x4] =	stream.strided.gather [hbm4b:s13+s18], $0x2000, s21, s18, $0x38;
	[tilespmem:$0x1EA80] =	vst v63  }
0xe2: {  	s20 =	sand.u32 $0xFFFFF80, s15  }
0xe3: {  	s13 =	sadd.s32 s2, s20  }
0xe4: {  	[tilespmem:s30], [sflag:$0x8] =	stream.strided.gather [hbm4b:s13+s18], $0x2000, s21, s18, $0x38;
	[tilespmem:$0x1EA80] =	vst v63  }
0xe5: {  	s14 =	simm.s32 $0x7;
	s13 =	simm.s32 $0x6B80  }
.LBB2_2:
0xe6: {  	s11 =	sand.u32 $0x7F, s11;
	_ =	swait.ge [sflag:s31], $0x2000  }
0xe7: {  	s12 =	sand.u32 $0x7F, s12;
	[sflag:s31] =	ssyncset.done $0x0;
	v17 =	vor.u32 s11, v9  }
0xe8: {  	v18 =	vor.u32 s12, v9;
	[sflag:s31] =	ssyncadd.s32 $0xFFFFE000  }
0xe9: {  	_ =	swait.ge [sflag:s0], $0x2000  }
0xea: {  	[sflag:s0] =	ssyncset.done $0x0  }
0xeb: {  	[sflag:s0] =	ssyncadd.s32 $0xFFFFE000  }
0xec: {  	v17 =	vld.idx.msk [tilespmem:v17+s22+$0x0], $0xffff  }
0xed: {  	v18 =	vld.idx.msk [tilespmem:v18+s23+$0x0], $0xffff;
	_ =	sdelay $0x4  }
0xee: {  	v17 =	vadd.f32 v18, v17;
	v18 =	vor.u32 s11, v10  }
0xef: {  	v19 =	vor.u32 s12, v10  }
0xf0: {  	v17 =	vadd.f32 v17, v13;
	_ =	sdelay $0x1  }
0xf1: {  	[tilespmem:s13+$0xFFFFFF00] =	vst v17  }
0xf2: {  	v17 =	vld.idx.msk [tilespmem:v18+s22+$0x0], $0xffff  }
0xf3: {  	v18 =	vld.idx.msk [tilespmem:v19+s23+$0x0], $0xffff;
	_ =	sdelay $0x4  }
0xf4: {  	v17 =	vadd.f32 v18, v17;
	v18 =	vor.u32 s11, v11  }
0xf5: {  	v19 =	vor.u32 s12, v11  }
0xf6: {  	v17 =	vadd.f32 v17, v14;
	_ =	sdelay $0x1  }
0xf7: {  	[tilespmem:s13+$0xFFFFFF10] =	vst v17  }
0xf8: {  	v17 =	vld.idx.msk [tilespmem:v18+s22+$0x0], $0xffff  }
0xf9: {  	v18 =	vld.idx.msk [tilespmem:v19+s23+$0x0], $0xffff;
	_ =	sdelay $0x4  }
0xfa: {  	v17 =	vadd.f32 v18, v17;
	v18 =	vor.u32 s11, v12  }
0xfb: {  	v19 =	vor.u32 s12, v12  }
0xfc: {  	v17 =	vadd.f32 v17, v15;
	_ =	sdelay $0x1  }
0xfd: {  	[tilespmem:s13+$0xFFFFFF20] =	vst v17  }
0xfe: {  	v17 =	vld.idx.msk [tilespmem:v18+s22+$0x0], $0xffff  }
0xff: {  	v18 =	vld.idx.msk [tilespmem:v19+s23+$0x0], $0xffff;
	_ =	sdelay $0x4  }
0x100: {  	v17 =	vadd.f32 v18, v17;
	_ =	sdelay $0x1  }
0x101: {  	v17 =	vadd.f32 v17, v16  }
0x102: {  	s11 =	sadd.s32 $0xFFFFFFFD, s14  }
0x103: {  	s20 =	sand.u32 $0xF0, s11;
	[tilespmem:s13+$0xFFFFFF30] =	vst v17  }
0x104: {  	v17 =	vld [tilespmem:s20+$0x200];
	_ =	sdelay $0x1  }
0x105: {  	v18 =	vld [tilespmem:s20+$0x400]  }
0x106: {  	s11 =	sand.u32 $0xC, s11  }
0x107: {  	v19 =	vmov s11  }
0x108: {  	vm4 =	veq.s32 v19, v0;
	v17 =	vxor.u32 $0x80000000, v17  }
0x109: {  	v17 =	vnsel vm4, $0x80000000, v17  }
0x10a: {  	(xrf0) =	vmax.scan.msk.u32 $0xffff, v17;
	v17 =	vxor.u32 $0x80000000, v18  }
0x10b: {  	v17 =	vnsel vm4, $0x80000000, v17  }
0x10c: {  	(xrf0) =	vmax.scan.msk.u32 $0xffff, v17;
	_ =	sdelay $0x3  }
0x10d: {  	v17, _, _ =	vpop (xrf0)  }
0x10e: {  	(v2sf) =	vpush v17, $0xF  }
0x10f: {  	v17, _, _ =	vpop (xrf0)  }
0x110: {  	(v2sf) =	vpush v17, $0xF;
	_ =	sdelay $0xc  }
0x111: {  	s11 =	spop (v2sf)  }
0x112: {  	s20 =	sand.u32 $0xFFFFF80, s11  }
0x113: {  	s12 =	spop (v2sf);
	s20 =	sadd.s32 s1, s20  }
0x114: {  	[tilespmem:s22], [sflag:$0x1] =	stream.strided.gather [hbm4b:s20+s18], $0x2000, s21, s18, $0x38;
	[tilespmem:$0x1EA80] =	vst v63  }
0x115: {  	s20 =	sand.u32 $0xFFFFF80, s12  }
0x116: {  	s20 =	sadd.s32 s2, s20  }
0x117: {  	[tilespmem:s23], [sflag:$0x5] =	stream.strided.gather [hbm4b:s20+s18], $0x2000, s21, s18, $0x38;
	[tilespmem:$0x1EA80] =	vst v63  }
0x118: {  	s9 =	sand.u32 $0x7F, s9;
	_ =	swait.ge [sflag:s3], $0x2000  }
0x119: {  	s8 =	sand.u32 $0x7F, s8;
	v17 =	vor.u32 s9, v9;
	[sflag:s3] =	ssyncset.done $0x0  }
0x11a: {  	v18 =	vor.u32 s8, v9;
	[sflag:s3] =	ssyncadd.s32 $0xFFFFE000  }
0x11b: {  	_ =	swait.ge [sflag:s4], $0x2000  }
0x11c: {  	[sflag:s4] =	ssyncset.done $0x0  }
0x11d: {  	[sflag:s4] =	ssyncadd.s32 $0xFFFFE000  }
0x11e: {  	v17 =	vld.idx.msk [tilespmem:v17+s24+$0x0], $0xffff  }
0x11f: {  	v18 =	vld.idx.msk [tilespmem:v18+s25+$0x0], $0xffff;
	_ =	sdelay $0x4  }
0x120: {  	v17 =	vadd.f32 v18, v17;
	v18 =	vor.u32 s9, v10  }
0x121: {  	v19 =	vor.u32 s8, v10  }
0x122: {  	v17 =	vadd.f32 v17, v13;
	_ =	sdelay $0x1  }
0x123: {  	[tilespmem:s13+$0xFFFFFF80] =	vst v17  }
0x124: {  	v17 =	vld.idx.msk [tilespmem:v18+s24+$0x0], $0xffff  }
0x125: {  	v18 =	vld.idx.msk [tilespmem:v19+s25+$0x0], $0xffff;
	_ =	sdelay $0x4  }
0x126: {  	v17 =	vadd.f32 v18, v17;
	v18 =	vor.u32 s9, v11  }
0x127: {  	v19 =	vor.u32 s8, v11  }
0x128: {  	v17 =	vadd.f32 v17, v14;
	_ =	sdelay $0x1  }
0x129: {  	[tilespmem:s13+$0xFFFFFF90] =	vst v17  }
0x12a: {  	v17 =	vld.idx.msk [tilespmem:v18+s24+$0x0], $0xffff  }
0x12b: {  	v18 =	vld.idx.msk [tilespmem:v19+s25+$0x0], $0xffff;
	_ =	sdelay $0x4  }
0x12c: {  	v17 =	vadd.f32 v18, v17;
	v18 =	vor.u32 s9, v12  }
0x12d: {  	v19 =	vor.u32 s8, v12  }
0x12e: {  	v17 =	vadd.f32 v17, v15;
	_ =	sdelay $0x1  }
0x12f: {  	[tilespmem:s13+$0xFFFFFFA0] =	vst v17  }
0x130: {  	v17 =	vld.idx.msk [tilespmem:v18+s24+$0x0], $0xffff  }
0x131: {  	v18 =	vld.idx.msk [tilespmem:v19+s25+$0x0], $0xffff;
	_ =	sdelay $0x4  }
0x132: {  	v17 =	vadd.f32 v18, v17;
	_ =	sdelay $0x1  }
0x133: {  	v17 =	vadd.f32 v17, v16  }
0x134: {  	s8 =	sadd.s32 $0xFFFFFFFE, s14  }
0x135: {  	s20 =	sand.u32 $0xF0, s8;
	[tilespmem:s13+$0xFFFFFFB0] =	vst v17  }
0x136: {  	v17 =	vld [tilespmem:s20+$0x200];
	_ =	sdelay $0x1  }
0x137: {  	v18 =	vld [tilespmem:s20+$0x400]  }
0x138: {  	s8 =	sand.u32 $0xD, s8  }
0x139: {  	v19 =	vmov s8  }
0x13a: {  	vm4 =	veq.s32 v19, v0;
	v17 =	vxor.u32 $0x80000000, v17  }
0x13b: {  	v17 =	vnsel vm4, $0x80000000, v17  }
0x13c: {  	(xrf0) =	vmax.scan.msk.u32 $0xffff, v17;
	v17 =	vxor.u32 $0x80000000, v18  }
0x13d: {  	v17 =	vnsel vm4, $0x80000000, v17  }
0x13e: {  	(xrf0) =	vmax.scan.msk.u32 $0xffff, v17;
	_ =	sdelay $0x3  }
0x13f: {  	v17, _, _ =	vpop (xrf0)  }
0x140: {  	(v2sf) =	vpush v17, $0xF  }
0x141: {  	v17, _, _ =	vpop (xrf0)  }
0x142: {  	(v2sf) =	vpush v17, $0xF;
	_ =	sdelay $0xc  }
0x143: {  	s9 =	spop (v2sf)  }
0x144: {  	s20 =	sand.u32 $0xFFFFF80, s9  }
0x145: {  	s8 =	spop (v2sf);
	s20 =	sadd.s32 s1, s20  }
0x146: {  	[tilespmem:s24], [sflag:$0x2] =	stream.strided.gather [hbm4b:s20+s18], $0x2000, s21, s18, $0x38;
	[tilespmem:$0x1EA80] =	vst v63  }
0x147: {  	s20 =	sand.u32 $0xFFFFF80, s8  }
0x148: {  	s20 =	sadd.s32 s2, s20  }
0x149: {  	[tilespmem:s25], [sflag:$0x6] =	stream.strided.gather [hbm4b:s20+s18], $0x2000, s21, s18, $0x38;
	[tilespmem:$0x1EA80] =	vst v63  }
0x14a: {  	s19 =	sand.u32 $0x7F, s19;
	_ =	swait.ge [sflag:s16], $0x2000  }
0x14b: {  	s5 =	sand.u32 $0x7F, s5;
	v17 =	vor.u32 s19, v9;
	[sflag:s16] =	ssyncset.done $0x0  }
0x14c: {  	v18 =	vor.u32 s5, v9;
	[sflag:s16] =	ssyncadd.s32 $0xFFFFE000  }
0x14d: {  	_ =	swait.ge [sflag:s17], $0x2000  }
0x14e: {  	[sflag:s17] =	ssyncset.done $0x0  }
0x14f: {  	[sflag:s17] =	ssyncadd.s32 $0xFFFFE000  }
0x150: {  	v17 =	vld.idx.msk [tilespmem:v17+s26+$0x0], $0xffff  }
0x151: {  	v18 =	vld.idx.msk [tilespmem:v18+s28+$0x0], $0xffff;
	_ =	sdelay $0x4  }
0x152: {  	v17 =	vadd.f32 v18, v17;
	v18 =	vor.u32 s19, v10  }
0x153: {  	v19 =	vor.u32 s5, v10  }
0x154: {  	v17 =	vadd.f32 v17, v13;
	_ =	sdelay $0x1  }
0x155: {  	[tilespmem:s13+$0x0] =	vst v17  }
0x156: {  	v17 =	vld.idx.msk [tilespmem:v18+s26+$0x0], $0xffff  }
0x157: {  	v18 =	vld.idx.msk [tilespmem:v19+s28+$0x0], $0xffff;
	_ =	sdelay $0x4  }
0x158: {  	v17 =	vadd.f32 v18, v17;
	v18 =	vor.u32 s19, v11  }
0x159: {  	v19 =	vor.u32 s5, v11  }
0x15a: {  	v17 =	vadd.f32 v17, v14;
	_ =	sdelay $0x1  }
0x15b: {  	[tilespmem:s13+$0x10] =	vst v17  }
0x15c: {  	v17 =	vld.idx.msk [tilespmem:v18+s26+$0x0], $0xffff  }
0x15d: {  	v18 =	vld.idx.msk [tilespmem:v19+s28+$0x0], $0xffff;
	_ =	sdelay $0x4  }
0x15e: {  	v17 =	vadd.f32 v18, v17;
	v18 =	vor.u32 s19, v12  }
0x15f: {  	v19 =	vor.u32 s5, v12  }
0x160: {  	v17 =	vadd.f32 v17, v15;
	_ =	sdelay $0x1  }
0x161: {  	[tilespmem:s13+$0x20] =	vst v17  }
0x162: {  	v17 =	vld.idx.msk [tilespmem:v18+s26+$0x0], $0xffff  }
0x163: {  	v18 =	vld.idx.msk [tilespmem:v19+s28+$0x0], $0xffff;
	_ =	sdelay $0x4  }
0x164: {  	v17 =	vadd.f32 v18, v17;
	_ =	sdelay $0x1  }
0x165: {  	v17 =	vadd.f32 v17, v16  }
0x166: {  	s5 =	sadd.s32 $0xFFFFFFFF, s14  }
0x167: {  	s20 =	sand.u32 $0xF0, s5;
	[tilespmem:s13+$0x30] =	vst v17  }
0x168: {  	v17 =	vld [tilespmem:s20+$0x200];
	_ =	sdelay $0x1  }
0x169: {  	v18 =	vld [tilespmem:s20+$0x400]  }
0x16a: {  	s5 =	sand.u32 $0xE, s5  }
0x16b: {  	v19 =	vmov s5  }
0x16c: {  	vm4 =	veq.s32 v19, v0;
	v17 =	vxor.u32 $0x80000000, v17  }
0x16d: {  	v17 =	vnsel vm4, $0x80000000, v17  }
0x16e: {  	(xrf0) =	vmax.scan.msk.u32 $0xffff, v17;
	v17 =	vxor.u32 $0x80000000, v18  }
0x16f: {  	v17 =	vnsel vm4, $0x80000000, v17  }
0x170: {  	(xrf0) =	vmax.scan.msk.u32 $0xffff, v17;
	_ =	sdelay $0x3  }
0x171: {  	v17, _, _ =	vpop (xrf0)  }
0x172: {  	(v2sf) =	vpush v17, $0xF  }
0x173: {  	v17, _, _ =	vpop (xrf0)  }
0x174: {  	(v2sf) =	vpush v17, $0xF;
	_ =	sdelay $0xc  }
0x175: {  	s19 =	spop (v2sf)  }
0x176: {  	s20 =	sand.u32 $0xFFFFF80, s19  }
0x177: {  	s5 =	spop (v2sf);
	s20 =	sadd.s32 s1, s20  }
0x178: {  	[tilespmem:s26], [sflag:$0x3] =	stream.strided.gather [hbm4b:s20+s18], $0x2000, s21, s18, $0x38;
	[tilespmem:$0x1EA80] =	vst v63  }
0x179: {  	s20 =	sand.u32 $0xFFFFF80, s5  }
0x17a: {  	s20 =	sadd.s32 s2, s20  }
0x17b: {  	[tilespmem:s28], [sflag:$0x7] =	stream.strided.gather [hbm4b:s20+s18], $0x2000, s21, s18, $0x38;
	[tilespmem:$0x1EA80] =	vst v63  }
0x17c: {  	s10 =	sand.u32 $0x7F, s10;
	_ =	swait.ge [sflag:s6], $0x2000  }
0x17d: {  	s15 =	sand.u32 $0x7F, s15;
	v17 =	vor.u32 s10, v9;
	[sflag:s6] =	ssyncset.done $0x0  }
0x17e: {  	v18 =	vor.u32 s15, v9;
	[sflag:s6] =	ssyncadd.s32 $0xFFFFE000  }
0x17f: {  	_ =	swait.ge [sflag:s7], $0x2000  }
0x180: {  	[sflag:s7] =	ssyncset.done $0x0  }
0x181: {  	[sflag:s7] =	ssyncadd.s32 $0xFFFFE000  }
0x182: {  	v17 =	vld.idx.msk [tilespmem:v17+s29+$0x0], $0xffff  }
0x183: {  	v18 =	vld.idx.msk [tilespmem:v18+s30+$0x0], $0xffff;
	_ =	sdelay $0x4  }
0x184: {  	v17 =	vadd.f32 v18, v17;
	v18 =	vor.u32 s10, v10  }
0x185: {  	v19 =	vor.u32 s15, v10  }
0x186: {  	v17 =	vadd.f32 v17, v13;
	_ =	sdelay $0x1  }
0x187: {  	[tilespmem:s13+$0x80] =	vst v17  }
0x188: {  	v17 =	vld.idx.msk [tilespmem:v18+s29+$0x0], $0xffff  }
0x189: {  	v18 =	vld.idx.msk [tilespmem:v19+s30+$0x0], $0xffff;
	_ =	sdelay $0x4  }
0x18a: {  	v17 =	vadd.f32 v18, v17;
	v18 =	vor.u32 s10, v11  }
0x18b: {  	v19 =	vor.u32 s15, v11  }
0x18c: {  	v17 =	vadd.f32 v17, v14;
	_ =	sdelay $0x1  }
0x18d: {  	[tilespmem:s13+$0x90] =	vst v17  }
0x18e: {  	v17 =	vld.idx.msk [tilespmem:v18+s29+$0x0], $0xffff  }
0x18f: {  	v18 =	vld.idx.msk [tilespmem:v19+s30+$0x0], $0xffff;
	_ =	sdelay $0x4  }
0x190: {  	v17 =	vadd.f32 v18, v17;
	v18 =	vor.u32 s10, v12  }
0x191: {  	v19 =	vor.u32 s15, v12  }
0x192: {  	v17 =	vadd.f32 v17, v15;
	_ =	sdelay $0x1  }
0x193: {  	[tilespmem:s13+$0xA0] =	vst v17  }
0x194: {  	v17 =	vld.idx.msk [tilespmem:v18+s29+$0x0], $0xffff  }
0x195: {  	v18 =	vld.idx.msk [tilespmem:v19+s30+$0x0], $0xffff;
	_ =	sdelay $0x4  }
0x196: {  	v17 =	vadd.f32 v18, v17;
	_ =	sdelay $0x1  }
0x197: {  	v17 =	vadd.f32 v17, v16;
	_ =	sdelay $0x1  }
0x198: {  	s15 =	sand.u32 $0xF0, s14;
	[tilespmem:s13+$0xB0] =	vst v17  }
0x199: {  	v17 =	vld [tilespmem:s15+$0x200];
	_ =	sdelay $0x1  }
0x19a: {  	v18 =	vld [tilespmem:s15+$0x400]  }
0x19b: {  	s20 =	sand.u32 $0xF, s14  }
0x19c: {  	v19 =	vmov s20  }
0x19d: {  	vm4 =	veq.s32 v19, v0;
	v17 =	vxor.u32 $0x80000000, v17  }
0x19e: {  	v17 =	vnsel vm4, $0x80000000, v17  }
0x19f: {  	(xrf0) =	vmax.scan.msk.u32 $0xffff, v17;
	v17 =	vxor.u32 $0x80000000, v18  }
0x1a0: {  	v17 =	vnsel vm4, $0x80000000, v17  }
0x1a1: {  	(xrf0) =	vmax.scan.msk.u32 $0xffff, v17;
	_ =	sdelay $0x3  }
0x1a2: {  	v17, _, _ =	vpop (xrf0)  }
0x1a3: {  	(v2sf) =	vpush v17, $0xF  }
0x1a4: {  	v17, _, _ =	vpop (xrf0)  }
0x1a5: {  	(v2sf) =	vpush v17, $0xF;
	_ =	sdelay $0xc  }
0x1a6: {  	s10 =	spop (v2sf)  }
0x1a7: {  	p0 =	sne.s32 s14, $0x103;
	s20 =	sand.u32 $0xFFFFF80, s10  }
.Ltmp0:
0x1a8: {  	s15 =	spop (v2sf);
	s20 =	sadd.s32 s1, s20;
	(pc) =	sbr.rel @p0 .LBB2_2-.Ltmp0, $4  }
0x1a9: {  	[tilespmem:s29], [sflag:$0x4] =	stream.strided.gather [hbm4b:s20+s18], $0x2000, s21, s18, $0x38;
	[tilespmem:$0x1EA80] =	vst v63  }
0x1aa: {  	s20 =	sand.u32 $0xFFFFF80, s15  }
0x1ab: {  	s14 =	sadd.s32 $0x4, s14;
	s13 =	sadd.s32 $0x200, s13;
	s20 =	sadd.s32 s2, s20  }
0x1ac: {  	[tilespmem:s30], [sflag:$0x8] =	stream.strided.gather [hbm4b:s20+s18], $0x2000, s21, s18, $0x38;
	[tilespmem:$0x1EA80] =	vst v63  }
0x1ad: {  	_ =	swait.ge [sflag:s31], $0x2000  }
0x1ae: {  	[sflag:s31] =	ssyncset.done $0x0  }
0x1af: {  	[sflag:s31] =	ssyncadd.s32 $0xFFFFE000  }
0x1b0: {  	_ =	swait.ge [sflag:s0], $0x2000  }
0x1b1: {  	[sflag:s0] =	ssyncset.done $0x0  }
0x1b2: {  	[sflag:s0] =	ssyncadd.s32 $0xFFFFE000  }
0x1b3: {  	_ =	swait.ge [sflag:s3], $0x2000  }
0x1b4: {  	[sflag:s3] =	ssyncset.done $0x0  }
0x1b5: {  	[sflag:s3] =	ssyncadd.s32 $0xFFFFE000  }
0x1b6: {  	_ =	swait.ge [sflag:s4], $0x2000  }
0x1b7: {  	[sflag:s4] =	ssyncset.done $0x0  }
0x1b8: {  	[sflag:s4] =	ssyncadd.s32 $0xFFFFE000  }
0x1b9: {  	_ =	swait.ge [sflag:s16], $0x2000  }
0x1ba: {  	[sflag:s16] =	ssyncset.done $0x0  }
0x1bb: {  	s11 =	simm.s32 $0x7;
	[sflag:s16] =	ssyncadd.s32 $0xFFFFE000  }
0x1bc: {  	_ =	swait.ge [sflag:s11], $0x2000  }
0x1bd: {  	[sflag:s11] =	ssyncset.done $0x0  }
0x1be: {  	[sflag:s11] =	ssyncadd.s32 $0xFFFFE000  }
0x1bf: {  	_ =	swait.ge [sflag:s6], $0x2000  }
0x1c0: {  	[sflag:s6] =	ssyncset.done $0x0  }
0x1c1: {  	[sflag:s6] =	ssyncadd.s32 $0xFFFFE000  }
0x1c2: {  	_ =	swait.ge [sflag:s7], $0x2000  }
0x1c3: {  	s5 =	simm.s32 $0x0;
	s9 =	simm.s32 $0x6A80;
	[sflag:s7] =	ssyncset.done $0x0  }
0x1c4: {  	s20 =	simm.s32 $0x9;
	s8 =	rddreg [dreg:$0xe];
	[sflag:s7] =	ssyncadd.s32 $0xFFFFE000  }
0x1c5: {  	[hbm4b:s8+s5] =	stream.linear.scatter [tilespmem:s9], [sflag:$0x9], $0x8000, $0x38;
	[tilespmem:$0x1EA80] =	vst v63  }
0x1c6: {  	_ =	swait.ge [sflag:s20], $0x8000  }
0x1c7: {  	[sflag:s20] =	ssyncset.done $0x0  }
0x1c8: {  	[sflag:s20] =	ssyncadd.s32 $0xFFFF8000  }
0x1c9: {  	v17 =	vld [tilespmem:$0x300];
	_ =	sdelay $0x1  }
0x1ca: {  	v18 =	vld [tilespmem:$0x500];
	_ =	sdelay $0x2  }
0x1cb: {  	v17 =	vnsel vm0, $0x0, v17  }
0x1cc: {  	v17 =	vxor.u32 $0x80000000, v17  }
0x1cd: {  	(xrf0) =	vmax.scan.msk.u32 $0xffff, v17;
	v17 =	vnsel vm0, $0x0, v18  }
0x1ce: {  	v17 =	vxor.u32 $0x80000000, v17  }
0x1cf: {  	(xrf0) =	vmax.scan.msk.u32 $0xffff, v17;
	_ =	sdelay $0x3  }
0x1d0: {  	v17, _, _ =	vpop (xrf0)  }
0x1d1: {  	(v2sf) =	vpush v17, $0xF  }
0x1d2: {  	v17, _, _ =	vpop (xrf0)  }
0x1d3: {  	(v2sf) =	vpush v17, $0xF;
	_ =	sdelay $0xc  }
0x1d4: {  	s12 =	spop (v2sf)  }
0x1d5: {  	s8 =	sand.u32 $0xFFFFF80, s12  }
0x1d6: {  	s13 =	spop (v2sf);
	s5 =	sadd.s32 s1, s8  }
0x1d7: {  	[tilespmem:s22], [sflag:$0x1] =	stream.strided.gather [hbm4b:s5+s18], $0x2000, s21, s18, $0x38;
	[tilespmem:$0x1EA80] =	vst v63  }
0x1d8: {  	s9 =	sand.u32 $0xFFFFF80, s13  }
0x1d9: {  	s5 =	sadd.s32 s2, s9  }
0x1da: {  	[tilespmem:s23], [sflag:$0x5] =	stream.strided.gather [hbm4b:s5+s18], $0x2000, s21, s18, $0x38;
	[tilespmem:$0x1EA80] =	vst v63  }
0x1db: {  	v17 =	vld [tilespmem:$0x300];
	_ =	sdelay $0x1  }
0x1dc: {  	v18 =	vld [tilespmem:$0x500];
	_ =	sdelay $0x2  }
0x1dd: {  	v17 =	vsel vm1, $0x0, v17  }
0x1de: {  	v17 =	vxor.u32 $0x80000000, v17  }
0x1df: {  	(xrf0) =	vmax.scan.msk.u32 $0xffff, v17;
	v17 =	vsel vm1, $0x0, v18  }
0x1e0: {  	v17 =	vxor.u32 $0x80000000, v17  }
0x1e1: {  	(xrf0) =	vmax.scan.msk.u32 $0xffff, v17;
	_ =	sdelay $0x3  }
0x1e2: {  	v17, _, _ =	vpop (xrf0)  }
0x1e3: {  	(v2sf) =	vpush v17, $0xF  }
0x1e4: {  	v17, _, _ =	vpop (xrf0)  }
0x1e5: {  	(v2sf) =	vpush v17, $0xF;
	_ =	sdelay $0xc  }
0x1e6: {  	s9 =	spop (v2sf)  }
0x1e7: {  	s10 =	sand.u32 $0xFFFFF80, s9  }
0x1e8: {  	s8 =	spop (v2sf);
	s5 =	sadd.s32 s1, s10  }
0x1e9: {  	[tilespmem:s24], [sflag:$0x2] =	stream.strided.gather [hbm4b:s5+s18], $0x2000, s21, s18, $0x38;
	[tilespmem:$0x1EA80] =	vst v63  }
0x1ea: {  	s14 =	sand.u32 $0xFFFFF80, s8  }
0x1eb: {  	s5 =	sadd.s32 s2, s14  }
0x1ec: {  	[tilespmem:s25], [sflag:$0x6] =	stream.strided.gather [hbm4b:s5+s18], $0x2000, s21, s18, $0x38;
	[tilespmem:$0x1EA80] =	vst v63  }
0x1ed: {  	v17 =	vld [tilespmem:$0x300];
	_ =	sdelay $0x1  }
0x1ee: {  	v18 =	vld [tilespmem:$0x500];
	_ =	sdelay $0x2  }
0x1ef: {  	v17 =	vsel vm2, $0x0, v17  }
0x1f0: {  	v17 =	vxor.u32 $0x80000000, v17  }
0x1f1: {  	(xrf0) =	vmax.scan.msk.u32 $0xffff, v17;
	v17 =	vsel vm2, $0x0, v18  }
0x1f2: {  	v17 =	vxor.u32 $0x80000000, v17  }
0x1f3: {  	(xrf0) =	vmax.scan.msk.u32 $0xffff, v17;
	_ =	sdelay $0x3  }
0x1f4: {  	v17, _, _ =	vpop (xrf0)  }
0x1f5: {  	(v2sf) =	vpush v17, $0xF  }
0x1f6: {  	v17, _, _ =	vpop (xrf0)  }
0x1f7: {  	(v2sf) =	vpush v17, $0xF;
	_ =	sdelay $0xc  }
0x1f8: {  	s19 =	spop (v2sf)  }
0x1f9: {  	s10 =	sand.u32 $0xFFFFF80, s19  }
0x1fa: {  	s5 =	spop (v2sf);
	s10 =	sadd.s32 s1, s10  }
0x1fb: {  	[tilespmem:s26], [sflag:$0x3] =	stream.strided.gather [hbm4b:s10+s18], $0x2000, s21, s18, $0x38;
	[tilespmem:$0x1EA80] =	vst v63  }
0x1fc: {  	s15 =	sand.u32 $0xFFFFF80, s5  }
0x1fd: {  	s10 =	sadd.s32 s2, s15  }
0x1fe: {  	[tilespmem:s28], [sflag:$0x7] =	stream.strided.gather [hbm4b:s10+s18], $0x2000, s21, s18, $0x38;
	[tilespmem:$0x1EA80] =	vst v63  }
0x1ff: {  	v17 =	vld [tilespmem:$0x300];
	_ =	sdelay $0x1  }
0x200: {  	v18 =	vld [tilespmem:$0x500];
	_ =	sdelay $0x2  }
0x201: {  	v17 =	vsel vm3, $0x0, v17  }
0x202: {  	v17 =	vxor.u32 $0x80000000, v17  }
0x203: {  	(xrf0) =	vmax.scan.msk.u32 $0xffff, v17;
	v17 =	vsel vm3, $0x0, v18  }
0x204: {  	v17 =	vxor.u32 $0x80000000, v17  }
0x205: {  	(xrf0) =	vmax.scan.msk.u32 $0xffff, v17;
	_ =	sdelay $0x3  }
0x206: {  	v17, _, _ =	vpop (xrf0)  }
0x207: {  	(v2sf) =	vpush v17, $0xF  }
0x208: {  	v17, _, _ =	vpop (xrf0)  }
0x209: {  	(v2sf) =	vpush v17, $0xF;
	_ =	sdelay $0xc  }
0x20a: {  	s10 =	spop (v2sf)  }
0x20b: {  	s14 =	sand.u32 $0xFFFFF80, s10  }
0x20c: {  	s15 =	spop (v2sf);
	s14 =	sadd.s32 s1, s14  }
0x20d: {  	[tilespmem:s29], [sflag:$0x4] =	stream.strided.gather [hbm4b:s14+s18], $0x2000, s21, s18, $0x38;
	[tilespmem:$0x1EA80] =	vst v63  }
0x20e: {  	s20 =	sand.u32 $0xFFFFF80, s15  }
0x20f: {  	s14 =	sadd.s32 s2, s20  }
0x210: {  	[tilespmem:s30], [sflag:$0x8] =	stream.strided.gather [hbm4b:s14+s18], $0x2000, s21, s18, $0x38;
	[tilespmem:$0x1EA80] =	vst v63  }
0x211: {  	s14 =	simm.s32 $0x6B80  }
.LBB2_4:
0x212: {  	s12 =	sand.u32 $0x7F, s12;
	_ =	swait.ge [sflag:s31], $0x2000  }
0x213: {  	s13 =	sand.u32 $0x7F, s13;
	[sflag:s31] =	ssyncset.done $0x0;
	v17 =	vor.u32 s12, v9  }
0x214: {  	v18 =	vor.u32 s13, v9;
	[sflag:s31] =	ssyncadd.s32 $0xFFFFE000  }
0x215: {  	_ =	swait.ge [sflag:s0], $0x2000  }
0x216: {  	[sflag:s0] =	ssyncset.done $0x0  }
0x217: {  	[sflag:s0] =	ssyncadd.s32 $0xFFFFE000  }
0x218: {  	v17 =	vld.idx.msk [tilespmem:v17+s22+$0x0], $0xffff  }
0x219: {  	v18 =	vld.idx.msk [tilespmem:v18+s23+$0x0], $0xffff;
	_ =	sdelay $0x4  }
0x21a: {  	v17 =	vadd.f32 v18, v17;
	v18 =	vor.u32 s12, v10  }
0x21b: {  	v19 =	vor.u32 s13, v10  }
0x21c: {  	v17 =	vadd.f32 v17, v13;
	_ =	sdelay $0x1  }
0x21d: {  	[tilespmem:s14+$0xFFFFFF00] =	vst v17  }
0x21e: {  	v17 =	vld.idx.msk [tilespmem:v18+s22+$0x0], $0xffff  }
0x21f: {  	v18 =	vld.idx.msk [tilespmem:v19+s23+$0x0], $0xffff;
	_ =	sdelay $0x4  }
0x220: {  	v17 =	vadd.f32 v18, v17;
	v18 =	vor.u32 s12, v11  }
0x221: {  	v19 =	vor.u32 s13, v11  }
0x222: {  	v17 =	vadd.f32 v17, v14;
	_ =	sdelay $0x1  }
0x223: {  	[tilespmem:s14+$0xFFFFFF10] =	vst v17  }
0x224: {  	v17 =	vld.idx.msk [tilespmem:v18+s22+$0x0], $0xffff  }
0x225: {  	v18 =	vld.idx.msk [tilespmem:v19+s23+$0x0], $0xffff;
	_ =	sdelay $0x4  }
0x226: {  	v17 =	vadd.f32 v18, v17;
	v18 =	vor.u32 s12, v12  }
0x227: {  	v19 =	vor.u32 s13, v12  }
0x228: {  	v17 =	vadd.f32 v17, v15;
	_ =	sdelay $0x1  }
0x229: {  	[tilespmem:s14+$0xFFFFFF20] =	vst v17  }
0x22a: {  	v17 =	vld.idx.msk [tilespmem:v18+s22+$0x0], $0xffff  }
0x22b: {  	v18 =	vld.idx.msk [tilespmem:v19+s23+$0x0], $0xffff;
	_ =	sdelay $0x4  }
0x22c: {  	v17 =	vadd.f32 v18, v17;
	_ =	sdelay $0x1  }
0x22d: {  	v17 =	vadd.f32 v17, v16  }
0x22e: {  	s12 =	sadd.s32 $0xFFFFFFFD, s11  }
0x22f: {  	s20 =	sand.u32 $0xF0, s12;
	[tilespmem:s14+$0xFFFFFF30] =	vst v17  }
0x230: {  	v17 =	vld [tilespmem:s20+$0x300];
	_ =	sdelay $0x1  }
0x231: {  	v18 =	vld [tilespmem:s20+$0x500]  }
0x232: {  	s12 =	sand.u32 $0xC, s12  }
0x233: {  	v19 =	vmov s12  }
0x234: {  	vm4 =	veq.s32 v19, v0;
	v17 =	vxor.u32 $0x80000000, v17  }
0x235: {  	v17 =	vnsel vm4, $0x80000000, v17  }
0x236: {  	(xrf0) =	vmax.scan.msk.u32 $0xffff, v17;
	v17 =	vxor.u32 $0x80000000, v18  }
0x237: {  	v17 =	vnsel vm4, $0x80000000, v17  }
0x238: {  	(xrf0) =	vmax.scan.msk.u32 $0xffff, v17;
	_ =	sdelay $0x3  }
0x239: {  	v17, _, _ =	vpop (xrf0)  }
0x23a: {  	(v2sf) =	vpush v17, $0xF  }
0x23b: {  	v17, _, _ =	vpop (xrf0)  }
0x23c: {  	(v2sf) =	vpush v17, $0xF;
	_ =	sdelay $0xc  }
0x23d: {  	s12 =	spop (v2sf)  }
0x23e: {  	s20 =	sand.u32 $0xFFFFF80, s12  }
0x23f: {  	s13 =	spop (v2sf);
	s20 =	sadd.s32 s1, s20  }
0x240: {  	[tilespmem:s22], [sflag:$0x1] =	stream.strided.gather [hbm4b:s20+s18], $0x2000, s21, s18, $0x38;
	[tilespmem:$0x1EA80] =	vst v63  }
0x241: {  	s20 =	sand.u32 $0xFFFFF80, s13  }
0x242: {  	s20 =	sadd.s32 s2, s20  }
0x243: {  	[tilespmem:s23], [sflag:$0x5] =	stream.strided.gather [hbm4b:s20+s18], $0x2000, s21, s18, $0x38;
	[tilespmem:$0x1EA80] =	vst v63  }
0x244: {  	s9 =	sand.u32 $0x7F, s9;
	_ =	swait.ge [sflag:s3], $0x2000  }
0x245: {  	s8 =	sand.u32 $0x7F, s8;
	v17 =	vor.u32 s9, v9;
	[sflag:s3] =	ssyncset.done $0x0  }
0x246: {  	v18 =	vor.u32 s8, v9;
	[sflag:s3] =	ssyncadd.s32 $0xFFFFE000  }
0x247: {  	_ =	swait.ge [sflag:s4], $0x2000  }
0x248: {  	[sflag:s4] =	ssyncset.done $0x0  }
0x249: {  	[sflag:s4] =	ssyncadd.s32 $0xFFFFE000  }
0x24a: {  	v17 =	vld.idx.msk [tilespmem:v17+s24+$0x0], $0xffff  }
0x24b: {  	v18 =	vld.idx.msk [tilespmem:v18+s25+$0x0], $0xffff;
	_ =	sdelay $0x4  }
0x24c: {  	v17 =	vadd.f32 v18, v17;
	v18 =	vor.u32 s9, v10  }
0x24d: {  	v19 =	vor.u32 s8, v10  }
0x24e: {  	v17 =	vadd.f32 v17, v13;
	_ =	sdelay $0x1  }
0x24f: {  	[tilespmem:s14+$0xFFFFFF80] =	vst v17  }
0x250: {  	v17 =	vld.idx.msk [tilespmem:v18+s24+$0x0], $0xffff  }
0x251: {  	v18 =	vld.idx.msk [tilespmem:v19+s25+$0x0], $0xffff;
	_ =	sdelay $0x4  }
0x252: {  	v17 =	vadd.f32 v18, v17;
	v18 =	vor.u32 s9, v11  }
0x253: {  	v19 =	vor.u32 s8, v11  }
0x254: {  	v17 =	vadd.f32 v17, v14;
	_ =	sdelay $0x1  }
0x255: {  	[tilespmem:s14+$0xFFFFFF90] =	vst v17  }
0x256: {  	v17 =	vld.idx.msk [tilespmem:v18+s24+$0x0], $0xffff  }
0x257: {  	v18 =	vld.idx.msk [tilespmem:v19+s25+$0x0], $0xffff;
	_ =	sdelay $0x4  }
0x258: {  	v17 =	vadd.f32 v18, v17;
	v18 =	vor.u32 s9, v12  }
0x259: {  	v19 =	vor.u32 s8, v12  }
0x25a: {  	v17 =	vadd.f32 v17, v15;
	_ =	sdelay $0x1  }
0x25b: {  	[tilespmem:s14+$0xFFFFFFA0] =	vst v17  }
0x25c: {  	v17 =	vld.idx.msk [tilespmem:v18+s24+$0x0], $0xffff  }
0x25d: {  	v18 =	vld.idx.msk [tilespmem:v19+s25+$0x0], $0xffff;
	_ =	sdelay $0x4  }
0x25e: {  	v17 =	vadd.f32 v18, v17;
	_ =	sdelay $0x1  }
0x25f: {  	v17 =	vadd.f32 v17, v16  }
0x260: {  	s8 =	sadd.s32 $0xFFFFFFFE, s11  }
0x261: {  	s20 =	sand.u32 $0xF0, s8;
	[tilespmem:s14+$0xFFFFFFB0] =	vst v17  }
0x262: {  	v17 =	vld [tilespmem:s20+$0x300];
	_ =	sdelay $0x1  }
0x263: {  	v18 =	vld [tilespmem:s20+$0x500]  }
0x264: {  	s8 =	sand.u32 $0xD, s8  }
0x265: {  	v19 =	vmov s8  }
0x266: {  	vm4 =	veq.s32 v19, v0;
	v17 =	vxor.u32 $0x80000000, v17  }
0x267: {  	v17 =	vnsel vm4, $0x80000000, v17  }
0x268: {  	(xrf0) =	vmax.scan.msk.u32 $0xffff, v17;
	v17 =	vxor.u32 $0x80000000, v18  }
0x269: {  	v17 =	vnsel vm4, $0x80000000, v17  }
0x26a: {  	(xrf0) =	vmax.scan.msk.u32 $0xffff, v17;
	_ =	sdelay $0x3  }
0x26b: {  	v17, _, _ =	vpop (xrf0)  }
0x26c: {  	(v2sf) =	vpush v17, $0xF  }
0x26d: {  	v17, _, _ =	vpop (xrf0)  }
0x26e: {  	(v2sf) =	vpush v17, $0xF;
	_ =	sdelay $0xc  }
0x26f: {  	s9 =	spop (v2sf)  }
0x270: {  	s20 =	sand.u32 $0xFFFFF80, s9  }
0x271: {  	s8 =	spop (v2sf);
	s20 =	sadd.s32 s1, s20  }
0x272: {  	[tilespmem:s24], [sflag:$0x2] =	stream.strided.gather [hbm4b:s20+s18], $0x2000, s21, s18, $0x38;
	[tilespmem:$0x1EA80] =	vst v63  }
0x273: {  	s20 =	sand.u32 $0xFFFFF80, s8  }
0x274: {  	s20 =	sadd.s32 s2, s20  }
0x275: {  	[tilespmem:s25], [sflag:$0x6] =	stream.strided.gather [hbm4b:s20+s18], $0x2000, s21, s18, $0x38;
	[tilespmem:$0x1EA80] =	vst v63  }
0x276: {  	s19 =	sand.u32 $0x7F, s19;
	_ =	swait.ge [sflag:s16], $0x2000  }
0x277: {  	s5 =	sand.u32 $0x7F, s5;
	v17 =	vor.u32 s19, v9;
	[sflag:s16] =	ssyncset.done $0x0  }
0x278: {  	v18 =	vor.u32 s5, v9;
	[sflag:s16] =	ssyncadd.s32 $0xFFFFE000  }
0x279: {  	_ =	swait.ge [sflag:s17], $0x2000  }
0x27a: {  	[sflag:s17] =	ssyncset.done $0x0  }
0x27b: {  	[sflag:s17] =	ssyncadd.s32 $0xFFFFE000  }
0x27c: {  	v17 =	vld.idx.msk [tilespmem:v17+s26+$0x0], $0xffff  }
0x27d: {  	v18 =	vld.idx.msk [tilespmem:v18+s28+$0x0], $0xffff;
	_ =	sdelay $0x4  }
0x27e: {  	v17 =	vadd.f32 v18, v17;
	v18 =	vor.u32 s19, v10  }
0x27f: {  	v19 =	vor.u32 s5, v10  }
0x280: {  	v17 =	vadd.f32 v17, v13;
	_ =	sdelay $0x1  }
0x281: {  	[tilespmem:s14+$0x0] =	vst v17  }
0x282: {  	v17 =	vld.idx.msk [tilespmem:v18+s26+$0x0], $0xffff  }
0x283: {  	v18 =	vld.idx.msk [tilespmem:v19+s28+$0x0], $0xffff;
	_ =	sdelay $0x4  }
0x284: {  	v17 =	vadd.f32 v18, v17;
	v18 =	vor.u32 s19, v11  }
0x285: {  	v19 =	vor.u32 s5, v11  }
0x286: {  	v17 =	vadd.f32 v17, v14;
	_ =	sdelay $0x1  }
0x287: {  	[tilespmem:s14+$0x10] =	vst v17  }
0x288: {  	v17 =	vld.idx.msk [tilespmem:v18+s26+$0x0], $0xffff  }
0x289: {  	v18 =	vld.idx.msk [tilespmem:v19+s28+$0x0], $0xffff;
	_ =	sdelay $0x4  }
0x28a: {  	v17 =	vadd.f32 v18, v17;
	v18 =	vor.u32 s19, v12  }
0x28b: {  	v19 =	vor.u32 s5, v12  }
0x28c: {  	v17 =	vadd.f32 v17, v15;
	_ =	sdelay $0x1  }
0x28d: {  	[tilespmem:s14+$0x20] =	vst v17  }
0x28e: {  	v17 =	vld.idx.msk [tilespmem:v18+s26+$0x0], $0xffff  }
0x28f: {  	v18 =	vld.idx.msk [tilespmem:v19+s28+$0x0], $0xffff;
	_ =	sdelay $0x4  }
0x290: {  	v17 =	vadd.f32 v18, v17;
	_ =	sdelay $0x1  }
0x291: {  	v17 =	vadd.f32 v17, v16  }
0x292: {  	s5 =	sadd.s32 $0xFFFFFFFF, s11  }
0x293: {  	s20 =	sand.u32 $0xF0, s5;
	[tilespmem:s14+$0x30] =	vst v17  }
0x294: {  	v17 =	vld [tilespmem:s20+$0x300];
	_ =	sdelay $0x1  }
0x295: {  	v18 =	vld [tilespmem:s20+$0x500]  }
0x296: {  	s5 =	sand.u32 $0xE, s5  }
0x297: {  	v19 =	vmov s5  }
0x298: {  	vm4 =	veq.s32 v19, v0;
	v17 =	vxor.u32 $0x80000000, v17  }
0x299: {  	v17 =	vnsel vm4, $0x80000000, v17  }
0x29a: {  	(xrf0) =	vmax.scan.msk.u32 $0xffff, v17;
	v17 =	vxor.u32 $0x80000000, v18  }
0x29b: {  	v17 =	vnsel vm4, $0x80000000, v17  }
0x29c: {  	(xrf0) =	vmax.scan.msk.u32 $0xffff, v17;
	_ =	sdelay $0x3  }
0x29d: {  	v17, _, _ =	vpop (xrf0)  }
0x29e: {  	(v2sf) =	vpush v17, $0xF  }
0x29f: {  	v17, _, _ =	vpop (xrf0)  }
0x2a0: {  	(v2sf) =	vpush v17, $0xF;
	_ =	sdelay $0xc  }
0x2a1: {  	s19 =	spop (v2sf)  }
0x2a2: {  	s20 =	sand.u32 $0xFFFFF80, s19  }
0x2a3: {  	s5 =	spop (v2sf);
	s20 =	sadd.s32 s1, s20  }
0x2a4: {  	[tilespmem:s26], [sflag:$0x3] =	stream.strided.gather [hbm4b:s20+s18], $0x2000, s21, s18, $0x38;
	[tilespmem:$0x1EA80] =	vst v63  }
0x2a5: {  	s20 =	sand.u32 $0xFFFFF80, s5  }
0x2a6: {  	s20 =	sadd.s32 s2, s20  }
0x2a7: {  	[tilespmem:s28], [sflag:$0x7] =	stream.strided.gather [hbm4b:s20+s18], $0x2000, s21, s18, $0x38;
	[tilespmem:$0x1EA80] =	vst v63  }
0x2a8: {  	s10 =	sand.u32 $0x7F, s10;
	_ =	swait.ge [sflag:s6], $0x2000  }
0x2a9: {  	s15 =	sand.u32 $0x7F, s15;
	v17 =	vor.u32 s10, v9;
	[sflag:s6] =	ssyncset.done $0x0  }
0x2aa: {  	v18 =	vor.u32 s15, v9;
	[sflag:s6] =	ssyncadd.s32 $0xFFFFE000  }
0x2ab: {  	_ =	swait.ge [sflag:s7], $0x2000  }
0x2ac: {  	[sflag:s7] =	ssyncset.done $0x0  }
0x2ad: {  	[sflag:s7] =	ssyncadd.s32 $0xFFFFE000  }
0x2ae: {  	v17 =	vld.idx.msk [tilespmem:v17+s29+$0x0], $0xffff  }
0x2af: {  	v18 =	vld.idx.msk [tilespmem:v18+s30+$0x0], $0xffff;
	_ =	sdelay $0x4  }
0x2b0: {  	v17 =	vadd.f32 v18, v17;
	v18 =	vor.u32 s10, v10  }
0x2b1: {  	v19 =	vor.u32 s15, v10  }
0x2b2: {  	v17 =	vadd.f32 v17, v13;
	_ =	sdelay $0x1  }
0x2b3: {  	[tilespmem:s14+$0x80] =	vst v17  }
0x2b4: {  	v17 =	vld.idx.msk [tilespmem:v18+s29+$0x0], $0xffff  }
0x2b5: {  	v18 =	vld.idx.msk [tilespmem:v19+s30+$0x0], $0xffff;
	_ =	sdelay $0x4  }
0x2b6: {  	v17 =	vadd.f32 v18, v17;
	v18 =	vor.u32 s10, v11  }
0x2b7: {  	v19 =	vor.u32 s15, v11  }
0x2b8: {  	v17 =	vadd.f32 v17, v14;
	_ =	sdelay $0x1  }
0x2b9: {  	[tilespmem:s14+$0x90] =	vst v17  }
0x2ba: {  	v17 =	vld.idx.msk [tilespmem:v18+s29+$0x0], $0xffff  }
0x2bb: {  	v18 =	vld.idx.msk [tilespmem:v19+s30+$0x0], $0xffff;
	_ =	sdelay $0x4  }
0x2bc: {  	v17 =	vadd.f32 v18, v17;
	v18 =	vor.u32 s10, v12  }
0x2bd: {  	v19 =	vor.u32 s15, v12  }
0x2be: {  	v17 =	vadd.f32 v17, v15;
	_ =	sdelay $0x1  }
0x2bf: {  	[tilespmem:s14+$0xA0] =	vst v17  }
0x2c0: {  	v17 =	vld.idx.msk [tilespmem:v18+s29+$0x0], $0xffff  }
0x2c1: {  	v18 =	vld.idx.msk [tilespmem:v19+s30+$0x0], $0xffff;
	_ =	sdelay $0x4  }
0x2c2: {  	v17 =	vadd.f32 v18, v17;
	_ =	sdelay $0x1  }
0x2c3: {  	v17 =	vadd.f32 v17, v16;
	_ =	sdelay $0x1  }
0x2c4: {  	s15 =	sand.u32 $0xF0, s11;
	[tilespmem:s14+$0xB0] =	vst v17  }
0x2c5: {  	v17 =	vld [tilespmem:s15+$0x300];
	_ =	sdelay $0x1  }
0x2c6: {  	v18 =	vld [tilespmem:s15+$0x500]  }
0x2c7: {  	s20 =	sand.u32 $0xF, s11  }
0x2c8: {  	v19 =	vmov s20  }
0x2c9: {  	vm4 =	veq.s32 v19, v0;
	v17 =	vxor.u32 $0x80000000, v17  }
0x2ca: {  	v17 =	vnsel vm4, $0x80000000, v17  }
0x2cb: {  	(xrf0) =	vmax.scan.msk.u32 $0xffff, v17;
	v17 =	vxor.u32 $0x80000000, v18  }
0x2cc: {  	v17 =	vnsel vm4, $0x80000000, v17  }
0x2cd: {  	(xrf0) =	vmax.scan.msk.u32 $0xffff, v17;
	_ =	sdelay $0x3  }
0x2ce: {  	v17, _, _ =	vpop (xrf0)  }
0x2cf: {  	(v2sf) =	vpush v17, $0xF  }
0x2d0: {  	v17, _, _ =	vpop (xrf0)  }
0x2d1: {  	(v2sf) =	vpush v17, $0xF;
	_ =	sdelay $0xc  }
0x2d2: {  	s10 =	spop (v2sf)  }
0x2d3: {  	p0 =	sne.s32 s11, $0x103;
	s20 =	sand.u32 $0xFFFFF80, s10  }
.Ltmp1:
0x2d4: {  	s15 =	spop (v2sf);
	s20 =	sadd.s32 s1, s20;
	(pc) =	sbr.rel @p0 .LBB2_4-.Ltmp1, $4  }
0x2d5: {  	[tilespmem:s29], [sflag:$0x4] =	stream.strided.gather [hbm4b:s20+s18], $0x2000, s21, s18, $0x38;
	[tilespmem:$0x1EA80] =	vst v63  }
0x2d6: {  	s20 =	sand.u32 $0xFFFFF80, s15  }
0x2d7: {  	s11 =	sadd.s32 $0x4, s11;
	s14 =	sadd.s32 $0x200, s14;
	s20 =	sadd.s32 s2, s20  }
0x2d8: {  	[tilespmem:s30], [sflag:$0x8] =	stream.strided.gather [hbm4b:s20+s18], $0x2000, s21, s18, $0x38;
	[tilespmem:$0x1EA80] =	vst v63  }
0x2d9: {  	_ =	swait.ge [sflag:s31], $0x2000  }
0x2da: {  	[sflag:s31] =	ssyncset.done $0x0  }
0x2db: {  	[sflag:s31] =	ssyncadd.s32 $0xFFFFE000  }
0x2dc: {  	_ =	swait.ge [sflag:s0], $0x2000  }
0x2dd: {  	[sflag:s0] =	ssyncset.done $0x0  }
0x2de: {  	[sflag:s0] =	ssyncadd.s32 $0xFFFFE000  }
0x2df: {  	_ =	swait.ge [sflag:s3], $0x2000  }
0x2e0: {  	[sflag:s3] =	ssyncset.done $0x0  }
0x2e1: {  	[sflag:s3] =	ssyncadd.s32 $0xFFFFE000  }
0x2e2: {  	_ =	swait.ge [sflag:s4], $0x2000  }
0x2e3: {  	[sflag:s4] =	ssyncset.done $0x0  }
0x2e4: {  	[sflag:s4] =	ssyncadd.s32 $0xFFFFE000  }
0x2e5: {  	_ =	swait.ge [sflag:s16], $0x2000  }
0x2e6: {  	[sflag:s16] =	ssyncset.done $0x0  }
0x2e7: {  	[sflag:s16] =	ssyncadd.s32 $0xFFFFE000  }
0x2e8: {  	_ =	swait.ge [sflag:s17], $0x2000  }
0x2e9: {  	[sflag:s17] =	ssyncset.done $0x0  }
0x2ea: {  	[sflag:s17] =	ssyncadd.s32 $0xFFFFE000  }
0x2eb: {  	_ =	swait.ge [sflag:s6], $0x2000  }
0x2ec: {  	[sflag:s6] =	ssyncset.done $0x0  }
0x2ed: {  	[sflag:s6] =	ssyncadd.s32 $0xFFFFE000  }
0x2ee: {  	_ =	swait.ge [sflag:s7], $0x2000  }
0x2ef: {  	s10 =	simm.s32 $0x0;
	[sflag:s7] =	ssyncset.done $0x0  }
0x2f0: {  	s8 =	simm.s32 $0x6A80;
	s5 =	rddreg [dreg:$0xf];
	[sflag:s7] =	ssyncadd.s32 $0xFFFFE000  }
0x2f1: {  	[hbm4b:s5+s10] =	stream.linear.scatter [tilespmem:s8], [sflag:$0x9], $0x8000, $0x38;
	[tilespmem:$0x1EA80] =	vst v63  }
0x2f2: {  	s8 =	simm.s32 $0x9  }
0x2f3: {  	_ =	swait.ge [sflag:s8], $0x8000  }
0x2f4: {  	s9 =	rddreg [dreg:$0x11]  }
0x2f5: {  	s20 =	rddreg [dreg:$0x10];
	s9 =	sadd.s32 $0x1, s9  }
0x2f6: {  	p0 =	sne.s32 s9, s20  }
.Ltmp2:
0x2f7: {  	_ = 	snop;
	(pc) =	sbr.rel @p0 .LBB2_1-.Ltmp2, $3  }
0x2f8: {  	_ =	sdelay $0x1  }
0x2f9: {  	[sflag:s8] =	ssyncset.done $0x0  }
0x2fa: {  	[sflag:s8] =	ssyncadd.s32 $0xFFFF8000  }
0x2fb: {  	_ =	sfence.sel $0x180000  }
0x2fc: {  	[bflag:$0x0] =	sbarrier.arrive $0xFFFF  }
0x2fd: {  	_ =	strace $0x90000047  }
0x2fe: {  	s0 =	stileid.u32;
	[bflag:$0x2] =	sbarrier.arrive $0xFFFF  }
0x2ff: {  	p0 =	sne.s32 s0, $0x0;
	s0 =	rddreg [dreg:$0x7]  }
0x300: {  	s0 =	sadd.s32 @!p0 $0x100000, s0  }
0x301: {  	[sflag:s0] =	ssyncadd.tile.s32 @!p0 $0x1;
	_ =	shalt  }
.Lfunc_end2:
_tile_overlayer_lowered:
.L_overlay_start_2:
0x302: {  	(tag) =	ssettag $0x2  }
0x303: {  	s0 =	rddreg [dreg:$0x0];
	s2 =	stileid.u32  }
0x304: {  	s1 =	rddreg [dreg:$0x1];
	p0 =	sne.s32 s2, $0x0  }
0x305: {  	s3 =	rddreg [dreg:$0x2];
	[bflag:$0x3] =	sbarrier.arrive $0xFFFF;
	s2 =	simm.s32 @!p0 $0x1C09  }
0x306: {  	[timem:s3], [sflag:s2] =	dma.local @!p0 [hbm:s0], s1  }
0x307: {  	s0 =	simm.s32 @!p0 $0x9  }
0x308: {  	_ =	swait.ge @!p0 [sflag:s0], s1  }
0x309: {  	s1 =	ssub.s32 @!p0 $0x0, s1;
	[sflag:s0] =	ssyncset.done @!p0 $0x0  }
0x30a: {  	[sflag:s0] =	ssyncadd.s32 @!p0 s1  }
0x30b: {  	[bflag:$0x3] =	sbarrier.arrive $0xFFFF  }
0x30c: {  	_ =	shalt  }

</sc_bundles>
